<compile_context>
chip_gen: v7x
topology: tpu7x:2x2x1
jax: 0.10.2.dev20260603
libtpu: 0.0.44.dev20260713+nightly
codegen_flags: <defaults>
</compile_context>

<pallas_src>
import functools

import jax
import jax.numpy as jnp
from jax import lax
from jax.experimental import pallas as pl
from jax.experimental.pallas import tpu as pltpu
from jax.experimental.pallas import tpu_sc as plsc

_ETA = 0.5
_L = 16
_ROW = 32
_NW = 32
_TB = 128


def _swap_pairs(x):
    perm = lax.iota(jnp.int32, _L) ^ 1
    dnums = lax.GatherDimensionNumbers(
        offset_dims=(), collapsed_slice_dims=(0,), start_index_map=(0,))
    return lax.gather(x, perm[:, None], dnums, (1,),
                      mode=lax.GatherScatterMode.PROMISE_IN_BOUNDS)


def _rsqrt(s):
    i = lax.bitcast_convert_type(s, jnp.int32)
    y = lax.bitcast_convert_type(0x5F3759DF - (i >> 1), jnp.float32)
    for _ in range(3):
        y = y * (1.5 - 0.5 * s * y * y)
    return y


def _sc_body(field_hbm, idx_hbm, table_hbm, out_hbm,
             idx_v, fld_v, out_v, buf_a, buf_b, sem_a, sem_b):
    nc = 2
    wid = lax.axis_index("s") * nc + lax.axis_index("c")
    n_heads = 8
    tpw = 4

    pltpu.sync_copy(idx_hbm.at[pl.ds(wid * (tpw * n_heads), tpw * n_heads)],
                    idx_v)
    pltpu.sync_copy(field_hbm.at[:, pl.ds(wid * tpw, tpw)], fld_v)

    iota = lax.iota(jnp.int32, _L)
    d_vec = iota >> 1
    c_vec = iota & 1
    col_lo = iota
    col_hi = iota + _L

    bufs = (buf_a, buf_b)
    sems = (sem_a, sem_b)

    def fire(tloc):
        return [
            pltpu.async_copy(
                table_hbm.at[idx_v.at[tloc * n_heads + h]],
                bufs[tloc % 2].at[pl.ds(h * _TB, _TB), :], sems[tloc % 2])
            for h in range(n_heads)
        ]

    pending = fire(0)
    for tloc in range(tpw):
        for cp in pending:
            cp.wait()
        if tloc + 1 < tpw:
            pending = fire(tloc + 1)
        buf_v = bufs[tloc % 2]

        t_vec = jnp.full((_L,), tloc, jnp.int32)

        def row(l, carry, tloc=tloc, buf_v=buf_v):
            l_vec = jnp.full((_L,), 0, jnp.int32) + l
            r0 = jnp.full((_L,), 0, jnp.int32) + l
            a0 = plsc.load_gather(buf_v, [r0, col_lo])
            a1 = plsc.load_gather(buf_v, [r0, col_hi])
            for h in range(1, n_heads):
                rh = r0 + (h * _TB)
                a0 = a0 + plsc.load_gather(buf_v, [rh, col_lo])
                a1 = a1 + plsc.load_gather(buf_v, [rh, col_hi])
            f0 = plsc.load_gather(fld_v, [d_vec, t_vec, c_vec, l_vec])
            f1 = plsc.load_gather(fld_v, [d_vec + 8, t_vec, c_vec, l_vec])
            n0 = (1.0 - _ETA) * f0 + (_ETA / n_heads) * a0
            n1 = (1.0 - _ETA) * f1 + (_ETA / n_heads) * a1
            for nv, dv in ((n0, d_vec), (n1, d_vec + 8)):
                sq = nv * nv
                s = sq + _swap_pairs(sq)
                inv = jnp.minimum(_rsqrt(s), 1e6)
                plsc.store_scatter(out_v, [dv, t_vec, c_vec, l_vec], nv * inv)
            return carry
        lax.fori_loop(0, _TB, row, 0)

    pltpu.sync_copy(out_v, out_hbm.at[:, pl.ds(wid * tpw, tpw)])


@functools.partial(jax.jit, static_argnums=())
def _sc_call(field_p, idx2, table):
    mesh = plsc.VectorSubcoreMesh(core_axis_name="c", subcore_axis_name="s")
    tpw = field_p.shape[1] // _NW
    fn = pl.kernel(
        _sc_body,
        out_type=jax.ShapeDtypeStruct(field_p.shape, jnp.float32),
        mesh=mesh,
        scratch_types=[
            pltpu.VMEM((idx2.shape[0] // _NW, _TB), jnp.int32),
            pltpu.VMEM((16, tpw, 2, _TB), jnp.float32),
            pltpu.VMEM((16, tpw, 2, _TB), jnp.float32),
            pltpu.VMEM((8 * _TB, _ROW), jnp.float32),
            pltpu.VMEM((8 * _TB, _ROW), jnp.float32),
            pltpu.SemaphoreType.DMA,
            pltpu.SemaphoreType.DMA,
        ],
        compiler_params=pltpu.CompilerParams(
            use_tc_tiling_on_sc=False, needs_layout_passes=False),
    )
    return fn(field_p, idx2, table)


def kernel(field, idx_r, bucket_code):
    b, d, _ = field.shape
    buckets = bucket_code.shape[0]
    nb = b // _TB
    field_p = field.reshape(nb, _TB, d, 2).transpose(2, 0, 3, 1)
    idx = jnp.clip(idx_r[:, -1, :], 0, buckets - 1).astype(jnp.int32)
    idx2 = idx.reshape(nb, _TB, -1).transpose(0, 2, 1).reshape(-1, _TB)
    table = bucket_code.reshape(buckets, d * 2)
    out_p = _sc_call(field_p, idx2, table)
    return out_p.transpose(1, 3, 0, 2).reshape(b, d, 2)

# --- scband reference (transcript-rebuilt; emitter-appended) ---
"""Pipeline reference for scband-resonant-memory-field-80728205296349 (READ-ONLY COPY).

The authoritative reference and input builder live on the scoring server;
editing this copy changes nothing except your own understanding.
"""

import jax, jax.numpy as jnp
import numpy as np
import math

BUCKETS = 1000000
RMF_DIM = 16
ETA = 0.5
B = 16384
T = 1
H = 8

def setup_inputs(seed: int = 0) -> dict:
    key = jax.random.key(seed)
    k1, k2, k3 = jax.random.split(key, 3)
    # fixed phasor codebook buffer: angles ~ U(-pi, pi)
    angles = jax.random.uniform(k1, (BUCKETS, RMF_DIM), dtype=jnp.float32, minval=-math.pi, maxval=math.pi)
    bucket_code = jnp.stack([jnp.cos(angles), jnp.sin(angles)], axis=-1)  # (BUCKETS, RMF_DIM, 2)
    field = jax.random.normal(k2, (B, RMF_DIM, 2), dtype=jnp.float32)
    idx_r = jax.random.randint(k3, (B, T, H), 0, BUCKETS, dtype=jnp.int64)
    return {"field": field, "idx_r": idx_r, "bucket_code": bucket_code}

def reference(field, idx_r, bucket_code):
    # RMF.update(field=field, idx_r=idx_r)
    Bc = idx_r.shape[0]
    Hc = idx_r.shape[2]
    idx = jnp.clip(idx_r[:, -1, :].astype(jnp.int64), 0, BUCKETS - 1)
    code = jnp.take(bucket_code, idx.reshape(-1), axis=0)  # (B*H, RMF_DIM, 2) gather
    code = code.reshape(Bc, Hc, RMF_DIM, 2).mean(axis=1)   # (B, RMF_DIM, 2)
    # mix
    new_field = (1.0 - ETA) * field + ETA * code
    # normalize
    re = new_field[:, :, 0]
    im = new_field[:, :, 1]
    n = jnp.maximum(jnp.sqrt(re * re + im * im), 1e-06)
    return new_field / n[:, :, None]

if __name__ == "__main__":
    import jax
    _d = setup_inputs()
    print(jax.jit(kernel)(*tuple(_d.values())))

</pallas_src>

<mosaic_0001>
#map = affine_map<(d0, d1) -> (0, 0, 0, 0)>
#map1 = affine_map<(d0, d1) -> (0, 0)>
module attributes {stable_mosaic.version = 14 : i64} {
  func.func @_sc_body(%arg0: i32, %arg1: i32, %arg2: memref<16x128x2x128xf32, #tpu.memory_space<hbm>>, %arg3: memref<1024x128xi32, #tpu.memory_space<hbm>>, %arg4: memref<1000000x32xf32, #tpu.memory_space<hbm>>, %arg5: memref<16x128x2x128xf32, #tpu.memory_space<hbm>>, %arg6: memref<32x128xi32, #tpu.memory_space<vmem>>, %arg7: memref<16x4x2x128xf32, #tpu.memory_space<vmem>>, %arg8: memref<16x4x2x128xf32, #tpu.memory_space<vmem>>, %arg9: memref<1024x32xf32, #tpu.memory_space<vmem>>, %arg10: memref<1024x32xf32, #tpu.memory_space<vmem>>, %arg11: memref<!tpu.dma_semaphore, #tpu.memory_space<semaphore_mem>>, %arg12: memref<!tpu.dma_semaphore, #tpu.memory_space<semaphore_mem>>) attributes {dimension_semantics = [#tpu.dimension_semantics<core_parallel>, #tpu.dimension_semantics<subcore_parallel>], iteration_bounds = array<i64: 2, 16>, scalar_prefetch = 0 : i64, scratch_operands = 7 : i64, tpu.core_type = #tpu.core_type<sc_vector_subcore>, window_params = [{transform_indices = #map}, {transform_indices = #map1}, {transform_indices = #map1}, {transform_indices = #map}]} {
    %mul3A = arith.constant 2 : i32
    %mul3A_0 = arith.muli %arg1, %mul3A : i32
    %add3A = arith.addi %mul3A_0, %arg0 : i32
    %mul3A_1 = arith.constant 32 : i32
    %mul3A_2 = arith.muli %add3A, %mul3A_1 : i32
    "tpu.region"() ({
      %run_scoped3A = tpu.sem_alloc : memref<!tpu.dma_semaphore, #tpu.memory_space<semaphore_mem>>
      %dma_start3A_682 = arith.constant 0 : i32
      %dma_start3A_683 = tpu.memref_slice %arg3[%mul3A_2, %dma_start3A_682] : memref<1024x128xi32, #tpu.memory_space<hbm>> -> memref<32x128xi32, #tpu.memory_space<hbm>>
      %dma_start3A_684 = arith.constant 0 : i32
      %dma_start3A_685 = tpu.memref_slice %arg3[%mul3A_2, %dma_start3A_684] : memref<1024x128xi32, #tpu.memory_space<hbm>> -> memref<32x128xi32, #tpu.memory_space<hbm>>
      tpu.enqueue_dma source(%dma_start3A_685 : memref<32x128xi32, #tpu.memory_space<hbm>>) target(%arg6 : memref<32x128xi32, #tpu.memory_space<vmem>>) target_semaphore(%run_scoped3A : memref<!tpu.dma_semaphore, #tpu.memory_space<semaphore_mem>>)
      %dma_wait3A_686 = arith.constant 0 : i32
      %dma_wait3A_687 = tpu.memref_slice %arg3[%mul3A_2, %dma_wait3A_686] : memref<1024x128xi32, #tpu.memory_space<hbm>> -> memref<32x128xi32, #tpu.memory_space<hbm>>
      %dma_wait3A_688 = arith.constant 0 : i32
      %dma_wait3A_689 = tpu.memref_slice %arg3[%mul3A_2, %dma_wait3A_688] : memref<1024x128xi32, #tpu.memory_space<hbm>> -> memref<32x128xi32, #tpu.memory_space<hbm>>
      tpu.wait_dma2 semaphore(%run_scoped3A : memref<!tpu.dma_semaphore, #tpu.memory_space<semaphore_mem>>) src(%dma_wait3A_689 : memref<32x128xi32, #tpu.memory_space<hbm>>) dst(%arg6 : memref<32x128xi32, #tpu.memory_space<vmem>>)
      tpu.yield
    }) : () -> ()
    %mul3A_3 = arith.constant 4 : i32
    %mul3A_4 = arith.muli %add3A, %mul3A_3 : i32
    "tpu.region"() ({
      %run_scoped3A = tpu.sem_alloc : memref<!tpu.dma_semaphore, #tpu.memory_space<semaphore_mem>>
      %dma_start3A_682 = arith.constant 0 : i32
      %dma_start3A_683 = arith.constant 0 : i32
      %dma_start3A_684 = arith.constant 0 : i32
      %dma_start3A_685 = tpu.memref_slice %arg2[%dma_start3A_682, %mul3A_4, %dma_start3A_683, %dma_start3A_684] : memref<16x128x2x128xf32, #tpu.memory_space<hbm>> -> memref<16x4x2x128xf32, #tpu.memory_space<hbm>>
      %dma_start3A_686 = arith.constant 0 : i32
      %dma_start3A_687 = arith.constant 0 : i32
      %dma_start3A_688 = arith.constant 0 : i32
      %dma_start3A_689 = tpu.memref_slice %arg2[%dma_start3A_686, %mul3A_4, %dma_start3A_687, %dma_start3A_688] : memref<16x128x2x128xf32, #tpu.memory_space<hbm>> -> memref<16x4x2x128xf32, #tpu.memory_space<hbm>>
      tpu.enqueue_dma source(%dma_start3A_689 : memref<16x4x2x128xf32, #tpu.memory_space<hbm>>) target(%arg7 : memref<16x4x2x128xf32, #tpu.memory_space<vmem>>) target_semaphore(%run_scoped3A : memref<!tpu.dma_semaphore, #tpu.memory_space<semaphore_mem>>)
      %dma_wait3A_690 = arith.constant 0 : i32
      %dma_wait3A_691 = arith.constant 0 : i32
      %dma_wait3A_692 = arith.constant 0 : i32
      %dma_wait3A_693 = tpu.memref_slice %arg2[%dma_wait3A_690, %mul3A_4, %dma_wait3A_691, %dma_wait3A_692] : memref<16x128x2x128xf32, #tpu.memory_space<hbm>> -> memref<16x4x2x128xf32, #tpu.memory_space<hbm>>
      %dma_wait3A_694 = arith.constant 0 : i32
      %dma_wait3A_695 = arith.constant 0 : i32
      %dma_wait3A_696 = arith.constant 0 : i32
      %dma_wait3A_697 = tpu.memref_slice %arg2[%dma_wait3A_694, %mul3A_4, %dma_wait3A_695, %dma_wait3A_696] : memref<16x128x2x128xf32, #tpu.memory_space<hbm>> -> memref<16x4x2x128xf32, #tpu.memory_space<hbm>>
      tpu.wait_dma2 semaphore(%run_scoped3A : memref<!tpu.dma_semaphore, #tpu.memory_space<semaphore_mem>>) src(%dma_wait3A_697 : memref<16x4x2x128xf32, #tpu.memory_space<hbm>>) dst(%arg7 : memref<16x4x2x128xf32, #tpu.memory_space<vmem>>)
      tpu.yield
    }) : () -> ()
    %iota3A = tpu.iota {dimensions = array<i32: 0>} : vector<16xi32>
    %shift_right_arithmetic3A = arith.constant 1 : i32
    %shift_right_arithmetic3A_5 = vector.broadcast %shift_right_arithmetic3A : i32 to vector<16xi32>
    %shift_right_arithmetic3A_6 = arith.shrsi %iota3A, %shift_right_arithmetic3A_5 : vector<16xi32>
    %and3A = arith.constant 1 : i32
    %and3A_7 = vector.broadcast %and3A : i32 to vector<16xi32>
    %and3A_8 = arith.andi %iota3A, %and3A_7 : vector<16xi32>
    %add3A_9 = arith.constant 16 : i32
    %add3A_10 = vector.broadcast %add3A_9 : i32 to vector<16xi32>
    %add3A_11 = arith.addi %iota3A, %add3A_10 : vector<16xi32>
    %dma_start3A = arith.constant 0 : i32
    %dma_start3A_12 = arith.constant 0 : i32
    %dma_start3A_13 = arith.constant 0 : i32
    %dma_start3A_14 = tpu.memref_slice %arg9[%dma_start3A_12, %dma_start3A_13] : memref<1024x32xf32, #tpu.memory_space<vmem>> -> memref<128x32xf32, #tpu.memory_space<vmem>>
    %dma_start3A_15 = arith.constant 0 : i32
    %dma_start3A_16 = tpu.memref_slice %arg6[%dma_start3A, %dma_start3A_15] : memref<32x128xi32, #tpu.memory_space<vmem>> -> memref<1x128xi32, #tpu.memory_space<vmem>>
    %dma_start3A_17 = tpu.memref_squeeze %dma_start3A_16 : memref<1x128xi32, #tpu.memory_space<vmem>> -> memref<128xi32, #tpu.memory_space<vmem>>
    %dma_start3A_18 = arith.constant 0 : i32
    %dma_start3A_19 = arith.constant 0 : i32
    %dma_start3A_20 = tpu.memref_slice %arg4[%dma_start3A_18, %dma_start3A_19] : memref<1000000x32xf32, #tpu.memory_space<hbm>> -> memref<1000000x32xf32, #tpu.memory_space<hbm>>
    tpu.enqueue_indirect_dma source(%dma_start3A_20 : memref<1000000x32xf32, #tpu.memory_space<hbm>>) target(%dma_start3A_14 : memref<128x32xf32, #tpu.memory_space<vmem>>) offsets(%dma_start3A_17 : memref<128xi32, #tpu.memory_space<vmem>>) semaphore(%arg11 : memref<!tpu.dma_semaphore, #tpu.memory_space<semaphore_mem>>)
    %dma_start3A_21 = arith.constant 1 : i32
    %dma_start3A_22 = arith.constant 128 : i32
    %dma_start3A_23 = arith.constant 0 : i32
    %dma_start3A_24 = tpu.memref_slice %arg9[%dma_start3A_22, %dma_start3A_23] : memref<1024x32xf32, #tpu.memory_space<vmem>> -> memref<128x32xf32, #tpu.memory_space<vmem>>
    %dma_start3A_25 = arith.constant 0 : i32
    %dma_start3A_26 = tpu.memref_slice %arg6[%dma_start3A_21, %dma_start3A_25] : memref<32x128xi32, #tpu.memory_space<vmem>> -> memref<1x128xi32, #tpu.memory_space<vmem>>
    %dma_start3A_27 = tpu.memref_squeeze %dma_start3A_26 : memref<1x128xi32, #tpu.memory_space<vmem>> -> memref<128xi32, #tpu.memory_space<vmem>>
    %dma_start3A_28 = arith.constant 0 : i32
    %dma_start3A_29 = arith.constant 0 : i32
    %dma_start3A_30 = tpu.memref_slice %arg4[%dma_start3A_28, %dma_start3A_29] : memref<1000000x32xf32, #tpu.memory_space<hbm>> -> memref<1000000x32xf32, #tpu.memory_space<hbm>>
    tpu.enqueue_indirect_dma source(%dma_start3A_30 : memref<1000000x32xf32, #tpu.memory_space<hbm>>) target(%dma_start3A_24 : memref<128x32xf32, #tpu.memory_space<vmem>>) offsets(%dma_start3A_27 : memref<128xi32, #tpu.memory_space<vmem>>) semaphore(%arg11 : memref<!tpu.dma_semaphore, #tpu.memory_space<semaphore_mem>>)
    %dma_start3A_31 = arith.constant 2 : i32
    %dma_start3A_32 = arith.constant 256 : i32
    %dma_start3A_33 = arith.constant 0 : i32
    %dma_start3A_34 = tpu.memref_slice %arg9[%dma_start3A_32, %dma_start3A_33] : memref<1024x32xf32, #tpu.memory_space<vmem>> -> memref<128x32xf32, #tpu.memory_space<vmem>>
    %dma_start3A_35 = arith.constant 0 : i32
    %dma_start3A_36 = tpu.memref_slice %arg6[%dma_start3A_31, %dma_start3A_35] : memref<32x128xi32, #tpu.memory_space<vmem>> -> memref<1x128xi32, #tpu.memory_space<vmem>>
    %dma_start3A_37 = tpu.memref_squeeze %dma_start3A_36 : memref<1x128xi32, #tpu.memory_space<vmem>> -> memref<128xi32, #tpu.memory_space<vmem>>
    %dma_start3A_38 = arith.constant 0 : i32
    %dma_start3A_39 = arith.constant 0 : i32
    %dma_start3A_40 = tpu.memref_slice %arg4[%dma_start3A_38, %dma_start3A_39] : memref<1000000x32xf32, #tpu.memory_space<hbm>> -> memref<1000000x32xf32, #tpu.memory_space<hbm>>
    tpu.enqueue_indirect_dma source(%dma_start3A_40 : memref<1000000x32xf32, #tpu.memory_space<hbm>>) target(%dma_start3A_34 : memref<128x32xf32, #tpu.memory_space<vmem>>) offsets(%dma_start3A_37 : memref<128xi32, #tpu.memory_space<vmem>>) semaphore(%arg11 : memref<!tpu.dma_semaphore, #tpu.memory_space<semaphore_mem>>)
    %dma_start3A_41 = arith.constant 3 : i32
    %dma_start3A_42 = arith.constant 384 : i32
    %dma_start3A_43 = arith.constant 0 : i32
    %dma_start3A_44 = tpu.memref_slice %arg9[%dma_start3A_42, %dma_start3A_43] : memref<1024x32xf32, #tpu.memory_space<vmem>> -> memref<128x32xf32, #tpu.memory_space<vmem>>
    %dma_start3A_45 = arith.constant 0 : i32
    %dma_start3A_46 = tpu.memref_slice %arg6[%dma_start3A_41, %dma_start3A_45] : memref<32x128xi32, #tpu.memory_space<vmem>> -> memref<1x128xi32, #tpu.memory_space<vmem>>
    %dma_start3A_47 = tpu.memref_squeeze %dma_start3A_46 : memref<1x128xi32, #tpu.memory_space<vmem>> -> memref<128xi32, #tpu.memory_space<vmem>>
    %dma_start3A_48 = arith.constant 0 : i32
    %dma_start3A_49 = arith.constant 0 : i32
    %dma_start3A_50 = tpu.memref_slice %arg4[%dma_start3A_48, %dma_start3A_49] : memref<1000000x32xf32, #tpu.memory_space<hbm>> -> memref<1000000x32xf32, #tpu.memory_space<hbm>>
    tpu.enqueue_indirect_dma source(%dma_start3A_50 : memref<1000000x32xf32, #tpu.memory_space<hbm>>) target(%dma_start3A_44 : memref<128x32xf32, #tpu.memory_space<vmem>>) offsets(%dma_start3A_47 : memref<128xi32, #tpu.memory_space<vmem>>) semaphore(%arg11 : memref<!tpu.dma_semaphore, #tpu.memory_space<semaphore_mem>>)
    %dma_start3A_51 = arith.constant 4 : i32
    %dma_start3A_52 = arith.constant 512 : i32
    %dma_start3A_53 = arith.constant 0 : i32
    %dma_start3A_54 = tpu.memref_slice %arg9[%dma_start3A_52, %dma_start3A_53] : memref<1024x32xf32, #tpu.memory_space<vmem>> -> memref<128x32xf32, #tpu.memory_space<vmem>>
    %dma_start3A_55 = arith.constant 0 : i32
    %dma_start3A_56 = tpu.memref_slice %arg6[%dma_start3A_51, %dma_start3A_55] : memref<32x128xi32, #tpu.memory_space<vmem>> -> memref<1x128xi32, #tpu.memory_space<vmem>>
    %dma_start3A_57 = tpu.memref_squeeze %dma_start3A_56 : memref<1x128xi32, #tpu.memory_space<vmem>> -> memref<128xi32, #tpu.memory_space<vmem>>
    %dma_start3A_58 = arith.constant 0 : i32
    %dma_start3A_59 = arith.constant 0 : i32
    %dma_start3A_60 = tpu.memref_slice %arg4[%dma_start3A_58, %dma_start3A_59] : memref<1000000x32xf32, #tpu.memory_space<hbm>> -> memref<1000000x32xf32, #tpu.memory_space<hbm>>
    tpu.enqueue_indirect_dma source(%dma_start3A_60 : memref<1000000x32xf32, #tpu.memory_space<hbm>>) target(%dma_start3A_54 : memref<128x32xf32, #tpu.memory_space<vmem>>) offsets(%dma_start3A_57 : memref<128xi32, #tpu.memory_space<vmem>>) semaphore(%arg11 : memref<!tpu.dma_semaphore, #tpu.memory_space<semaphore_mem>>)
    %dma_start3A_61 = arith.constant 5 : i32
    %dma_start3A_62 = arith.constant 640 : i32
    %dma_start3A_63 = arith.constant 0 : i32
    %dma_start3A_64 = tpu.memref_slice %arg9[%dma_start3A_62, %dma_start3A_63] : memref<1024x32xf32, #tpu.memory_space<vmem>> -> memref<128x32xf32, #tpu.memory_space<vmem>>
    %dma_start3A_65 = arith.constant 0 : i32
    %dma_start3A_66 = tpu.memref_slice %arg6[%dma_start3A_61, %dma_start3A_65] : memref<32x128xi32, #tpu.memory_space<vmem>> -> memref<1x128xi32, #tpu.memory_space<vmem>>
    %dma_start3A_67 = tpu.memref_squeeze %dma_start3A_66 : memref<1x128xi32, #tpu.memory_space<vmem>> -> memref<128xi32, #tpu.memory_space<vmem>>
    %dma_start3A_68 = arith.constant 0 : i32
    %dma_start3A_69 = arith.constant 0 : i32
    %dma_start3A_70 = tpu.memref_slice %arg4[%dma_start3A_68, %dma_start3A_69] : memref<1000000x32xf32, #tpu.memory_space<hbm>> -> memref<1000000x32xf32, #tpu.memory_space<hbm>>
    tpu.enqueue_indirect_dma source(%dma_start3A_70 : memref<1000000x32xf32, #tpu.memory_space<hbm>>) target(%dma_start3A_64 : memref<128x32xf32, #tpu.memory_space<vmem>>) offsets(%dma_start3A_67 : memref<128xi32, #tpu.memory_space<vmem>>) semaphore(%arg11 : memref<!tpu.dma_semaphore, #tpu.memory_space<semaphore_mem>>)
    %dma_start3A_71 = arith.constant 6 : i32
    %dma_start3A_72 = arith.constant 768 : i32
    %dma_start3A_73 = arith.constant 0 : i32
    %dma_start3A_74 = tpu.memref_slice %arg9[%dma_start3A_72, %dma_start3A_73] : memref<1024x32xf32, #tpu.memory_space<vmem>> -> memref<128x32xf32, #tpu.memory_space<vmem>>
    %dma_start3A_75 = arith.constant 0 : i32
    %dma_start3A_76 = tpu.memref_slice %arg6[%dma_start3A_71, %dma_start3A_75] : memref<32x128xi32, #tpu.memory_space<vmem>> -> memref<1x128xi32, #tpu.memory_space<vmem>>
    %dma_start3A_77 = tpu.memref_squeeze %dma_start3A_76 : memref<1x128xi32, #tpu.memory_space<vmem>> -> memref<128xi32, #tpu.memory_space<vmem>>
    %dma_start3A_78 = arith.constant 0 : i32
    %dma_start3A_79 = arith.constant 0 : i32
    %dma_start3A_80 = tpu.memref_slice %arg4[%dma_start3A_78, %dma_start3A_79] : memref<1000000x32xf32, #tpu.memory_space<hbm>> -> memref<1000000x32xf32, #tpu.memory_space<hbm>>
    tpu.enqueue_indirect_dma source(%dma_start3A_80 : memref<1000000x32xf32, #tpu.memory_space<hbm>>) target(%dma_start3A_74 : memref<128x32xf32, #tpu.memory_space<vmem>>) offsets(%dma_start3A_77 : memref<128xi32, #tpu.memory_space<vmem>>) semaphore(%arg11 : memref<!tpu.dma_semaphore, #tpu.memory_space<semaphore_mem>>)
    %dma_start3A_81 = arith.constant 7 : i32
    %dma_start3A_82 = arith.constant 896 : i32
    %dma_start3A_83 = arith.constant 0 : i32
    %dma_start3A_84 = tpu.memref_slice %arg9[%dma_start3A_82, %dma_start3A_83] : memref<1024x32xf32, #tpu.memory_space<vmem>> -> memref<128x32xf32, #tpu.memory_space<vmem>>
    %dma_start3A_85 = arith.constant 0 : i32
    %dma_start3A_86 = tpu.memref_slice %arg6[%dma_start3A_81, %dma_start3A_85] : memref<32x128xi32, #tpu.memory_space<vmem>> -> memref<1x128xi32, #tpu.memory_space<vmem>>
    %dma_start3A_87 = tpu.memref_squeeze %dma_start3A_86 : memref<1x128xi32, #tpu.memory_space<vmem>> -> memref<128xi32, #tpu.memory_space<vmem>>
    %dma_start3A_88 = arith.constant 0 : i32
    %dma_start3A_89 = arith.constant 0 : i32
    %dma_start3A_90 = tpu.memref_slice %arg4[%dma_start3A_88, %dma_start3A_89] : memref<1000000x32xf32, #tpu.memory_space<hbm>> -> memref<1000000x32xf32, #tpu.memory_space<hbm>>
    tpu.enqueue_indirect_dma source(%dma_start3A_90 : memref<1000000x32xf32, #tpu.memory_space<hbm>>) target(%dma_start3A_84 : memref<128x32xf32, #tpu.memory_space<vmem>>) offsets(%dma_start3A_87 : memref<128xi32, #tpu.memory_space<vmem>>) semaphore(%arg11 : memref<!tpu.dma_semaphore, #tpu.memory_space<semaphore_mem>>)
    %dma_wait3A = arith.constant 0 : i32
    %dma_wait3A_91 = arith.constant 0 : i32
    %dma_wait3A_92 = arith.constant 0 : i32
    %dma_wait3A_93 = tpu.memref_slice %arg9[%dma_wait3A_91, %dma_wait3A_92] : memref<1024x32xf32, #tpu.memory_space<vmem>> -> memref<128x32xf32, #tpu.memory_space<vmem>>
    %dma_wait3A_94 = arith.constant 0 : i32
    %dma_wait3A_95 = tpu.memref_slice %arg6[%dma_wait3A, %dma_wait3A_94] : memref<32x128xi32, #tpu.memory_space<vmem>> -> memref<1x128xi32, #tpu.memory_space<vmem>>
    %dma_wait3A_96 = tpu.memref_squeeze %dma_wait3A_95 : memref<1x128xi32, #tpu.memory_space<vmem>> -> memref<128xi32, #tpu.memory_space<vmem>>
    %dma_wait3A_97 = arith.constant 0 : i32
    %dma_wait3A_98 = arith.constant 0 : i32
    %dma_wait3A_99 = tpu.memref_slice %arg4[%dma_wait3A_97, %dma_wait3A_98] : memref<1000000x32xf32, #tpu.memory_space<hbm>> -> memref<1000000x32xf32, #tpu.memory_space<hbm>>
    tpu.wait_indirect_dma semaphore(%arg11 : memref<!tpu.dma_semaphore, #tpu.memory_space<semaphore_mem>>) src(%dma_wait3A_99 : memref<1000000x32xf32, #tpu.memory_space<hbm>>) dst(%dma_wait3A_93 : memref<128x32xf32, #tpu.memory_space<vmem>>)
    %dma_wait3A_100 = arith.constant 1 : i32
    %dma_wait3A_101 = arith.constant 128 : i32
    %dma_wait3A_102 = arith.constant 0 : i32
    %dma_wait3A_103 = tpu.memref_slice %arg9[%dma_wait3A_101, %dma_wait3A_102] : memref<1024x32xf32, #tpu.memory_space<vmem>> -> memref<128x32xf32, #tpu.memory_space<vmem>>
    %dma_wait3A_104 = arith.constant 0 : i32
    %dma_wait3A_105 = tpu.memref_slice %arg6[%dma_wait3A_100, %dma_wait3A_104] : memref<32x128xi32, #tpu.memory_space<vmem>> -> memref<1x128xi32, #tpu.memory_space<vmem>>
    %dma_wait3A_106 = tpu.memref_squeeze %dma_wait3A_105 : memref<1x128xi32, #tpu.memory_space<vmem>> -> memref<128xi32, #tpu.memory_space<vmem>>
    %dma_wait3A_107 = arith.constant 0 : i32
    %dma_wait3A_108 = arith.constant 0 : i32
    %dma_wait3A_109 = tpu.memref_slice %arg4[%dma_wait3A_107, %dma_wait3A_108] : memref<1000000x32xf32, #tpu.memory_space<hbm>> -> memref<1000000x32xf32, #tpu.memory_space<hbm>>
    tpu.wait_indirect_dma semaphore(%arg11 : memref<!tpu.dma_semaphore, #tpu.memory_space<semaphore_mem>>) src(%dma_wait3A_109 : memref<1000000x32xf32, #tpu.memory_space<hbm>>) dst(%dma_wait3A_103 : memref<128x32xf32, #tpu.memory_space<vmem>>)
    %dma_wait3A_110 = arith.constant 2 : i32
    %dma_wait3A_111 = arith.constant 256 : i32
    %dma_wait3A_112 = arith.constant 0 : i32
    %dma_wait3A_113 = tpu.memref_slice %arg9[%dma_wait3A_111, %dma_wait3A_112] : memref<1024x32xf32, #tpu.memory_space<vmem>> -> memref<128x32xf32, #tpu.memory_space<vmem>>
    %dma_wait3A_114 = arith.constant 0 : i32
    %dma_wait3A_115 = tpu.memref_slice %arg6[%dma_wait3A_110, %dma_wait3A_114] : memref<32x128xi32, #tpu.memory_space<vmem>> -> memref<1x128xi32, #tpu.memory_space<vmem>>
    %dma_wait3A_116 = tpu.memref_squeeze %dma_wait3A_115 : memref<1x128xi32, #tpu.memory_space<vmem>> -> memref<128xi32, #tpu.memory_space<vmem>>
    %dma_wait3A_117 = arith.constant 0 : i32
    %dma_wait3A_118 = arith.constant 0 : i32
    %dma_wait3A_119 = tpu.memref_slice %arg4[%dma_wait3A_117, %dma_wait3A_118] : memref<1000000x32xf32, #tpu.memory_space<hbm>> -> memref<1000000x32xf32, #tpu.memory_space<hbm>>
    tpu.wait_indirect_dma semaphore(%arg11 : memref<!tpu.dma_semaphore, #tpu.memory_space<semaphore_mem>>) src(%dma_wait3A_119 : memref<1000000x32xf32, #tpu.memory_space<hbm>>) dst(%dma_wait3A_113 : memref<128x32xf32, #tpu.memory_space<vmem>>)
    %dma_wait3A_120 = arith.constant 3 : i32
    %dma_wait3A_121 = arith.constant 384 : i32
    %dma_wait3A_122 = arith.constant 0 : i32
    %dma_wait3A_123 = tpu.memref_slice %arg9[%dma_wait3A_121, %dma_wait3A_122] : memref<1024x32xf32, #tpu.memory_space<vmem>> -> memref<128x32xf32, #tpu.memory_space<vmem>>
    %dma_wait3A_124 = arith.constant 0 : i32
    %dma_wait3A_125 = tpu.memref_slice %arg6[%dma_wait3A_120, %dma_wait3A_124] : memref<32x128xi32, #tpu.memory_space<vmem>> -> memref<1x128xi32, #tpu.memory_space<vmem>>
    %dma_wait3A_126 = tpu.memref_squeeze %dma_wait3A_125 : memref<1x128xi32, #tpu.memory_space<vmem>> -> memref<128xi32, #tpu.memory_space<vmem>>
    %dma_wait3A_127 = arith.constant 0 : i32
    %dma_wait3A_128 = arith.constant 0 : i32
    %dma_wait3A_129 = tpu.memref_slice %arg4[%dma_wait3A_127, %dma_wait3A_128] : memref<1000000x32xf32, #tpu.memory_space<hbm>> -> memref<1000000x32xf32, #tpu.memory_space<hbm>>
    tpu.wait_indirect_dma semaphore(%arg11 : memref<!tpu.dma_semaphore, #tpu.memory_space<semaphore_mem>>) src(%dma_wait3A_129 : memref<1000000x32xf32, #tpu.memory_space<hbm>>) dst(%dma_wait3A_123 : memref<128x32xf32, #tpu.memory_space<vmem>>)
    %dma_wait3A_130 = arith.constant 4 : i32
    %dma_wait3A_131 = arith.constant 512 : i32
    %dma_wait3A_132 = arith.constant 0 : i32
    %dma_wait3A_133 = tpu.memref_slice %arg9[%dma_wait3A_131, %dma_wait3A_132] : memref<1024x32xf32, #tpu.memory_space<vmem>> -> memref<128x32xf32, #tpu.memory_space<vmem>>
    %dma_wait3A_134 = arith.constant 0 : i32
    %dma_wait3A_135 = tpu.memref_slice %arg6[%dma_wait3A_130, %dma_wait3A_134] : memref<32x128xi32, #tpu.memory_space<vmem>> -> memref<1x128xi32, #tpu.memory_space<vmem>>
    %dma_wait3A_136 = tpu.memref_squeeze %dma_wait3A_135 : memref<1x128xi32, #tpu.memory_space<vmem>> -> memref<128xi32, #tpu.memory_space<vmem>>
    %dma_wait3A_137 = arith.constant 0 : i32
    %dma_wait3A_138 = arith.constant 0 : i32
    %dma_wait3A_139 = tpu.memref_slice %arg4[%dma_wait3A_137, %dma_wait3A_138] : memref<1000000x32xf32, #tpu.memory_space<hbm>> -> memref<1000000x32xf32, #tpu.memory_space<hbm>>
    tpu.wait_indirect_dma semaphore(%arg11 : memref<!tpu.dma_semaphore, #tpu.memory_space<semaphore_mem>>) src(%dma_wait3A_139 : memref<1000000x32xf32, #tpu.memory_space<hbm>>) dst(%dma_wait3A_133 : memref<128x32xf32, #tpu.memory_space<vmem>>)
    %dma_wait3A_140 = arith.constant 5 : i32
    %dma_wait3A_141 = arith.constant 640 : i32
    %dma_wait3A_142 = arith.constant 0 : i32
    %dma_wait3A_143 = tpu.memref_slice %arg9[%dma_wait3A_141, %dma_wait3A_142] : memref<1024x32xf32, #tpu.memory_space<vmem>> -> memref<128x32xf32, #tpu.memory_space<vmem>>
    %dma_wait3A_144 = arith.constant 0 : i32
    %dma_wait3A_145 = tpu.memref_slice %arg6[%dma_wait3A_140, %dma_wait3A_144] : memref<32x128xi32, #tpu.memory_space<vmem>> -> memref<1x128xi32, #tpu.memory_space<vmem>>
    %dma_wait3A_146 = tpu.memref_squeeze %dma_wait3A_145 : memref<1x128xi32, #tpu.memory_space<vmem>> -> memref<128xi32, #tpu.memory_space<vmem>>
    %dma_wait3A_147 = arith.constant 0 : i32
    %dma_wait3A_148 = arith.constant 0 : i32
    %dma_wait3A_149 = tpu.memref_slice %arg4[%dma_wait3A_147, %dma_wait3A_148] : memref<1000000x32xf32, #tpu.memory_space<hbm>> -> memref<1000000x32xf32, #tpu.memory_space<hbm>>
    tpu.wait_indirect_dma semaphore(%arg11 : memref<!tpu.dma_semaphore, #tpu.memory_space<semaphore_mem>>) src(%dma_wait3A_149 : memref<1000000x32xf32, #tpu.memory_space<hbm>>) dst(%dma_wait3A_143 : memref<128x32xf32, #tpu.memory_space<vmem>>)
    %dma_wait3A_150 = arith.constant 6 : i32
    %dma_wait3A_151 = arith.constant 768 : i32
    %dma_wait3A_152 = arith.constant 0 : i32
    %dma_wait3A_153 = tpu.memref_slice %arg9[%dma_wait3A_151, %dma_wait3A_152] : memref<1024x32xf32, #tpu.memory_space<vmem>> -> memref<128x32xf32, #tpu.memory_space<vmem>>
    %dma_wait3A_154 = arith.constant 0 : i32
    %dma_wait3A_155 = tpu.memref_slice %arg6[%dma_wait3A_150, %dma_wait3A_154] : memref<32x128xi32, #tpu.memory_space<vmem>> -> memref<1x128xi32, #tpu.memory_space<vmem>>
    %dma_wait3A_156 = tpu.memref_squeeze %dma_wait3A_155 : memref<1x128xi32, #tpu.memory_space<vmem>> -> memref<128xi32, #tpu.memory_space<vmem>>
    %dma_wait3A_157 = arith.constant 0 : i32
    %dma_wait3A_158 = arith.constant 0 : i32
    %dma_wait3A_159 = tpu.memref_slice %arg4[%dma_wait3A_157, %dma_wait3A_158] : memref<1000000x32xf32, #tpu.memory_space<hbm>> -> memref<1000000x32xf32, #tpu.memory_space<hbm>>
    tpu.wait_indirect_dma semaphore(%arg11 : memref<!tpu.dma_semaphore, #tpu.memory_space<semaphore_mem>>) src(%dma_wait3A_159 : memref<1000000x32xf32, #tpu.memory_space<hbm>>) dst(%dma_wait3A_153 : memref<128x32xf32, #tpu.memory_space<vmem>>)
    %dma_wait3A_160 = arith.constant 7 : i32
    %dma_wait3A_161 = arith.constant 896 : i32
    %dma_wait3A_162 = arith.constant 0 : i32
    %dma_wait3A_163 = tpu.memref_slice %arg9[%dma_wait3A_161, %dma_wait3A_162] : memref<1024x32xf32, #tpu.memory_space<vmem>> -> memref<128x32xf32, #tpu.memory_space<vmem>>
    %dma_wait3A_164 = arith.constant 0 : i32
    %dma_wait3A_165 = tpu.memref_slice %arg6[%dma_wait3A_160, %dma_wait3A_164] : memref<32x128xi32, #tpu.memory_space<vmem>> -> memref<1x128xi32, #tpu.memory_space<vmem>>
    %dma_wait3A_166 = tpu.memref_squeeze %dma_wait3A_165 : memref<1x128xi32, #tpu.memory_space<vmem>> -> memref<128xi32, #tpu.memory_space<vmem>>
    %dma_wait3A_167 = arith.constant 0 : i32
    %dma_wait3A_168 = arith.constant 0 : i32
    %dma_wait3A_169 = tpu.memref_slice %arg4[%dma_wait3A_167, %dma_wait3A_168] : memref<1000000x32xf32, #tpu.memory_space<hbm>> -> memref<1000000x32xf32, #tpu.memory_space<hbm>>
    tpu.wait_indirect_dma semaphore(%arg11 : memref<!tpu.dma_semaphore, #tpu.memory_space<semaphore_mem>>) src(%dma_wait3A_169 : memref<1000000x32xf32, #tpu.memory_space<hbm>>) dst(%dma_wait3A_163 : memref<128x32xf32, #tpu.memory_space<vmem>>)
    %dma_start3A_170 = arith.constant 8 : i32
    %dma_start3A_171 = arith.constant 0 : i32
    %dma_start3A_172 = arith.constant 0 : i32
    %dma_start3A_173 = tpu.memref_slice %arg10[%dma_start3A_171, %dma_start3A_172] : memref<1024x32xf32, #tpu.memory_space<vmem>> -> memref<128x32xf32, #tpu.memory_space<vmem>>
    %dma_start3A_174 = arith.constant 0 : i32
    %dma_start3A_175 = tpu.memref_slice %arg6[%dma_start3A_170, %dma_start3A_174] : memref<32x128xi32, #tpu.memory_space<vmem>> -> memref<1x128xi32, #tpu.memory_space<vmem>>
    %dma_start3A_176 = tpu.memref_squeeze %dma_start3A_175 : memref<1x128xi32, #tpu.memory_space<vmem>> -> memref<128xi32, #tpu.memory_space<vmem>>
    %dma_start3A_177 = arith.constant 0 : i32
    %dma_start3A_178 = arith.constant 0 : i32
    %dma_start3A_179 = tpu.memref_slice %arg4[%dma_start3A_177, %dma_start3A_178] : memref<1000000x32xf32, #tpu.memory_space<hbm>> -> memref<1000000x32xf32, #tpu.memory_space<hbm>>
    tpu.enqueue_indirect_dma source(%dma_start3A_179 : memref<1000000x32xf32, #tpu.memory_space<hbm>>) target(%dma_start3A_173 : memref<128x32xf32, #tpu.memory_space<vmem>>) offsets(%dma_start3A_176 : memref<128xi32, #tpu.memory_space<vmem>>) semaphore(%arg12 : memref<!tpu.dma_semaphore, #tpu.memory_space<semaphore_mem>>)
    %dma_start3A_180 = arith.constant 9 : i32
    %dma_start3A_181 = arith.constant 128 : i32
    %dma_start3A_182 = arith.constant 0 : i32
    %dma_start3A_183 = tpu.memref_slice %arg10[%dma_start3A_181, %dma_start3A_182] : memref<1024x32xf32, #tpu.memory_space<vmem>> -> memref<128x32xf32, #tpu.memory_space<vmem>>
    %dma_start3A_184 = arith.constant 0 : i32
    %dma_start3A_185 = tpu.memref_slice %arg6[%dma_start3A_180, %dma_start3A_184] : memref<32x128xi32, #tpu.memory_space<vmem>> -> memref<1x128xi32, #tpu.memory_space<vmem>>
    %dma_start3A_186 = tpu.memref_squeeze %dma_start3A_185 : memref<1x128xi32, #tpu.memory_space<vmem>> -> memref<128xi32, #tpu.memory_space<vmem>>
    %dma_start3A_187 = arith.constant 0 : i32
    %dma_start3A_188 = arith.constant 0 : i32
    %dma_start3A_189 = tpu.memref_slice %arg4[%dma_start3A_187, %dma_start3A_188] : memref<1000000x32xf32, #tpu.memory_space<hbm>> -> memref<1000000x32xf32, #tpu.memory_space<hbm>>
    tpu.enqueue_indirect_dma source(%dma_start3A_189 : memref<1000000x32xf32, #tpu.memory_space<hbm>>) target(%dma_start3A_183 : memref<128x32xf32, #tpu.memory_space<vmem>>) offsets(%dma_start3A_186 : memref<128xi32, #tpu.memory_space<vmem>>) semaphore(%arg12 : memref<!tpu.dma_semaphore, #tpu.memory_space<semaphore_mem>>)
    %dma_start3A_190 = arith.constant 10 : i32
    %dma_start3A_191 = arith.constant 256 : i32
    %dma_start3A_192 = arith.constant 0 : i32
    %dma_start3A_193 = tpu.memref_slice %arg10[%dma_start3A_191, %dma_start3A_192] : memref<1024x32xf32, #tpu.memory_space<vmem>> -> memref<128x32xf32, #tpu.memory_space<vmem>>
    %dma_start3A_194 = arith.constant 0 : i32
    %dma_start3A_195 = tpu.memref_slice %arg6[%dma_start3A_190, %dma_start3A_194] : memref<32x128xi32, #tpu.memory_space<vmem>> -> memref<1x128xi32, #tpu.memory_space<vmem>>
    %dma_start3A_196 = tpu.memref_squeeze %dma_start3A_195 : memref<1x128xi32, #tpu.memory_space<vmem>> -> memref<128xi32, #tpu.memory_space<vmem>>
    %dma_start3A_197 = arith.constant 0 : i32
    %dma_start3A_198 = arith.constant 0 : i32
    %dma_start3A_199 = tpu.memref_slice %arg4[%dma_start3A_197, %dma_start3A_198] : memref<1000000x32xf32, #tpu.memory_space<hbm>> -> memref<1000000x32xf32, #tpu.memory_space<hbm>>
    tpu.enqueue_indirect_dma source(%dma_start3A_199 : memref<1000000x32xf32, #tpu.memory_space<hbm>>) target(%dma_start3A_193 : memref<128x32xf32, #tpu.memory_space<vmem>>) offsets(%dma_start3A_196 : memref<128xi32, #tpu.memory_space<vmem>>) semaphore(%arg12 : memref<!tpu.dma_semaphore, #tpu.memory_space<semaphore_mem>>)
    %dma_start3A_200 = arith.constant 11 : i32
    %dma_start3A_201 = arith.constant 384 : i32
    %dma_start3A_202 = arith.constant 0 : i32
    %dma_start3A_203 = tpu.memref_slice %arg10[%dma_start3A_201, %dma_start3A_202] : memref<1024x32xf32, #tpu.memory_space<vmem>> -> memref<128x32xf32, #tpu.memory_space<vmem>>
    %dma_start3A_204 = arith.constant 0 : i32
    %dma_start3A_205 = tpu.memref_slice %arg6[%dma_start3A_200, %dma_start3A_204] : memref<32x128xi32, #tpu.memory_space<vmem>> -> memref<1x128xi32, #tpu.memory_space<vmem>>
    %dma_start3A_206 = tpu.memref_squeeze %dma_start3A_205 : memref<1x128xi32, #tpu.memory_space<vmem>> -> memref<128xi32, #tpu.memory_space<vmem>>
    %dma_start3A_207 = arith.constant 0 : i32
    %dma_start3A_208 = arith.constant 0 : i32
    %dma_start3A_209 = tpu.memref_slice %arg4[%dma_start3A_207, %dma_start3A_208] : memref<1000000x32xf32, #tpu.memory_space<hbm>> -> memref<1000000x32xf32, #tpu.memory_space<hbm>>
    tpu.enqueue_indirect_dma source(%dma_start3A_209 : memref<1000000x32xf32, #tpu.memory_space<hbm>>) target(%dma_start3A_203 : memref<128x32xf32, #tpu.memory_space<vmem>>) offsets(%dma_start3A_206 : memref<128xi32, #tpu.memory_space<vmem>>) semaphore(%arg12 : memref<!tpu.dma_semaphore, #tpu.memory_space<semaphore_mem>>)
    %dma_start3A_210 = arith.constant 12 : i32
    %dma_start3A_211 = arith.constant 512 : i32
    %dma_start3A_212 = arith.constant 0 : i32
    %dma_start3A_213 = tpu.memref_slice %arg10[%dma_start3A_211, %dma_start3A_212] : memref<1024x32xf32, #tpu.memory_space<vmem>> -> memref<128x32xf32, #tpu.memory_space<vmem>>
    %dma_start3A_214 = arith.constant 0 : i32
    %dma_start3A_215 = tpu.memref_slice %arg6[%dma_start3A_210, %dma_start3A_214] : memref<32x128xi32, #tpu.memory_space<vmem>> -> memref<1x128xi32, #tpu.memory_space<vmem>>
    %dma_start3A_216 = tpu.memref_squeeze %dma_start3A_215 : memref<1x128xi32, #tpu.memory_space<vmem>> -> memref<128xi32, #tpu.memory_space<vmem>>
    %dma_start3A_217 = arith.constant 0 : i32
    %dma_start3A_218 = arith.constant 0 : i32
    %dma_start3A_219 = tpu.memref_slice %arg4[%dma_start3A_217, %dma_start3A_218] : memref<1000000x32xf32, #tpu.memory_space<hbm>> -> memref<1000000x32xf32, #tpu.memory_space<hbm>>
    tpu.enqueue_indirect_dma source(%dma_start3A_219 : memref<1000000x32xf32, #tpu.memory_space<hbm>>) target(%dma_start3A_213 : memref<128x32xf32, #tpu.memory_space<vmem>>) offsets(%dma_start3A_216 : memref<128xi32, #tpu.memory_space<vmem>>) semaphore(%arg12 : memref<!tpu.dma_semaphore, #tpu.memory_space<semaphore_mem>>)
    %dma_start3A_220 = arith.constant 13 : i32
    %dma_start3A_221 = arith.constant 640 : i32
    %dma_start3A_222 = arith.constant 0 : i32
    %dma_start3A_223 = tpu.memref_slice %arg10[%dma_start3A_221, %dma_start3A_222] : memref<1024x32xf32, #tpu.memory_space<vmem>> -> memref<128x32xf32, #tpu.memory_space<vmem>>
    %dma_start3A_224 = arith.constant 0 : i32
    %dma_start3A_225 = tpu.memref_slice %arg6[%dma_start3A_220, %dma_start3A_224] : memref<32x128xi32, #tpu.memory_space<vmem>> -> memref<1x128xi32, #tpu.memory_space<vmem>>
    %dma_start3A_226 = tpu.memref_squeeze %dma_start3A_225 : memref<1x128xi32, #tpu.memory_space<vmem>> -> memref<128xi32, #tpu.memory_space<vmem>>
    %dma_start3A_227 = arith.constant 0 : i32
    %dma_start3A_228 = arith.constant 0 : i32
    %dma_start3A_229 = tpu.memref_slice %arg4[%dma_start3A_227, %dma_start3A_228] : memref<1000000x32xf32, #tpu.memory_space<hbm>> -> memref<1000000x32xf32, #tpu.memory_space<hbm>>
    tpu.enqueue_indirect_dma source(%dma_start3A_229 : memref<1000000x32xf32, #tpu.memory_space<hbm>>) target(%dma_start3A_223 : memref<128x32xf32, #tpu.memory_space<vmem>>) offsets(%dma_start3A_226 : memref<128xi32, #tpu.memory_space<vmem>>) semaphore(%arg12 : memref<!tpu.dma_semaphore, #tpu.memory_space<semaphore_mem>>)
    %dma_start3A_230 = arith.constant 14 : i32
    %dma_start3A_231 = arith.constant 768 : i32
    %dma_start3A_232 = arith.constant 0 : i32
    %dma_start3A_233 = tpu.memref_slice %arg10[%dma_start3A_231, %dma_start3A_232] : memref<1024x32xf32, #tpu.memory_space<vmem>> -> memref<128x32xf32, #tpu.memory_space<vmem>>
    %dma_start3A_234 = arith.constant 0 : i32
    %dma_start3A_235 = tpu.memref_slice %arg6[%dma_start3A_230, %dma_start3A_234] : memref<32x128xi32, #tpu.memory_space<vmem>> -> memref<1x128xi32, #tpu.memory_space<vmem>>
    %dma_start3A_236 = tpu.memref_squeeze %dma_start3A_235 : memref<1x128xi32, #tpu.memory_space<vmem>> -> memref<128xi32, #tpu.memory_space<vmem>>
    %dma_start3A_237 = arith.constant 0 : i32
    %dma_start3A_238 = arith.constant 0 : i32
    %dma_start3A_239 = tpu.memref_slice %arg4[%dma_start3A_237, %dma_start3A_238] : memref<1000000x32xf32, #tpu.memory_space<hbm>> -> memref<1000000x32xf32, #tpu.memory_space<hbm>>
    tpu.enqueue_indirect_dma source(%dma_start3A_239 : memref<1000000x32xf32, #tpu.memory_space<hbm>>) target(%dma_start3A_233 : memref<128x32xf32, #tpu.memory_space<vmem>>) offsets(%dma_start3A_236 : memref<128xi32, #tpu.memory_space<vmem>>) semaphore(%arg12 : memref<!tpu.dma_semaphore, #tpu.memory_space<semaphore_mem>>)
    %dma_start3A_240 = arith.constant 15 : i32
    %dma_start3A_241 = arith.constant 896 : i32
    %dma_start3A_242 = arith.constant 0 : i32
    %dma_start3A_243 = tpu.memref_slice %arg10[%dma_start3A_241, %dma_start3A_242] : memref<1024x32xf32, #tpu.memory_space<vmem>> -> memref<128x32xf32, #tpu.memory_space<vmem>>
    %dma_start3A_244 = arith.constant 0 : i32
    %dma_start3A_245 = tpu.memref_slice %arg6[%dma_start3A_240, %dma_start3A_244] : memref<32x128xi32, #tpu.memory_space<vmem>> -> memref<1x128xi32, #tpu.memory_space<vmem>>
    %dma_start3A_246 = tpu.memref_squeeze %dma_start3A_245 : memref<1x128xi32, #tpu.memory_space<vmem>> -> memref<128xi32, #tpu.memory_space<vmem>>
    %dma_start3A_247 = arith.constant 0 : i32
    %dma_start3A_248 = arith.constant 0 : i32
    %dma_start3A_249 = tpu.memref_slice %arg4[%dma_start3A_247, %dma_start3A_248] : memref<1000000x32xf32, #tpu.memory_space<hbm>> -> memref<1000000x32xf32, #tpu.memory_space<hbm>>
    tpu.enqueue_indirect_dma source(%dma_start3A_249 : memref<1000000x32xf32, #tpu.memory_space<hbm>>) target(%dma_start3A_243 : memref<128x32xf32, #tpu.memory_space<vmem>>) offsets(%dma_start3A_246 : memref<128xi32, #tpu.memory_space<vmem>>) semaphore(%arg12 : memref<!tpu.dma_semaphore, #tpu.memory_space<semaphore_mem>>)
    %broadcast_in_dim3A = arith.constant 0 : i32
    %broadcast_in_dim3A_250 = vector.broadcast %broadcast_in_dim3A : i32 to vector<16xi32>
    %scan3A = arith.constant 0 : i32
    %scan3A_251 = arith.constant 0 : i32
    %scan3A_252 = arith.constant 128 : i32
    %scan3A_253 = arith.addi %scan3A_251, %scan3A_252 : i32
    %scan3A_254 = arith.constant 1 : i32
    scf.for %scan3A_682 = %scan3A_251 to %scan3A_253 step %scan3A_254  : i32 {
      %broadcast_in_dim3A_683 = arith.constant 0 : i32
      %broadcast_in_dim3A_684 = vector.broadcast %broadcast_in_dim3A_683 : i32 to vector<16xi32>
      %add3A_685 = vector.broadcast %scan3A_682 : i32 to vector<16xi32>
      %add3A_686 = arith.addi %broadcast_in_dim3A_684, %add3A_685 : vector<16xi32>
      %broadcast_in_dim3A_687 = arith.constant 0 : i32
      %broadcast_in_dim3A_688 = vector.broadcast %broadcast_in_dim3A_687 : i32 to vector<16xi32>
      %add3A_689 = vector.broadcast %scan3A_682 : i32 to vector<16xi32>
      %add3A_690 = arith.addi %broadcast_in_dim3A_688, %add3A_689 : vector<16xi32>
      %gather3A = tpu.vector_load_idx %arg9[%add3A_690, %iota3A] : memref<1024x32xf32, #tpu.memory_space<vmem>>[vector<16xi32>, vector<16xi32>], vector<16xf32>,
      %gather3A_691 = tpu.vector_load_idx %arg9[%add3A_690, %add3A_11] : memref<1024x32xf32, #tpu.memory_space<vmem>>[vector<16xi32>, vector<16xi32>], vector<16xf32>,
      %add3A_692 = arith.constant 128 : i32
      %add3A_693 = vector.broadcast %add3A_692 : i32 to vector<16xi32>
      %add3A_694 = arith.addi %add3A_690, %add3A_693 : vector<16xi32>
      %gather3A_695 = tpu.vector_load_idx %arg9[%add3A_694, %iota3A] : memref<1024x32xf32, #tpu.memory_space<vmem>>[vector<16xi32>, vector<16xi32>], vector<16xf32>,
      %add3A_696 = arith.addf %gather3A, %gather3A_695 : vector<16xf32>
      %gather3A_697 = tpu.vector_load_idx %arg9[%add3A_694, %add3A_11] : memref<1024x32xf32, #tpu.memory_space<vmem>>[vector<16xi32>, vector<16xi32>], vector<16xf32>,
      %add3A_698 = arith.addf %gather3A_691, %gather3A_697 : vector<16xf32>
      %add3A_699 = arith.constant 256 : i32
      %add3A_700 = vector.broadcast %add3A_699 : i32 to vector<16xi32>
      %add3A_701 = arith.addi %add3A_690, %add3A_700 : vector<16xi32>
      %gather3A_702 = tpu.vector_load_idx %arg9[%add3A_701, %iota3A] : memref<1024x32xf32, #tpu.memory_space<vmem>>[vector<16xi32>, vector<16xi32>], vector<16xf32>,
      %add3A_703 = arith.addf %add3A_696, %gather3A_702 : vector<16xf32>
      %gather3A_704 = tpu.vector_load_idx %arg9[%add3A_701, %add3A_11] : memref<1024x32xf32, #tpu.memory_space<vmem>>[vector<16xi32>, vector<16xi32>], vector<16xf32>,
      %add3A_705 = arith.addf %add3A_698, %gather3A_704 : vector<16xf32>
      %add3A_706 = arith.constant 384 : i32
      %add3A_707 = vector.broadcast %add3A_706 : i32 to vector<16xi32>
      %add3A_708 = arith.addi %add3A_690, %add3A_707 : vector<16xi32>
      %gather3A_709 = tpu.vector_load_idx %arg9[%add3A_708, %iota3A] : memref<1024x32xf32, #tpu.memory_space<vmem>>[vector<16xi32>, vector<16xi32>], vector<16xf32>,
      %add3A_710 = arith.addf %add3A_703, %gather3A_709 : vector<16xf32>
      %gather3A_711 = tpu.vector_load_idx %arg9[%add3A_708, %add3A_11] : memref<1024x32xf32, #tpu.memory_space<vmem>>[vector<16xi32>, vector<16xi32>], vector<16xf32>,
      %add3A_712 = arith.addf %add3A_705, %gather3A_711 : vector<16xf32>
      %add3A_713 = arith.constant 512 : i32
      %add3A_714 = vector.broadcast %add3A_713 : i32 to vector<16xi32>
      %add3A_715 = arith.addi %add3A_690, %add3A_714 : vector<16xi32>
      %gather3A_716 = tpu.vector_load_idx %arg9[%add3A_715, %iota3A] : memref<1024x32xf32, #tpu.memory_space<vmem>>[vector<16xi32>, vector<16xi32>], vector<16xf32>,
      %add3A_717 = arith.addf %add3A_710, %gather3A_716 : vector<16xf32>
      %gather3A_718 = tpu.vector_load_idx %arg9[%add3A_715, %add3A_11] : memref<1024x32xf32, #tpu.memory_space<vmem>>[vector<16xi32>, vector<16xi32>], vector<16xf32>,
      %add3A_719 = arith.addf %add3A_712, %gather3A_718 : vector<16xf32>
      %add3A_720 = arith.constant 640 : i32
      %add3A_721 = vector.broadcast %add3A_720 : i32 to vector<16xi32>
      %add3A_722 = arith.addi %add3A_690, %add3A_721 : vector<16xi32>
      %gather3A_723 = tpu.vector_load_idx %arg9[%add3A_722, %iota3A] : memref<1024x32xf32, #tpu.memory_space<vmem>>[vector<16xi32>, vector<16xi32>], vector<16xf32>,
      %add3A_724 = arith.addf %add3A_717, %gather3A_723 : vector<16xf32>
      %gather3A_725 = tpu.vector_load_idx %arg9[%add3A_722, %add3A_11] : memref<1024x32xf32, #tpu.memory_space<vmem>>[vector<16xi32>, vector<16xi32>], vector<16xf32>,
      %add3A_726 = arith.addf %add3A_719, %gather3A_725 : vector<16xf32>
      %add3A_727 = arith.constant 768 : i32
      %add3A_728 = vector.broadcast %add3A_727 : i32 to vector<16xi32>
      %add3A_729 = arith.addi %add3A_690, %add3A_728 : vector<16xi32>
      %gather3A_730 = tpu.vector_load_idx %arg9[%add3A_729, %iota3A] : memref<1024x32xf32, #tpu.memory_space<vmem>>[vector<16xi32>, vector<16xi32>], vector<16xf32>,
      %add3A_731 = arith.addf %add3A_724, %gather3A_730 : vector<16xf32>
      %gather3A_732 = tpu.vector_load_idx %arg9[%add3A_729, %add3A_11] : memref<1024x32xf32, #tpu.memory_space<vmem>>[vector<16xi32>, vector<16xi32>], vector<16xf32>,
      %add3A_733 = arith.addf %add3A_726, %gather3A_732 : vector<16xf32>
      %add3A_734 = arith.constant 896 : i32
      %add3A_735 = vector.broadcast %add3A_734 : i32 to vector<16xi32>
      %add3A_736 = arith.addi %add3A_690, %add3A_735 : vector<16xi32>
      %gather3A_737 = tpu.vector_load_idx %arg9[%add3A_736, %iota3A] : memref<1024x32xf32, #tpu.memory_space<vmem>>[vector<16xi32>, vector<16xi32>], vector<16xf32>,
      %add3A_738 = arith.addf %add3A_731, %gather3A_737 : vector<16xf32>
      %gather3A_739 = tpu.vector_load_idx %arg9[%add3A_736, %add3A_11] : memref<1024x32xf32, #tpu.memory_space<vmem>>[vector<16xi32>, vector<16xi32>], vector<16xf32>,
      %add3A_740 = arith.addf %add3A_733, %gather3A_739 : vector<16xf32>
      %gather3A_741 = tpu.vector_load_idx %arg7[%shift_right_arithmetic3A_6, %broadcast_in_dim3A_250, %and3A_8, %add3A_686] : memref<16x4x2x128xf32, #tpu.memory_space<vmem>>[vector<16xi32>, vector<16xi32>, vector<16xi32>, vector<16xi32>], vector<16xf32>,
      %add3A_742 = arith.constant 8 : i32
      %add3A_743 = vector.broadcast %add3A_742 : i32 to vector<16xi32>
      %add3A_744 = arith.addi %shift_right_arithmetic3A_6, %add3A_743 : vector<16xi32>
      %gather3A_745 = tpu.vector_load_idx %arg7[%add3A_744, %broadcast_in_dim3A_250, %and3A_8, %add3A_686] : memref<16x4x2x128xf32, #tpu.memory_space<vmem>>[vector<16xi32>, vector<16xi32>, vector<16xi32>, vector<16xi32>], vector<16xf32>,
      %mul3A_746 = arith.constant 5.000000e-01 : f32
      %mul3A_747 = vector.broadcast %mul3A_746 : f32 to vector<16xf32>
      %mul3A_748 = arith.mulf %mul3A_747, %gather3A_741 : vector<16xf32>
      %mul3A_749 = arith.constant 6.250000e-02 : f32
      %mul3A_750 = vector.broadcast %mul3A_749 : f32 to vector<16xf32>
      %mul3A_751 = arith.mulf %mul3A_750, %add3A_738 : vector<16xf32>
      %add3A_752 = arith.addf %mul3A_748, %mul3A_751 : vector<16xf32>
      %mul3A_753 = arith.constant 5.000000e-01 : f32
      %mul3A_754 = vector.broadcast %mul3A_753 : f32 to vector<16xf32>
      %mul3A_755 = arith.mulf %mul3A_754, %gather3A_745 : vector<16xf32>
      %mul3A_756 = arith.constant 6.250000e-02 : f32
      %mul3A_757 = vector.broadcast %mul3A_756 : f32 to vector<16xf32>
      %mul3A_758 = arith.mulf %mul3A_757, %add3A_740 : vector<16xf32>
      %add3A_759 = arith.addf %mul3A_755, %mul3A_758 : vector<16xf32>
      %add3A_760 = arith.constant 8 : i32
      %add3A_761 = vector.broadcast %add3A_760 : i32 to vector<16xi32>
      %add3A_762 = arith.addi %shift_right_arithmetic3A_6, %add3A_761 : vector<16xi32>
      %mul3A_763 = arith.mulf %add3A_752, %add3A_752 : vector<16xf32>
      %iota3A_764 = tpu.iota {dimensions = array<i32: 0>} : vector<16xi32>
      %xor3A = arith.constant 1 : i32
      %xor3A_765 = vector.broadcast %xor3A : i32 to vector<16xi32>
      %xor3A_766 = arith.xori %iota3A_764, %xor3A_765 : vector<16xi32>
      %broadcast_in_dim3A_767 = vector.shape_cast %xor3A_766 : vector<16xi32> to vector<16x1xi32>
      %gather3A_768 = vector.shape_cast %broadcast_in_dim3A_767 : vector<16x1xi32> to vector<16xi32>
      %gather3A_769 = tpu.dynamic_gather %mul3A_763[%gather3A_768] in [0] : vector<16xf32>, vector<16xi32> -> vector<16xf32>
      %add3A_770 = arith.addf %mul3A_763, %gather3A_769 : vector<16xf32>
      %bitcast_convert_type3A = tpu.bitcast %add3A_770 : vector<16xf32> -> vector<16xi32>
      %shift_right_arithmetic3A_771 = arith.constant 1 : i32
      %shift_right_arithmetic3A_772 = vector.broadcast %shift_right_arithmetic3A_771 : i32 to vector<16xi32>
      %shift_right_arithmetic3A_773 = arith.shrsi %bitcast_convert_type3A, %shift_right_arithmetic3A_772 : vector<16xi32>
      %sub3A = arith.constant 1597463007 : i32
      %sub3A_774 = vector.broadcast %sub3A : i32 to vector<16xi32>
      %sub3A_775 = arith.subi %sub3A_774, %shift_right_arithmetic3A_773 : vector<16xi32>
      %bitcast_convert_type3A_776 = tpu.bitcast %sub3A_775 : vector<16xi32> -> vector<16xf32>
      %mul3A_777 = arith.constant 5.000000e-01 : f32
      %mul3A_778 = vector.broadcast %mul3A_777 : f32 to vector<16xf32>
      %mul3A_779 = arith.mulf %mul3A_778, %add3A_770 : vector<16xf32>
      %mul3A_780 = arith.mulf %mul3A_779, %bitcast_convert_type3A_776 : vector<16xf32>
      %mul3A_781 = arith.mulf %mul3A_780, %bitcast_convert_type3A_776 : vector<16xf32>
      %sub3A_782 = arith.constant 1.500000e+00 : f32
      %sub3A_783 = vector.broadcast %sub3A_782 : f32 to vector<16xf32>
      %sub3A_784 = arith.subf %sub3A_783, %mul3A_781 : vector<16xf32>
      %mul3A_785 = arith.mulf %bitcast_convert_type3A_776, %sub3A_784 : vector<16xf32>
      %mul3A_786 = arith.constant 5.000000e-01 : f32
      %mul3A_787 = vector.broadcast %mul3A_786 : f32 to vector<16xf32>
      %mul3A_788 = arith.mulf %mul3A_787, %add3A_770 : vector<16xf32>
      %mul3A_789 = arith.mulf %mul3A_788, %mul3A_785 : vector<16xf32>
      %mul3A_790 = arith.mulf %mul3A_789, %mul3A_785 : vector<16xf32>
      %sub3A_791 = arith.constant 1.500000e+00 : f32
      %sub3A_792 = vector.broadcast %sub3A_791 : f32 to vector<16xf32>
      %sub3A_793 = arith.subf %sub3A_792, %mul3A_790 : vector<16xf32>
      %mul3A_794 = arith.mulf %mul3A_785, %sub3A_793 : vector<16xf32>
      %mul3A_795 = arith.constant 5.000000e-01 : f32
      %mul3A_796 = vector.broadcast %mul3A_795 : f32 to vector<16xf32>
      %mul3A_797 = arith.mulf %mul3A_796, %add3A_770 : vector<16xf32>
      %mul3A_798 = arith.mulf %mul3A_797, %mul3A_794 : vector<16xf32>
      %mul3A_799 = arith.mulf %mul3A_798, %mul3A_794 : vector<16xf32>
      %sub3A_800 = arith.constant 1.500000e+00 : f32
      %sub3A_801 = vector.broadcast %sub3A_800 : f32 to vector<16xf32>
      %sub3A_802 = arith.subf %sub3A_801, %mul3A_799 : vector<16xf32>
      %mul3A_803 = arith.mulf %mul3A_794, %sub3A_802 : vector<16xf32>
      %min3A = arith.constant 1.000000e+06 : f32
      %min3A_804 = vector.broadcast %min3A : f32 to vector<16xf32>
      %min3A_805 = arith.minimumf %mul3A_803, %min3A_804 : vector<16xf32>
      %mul3A_806 = arith.mulf %add3A_752, %min3A_805 : vector<16xf32>
      tpu.vector_store_idx %arg8[%shift_right_arithmetic3A_6, %broadcast_in_dim3A_250, %and3A_8, %add3A_686], %mul3A_806 : memref<16x4x2x128xf32, #tpu.memory_space<vmem>>[vector<16xi32>, vector<16xi32>, vector<16xi32>, vector<16xi32>], vector<16xf32>,
      %mul3A_807 = arith.mulf %add3A_759, %add3A_759 : vector<16xf32>
      %iota3A_808 = tpu.iota {dimensions = array<i32: 0>} : vector<16xi32>
      %xor3A_809 = arith.constant 1 : i32
      %xor3A_810 = vector.broadcast %xor3A_809 : i32 to vector<16xi32>
      %xor3A_811 = arith.xori %iota3A_808, %xor3A_810 : vector<16xi32>
      %broadcast_in_dim3A_812 = vector.shape_cast %xor3A_811 : vector<16xi32> to vector<16x1xi32>
      %gather3A_813 = vector.shape_cast %broadcast_in_dim3A_812 : vector<16x1xi32> to vector<16xi32>
      %gather3A_814 = tpu.dynamic_gather %mul3A_807[%gather3A_813] in [0] : vector<16xf32>, vector<16xi32> -> vector<16xf32>
      %add3A_815 = arith.addf %mul3A_807, %gather3A_814 : vector<16xf32>
      %bitcast_convert_type3A_816 = tpu.bitcast %add3A_815 : vector<16xf32> -> vector<16xi32>
      %shift_right_arithmetic3A_817 = arith.constant 1 : i32
      %shift_right_arithmetic3A_818 = vector.broadcast %shift_right_arithmetic3A_817 : i32 to vector<16xi32>
      %shift_right_arithmetic3A_819 = arith.shrsi %bitcast_convert_type3A_816, %shift_right_arithmetic3A_818 : vector<16xi32>
      %sub3A_820 = arith.constant 1597463007 : i32
      %sub3A_821 = vector.broadcast %sub3A_820 : i32 to vector<16xi32>
      %sub3A_822 = arith.subi %sub3A_821, %shift_right_arithmetic3A_819 : vector<16xi32>
      %bitcast_convert_type3A_823 = tpu.bitcast %sub3A_822 : vector<16xi32> -> vector<16xf32>
      %mul3A_824 = arith.constant 5.000000e-01 : f32
      %mul3A_825 = vector.broadcast %mul3A_824 : f32 to vector<16xf32>
      %mul3A_826 = arith.mulf %mul3A_825, %add3A_815 : vector<16xf32>
      %mul3A_827 = arith.mulf %mul3A_826, %bitcast_convert_type3A_823 : vector<16xf32>
      %mul3A_828 = arith.mulf %mul3A_827, %bitcast_convert_type3A_823 : vector<16xf32>
      %sub3A_829 = arith.constant 1.500000e+00 : f32
      %sub3A_830 = vector.broadcast %sub3A_829 : f32 to vector<16xf32>
      %sub3A_831 = arith.subf %sub3A_830, %mul3A_828 : vector<16xf32>
      %mul3A_832 = arith.mulf %bitcast_convert_type3A_823, %sub3A_831 : vector<16xf32>
      %mul3A_833 = arith.constant 5.000000e-01 : f32
      %mul3A_834 = vector.broadcast %mul3A_833 : f32 to vector<16xf32>
      %mul3A_835 = arith.mulf %mul3A_834, %add3A_815 : vector<16xf32>
      %mul3A_836 = arith.mulf %mul3A_835, %mul3A_832 : vector<16xf32>
      %mul3A_837 = arith.mulf %mul3A_836, %mul3A_832 : vector<16xf32>
      %sub3A_838 = arith.constant 1.500000e+00 : f32
      %sub3A_839 = vector.broadcast %sub3A_838 : f32 to vector<16xf32>
      %sub3A_840 = arith.subf %sub3A_839, %mul3A_837 : vector<16xf32>
      %mul3A_841 = arith.mulf %mul3A_832, %sub3A_840 : vector<16xf32>
      %mul3A_842 = arith.constant 5.000000e-01 : f32
      %mul3A_843 = vector.broadcast %mul3A_842 : f32 to vector<16xf32>
      %mul3A_844 = arith.mulf %mul3A_843, %add3A_815 : vector<16xf32>
      %mul3A_845 = arith.mulf %mul3A_844, %mul3A_841 : vector<16xf32>
      %mul3A_846 = arith.mulf %mul3A_845, %mul3A_841 : vector<16xf32>
      %sub3A_847 = arith.constant 1.500000e+00 : f32
      %sub3A_848 = vector.broadcast %sub3A_847 : f32 to vector<16xf32>
      %sub3A_849 = arith.subf %sub3A_848, %mul3A_846 : vector<16xf32>
      %mul3A_850 = arith.mulf %mul3A_841, %sub3A_849 : vector<16xf32>
      %min3A_851 = arith.constant 1.000000e+06 : f32
      %min3A_852 = vector.broadcast %min3A_851 : f32 to vector<16xf32>
      %min3A_853 = arith.minimumf %mul3A_850, %min3A_852 : vector<16xf32>
      %mul3A_854 = arith.mulf %add3A_759, %min3A_853 : vector<16xf32>
      tpu.vector_store_idx %arg8[%add3A_762, %broadcast_in_dim3A_250, %and3A_8, %add3A_686], %mul3A_854 : memref<16x4x2x128xf32, #tpu.memory_space<vmem>>[vector<16xi32>, vector<16xi32>, vector<16xi32>, vector<16xi32>], vector<16xf32>,
    }
    %scan3A_255 = arith.constant 128 : i32
    %dma_wait3A_256 = arith.constant 8 : i32
    %dma_wait3A_257 = arith.constant 0 : i32
    %dma_wait3A_258 = arith.constant 0 : i32
    %dma_wait3A_259 = tpu.memref_slice %arg10[%dma_wait3A_257, %dma_wait3A_258] : memref<1024x32xf32, #tpu.memory_space<vmem>> -> memref<128x32xf32, #tpu.memory_space<vmem>>
    %dma_wait3A_260 = arith.constant 0 : i32
    %dma_wait3A_261 = tpu.memref_slice %arg6[%dma_wait3A_256, %dma_wait3A_260] : memref<32x128xi32, #tpu.memory_space<vmem>> -> memref<1x128xi32, #tpu.memory_space<vmem>>
    %dma_wait3A_262 = tpu.memref_squeeze %dma_wait3A_261 : memref<1x128xi32, #tpu.memory_space<vmem>> -> memref<128xi32, #tpu.memory_space<vmem>>
    %dma_wait3A_263 = arith.constant 0 : i32
    %dma_wait3A_264 = arith.constant 0 : i32
    %dma_wait3A_265 = tpu.memref_slice %arg4[%dma_wait3A_263, %dma_wait3A_264] : memref<1000000x32xf32, #tpu.memory_space<hbm>> -> memref<1000000x32xf32, #tpu.memory_space<hbm>>
    tpu.wait_indirect_dma semaphore(%arg12 : memref<!tpu.dma_semaphore, #tpu.memory_space<semaphore_mem>>) src(%dma_wait3A_265 : memref<1000000x32xf32, #tpu.memory_space<hbm>>) dst(%dma_wait3A_259 : memref<128x32xf32, #tpu.memory_space<vmem>>)
    %dma_wait3A_266 = arith.constant 9 : i32
    %dma_wait3A_267 = arith.constant 128 : i32
    %dma_wait3A_268 = arith.constant 0 : i32
    %dma_wait3A_269 = tpu.memref_slice %arg10[%dma_wait3A_267, %dma_wait3A_268] : memref<1024x32xf32, #tpu.memory_space<vmem>> -> memref<128x32xf32, #tpu.memory_space<vmem>>
    %dma_wait3A_270 = arith.constant 0 : i32
    %dma_wait3A_271 = tpu.memref_slice %arg6[%dma_wait3A_266, %dma_wait3A_270] : memref<32x128xi32, #tpu.memory_space<vmem>> -> memref<1x128xi32, #tpu.memory_space<vmem>>
    %dma_wait3A_272 = tpu.memref_squeeze %dma_wait3A_271 : memref<1x128xi32, #tpu.memory_space<vmem>> -> memref<128xi32, #tpu.memory_space<vmem>>
    %dma_wait3A_273 = arith.constant 0 : i32
    %dma_wait3A_274 = arith.constant 0 : i32
    %dma_wait3A_275 = tpu.memref_slice %arg4[%dma_wait3A_273, %dma_wait3A_274] : memref<1000000x32xf32, #tpu.memory_space<hbm>> -> memref<1000000x32xf32, #tpu.memory_space<hbm>>
    tpu.wait_indirect_dma semaphore(%arg12 : memref<!tpu.dma_semaphore, #tpu.memory_space<semaphore_mem>>) src(%dma_wait3A_275 : memref<1000000x32xf32, #tpu.memory_space<hbm>>) dst(%dma_wait3A_269 : memref<128x32xf32, #tpu.memory_space<vmem>>)
    %dma_wait3A_276 = arith.constant 10 : i32
    %dma_wait3A_277 = arith.constant 256 : i32
    %dma_wait3A_278 = arith.constant 0 : i32
    %dma_wait3A_279 = tpu.memref_slice %arg10[%dma_wait3A_277, %dma_wait3A_278] : memref<1024x32xf32, #tpu.memory_space<vmem>> -> memref<128x32xf32, #tpu.memory_space<vmem>>
    %dma_wait3A_280 = arith.constant 0 : i32
    %dma_wait3A_281 = tpu.memref_slice %arg6[%dma_wait3A_276, %dma_wait3A_280] : memref<32x128xi32, #tpu.memory_space<vmem>> -> memref<1x128xi32, #tpu.memory_space<vmem>>
    %dma_wait3A_282 = tpu.memref_squeeze %dma_wait3A_281 : memref<1x128xi32, #tpu.memory_space<vmem>> -> memref<128xi32, #tpu.memory_space<vmem>>
    %dma_wait3A_283 = arith.constant 0 : i32
    %dma_wait3A_284 = arith.constant 0 : i32
    %dma_wait3A_285 = tpu.memref_slice %arg4[%dma_wait3A_283, %dma_wait3A_284] : memref<1000000x32xf32, #tpu.memory_space<hbm>> -> memref<1000000x32xf32, #tpu.memory_space<hbm>>
    tpu.wait_indirect_dma semaphore(%arg12 : memref<!tpu.dma_semaphore, #tpu.memory_space<semaphore_mem>>) src(%dma_wait3A_285 : memref<1000000x32xf32, #tpu.memory_space<hbm>>) dst(%dma_wait3A_279 : memref<128x32xf32, #tpu.memory_space<vmem>>)
    %dma_wait3A_286 = arith.constant 11 : i32
    %dma_wait3A_287 = arith.constant 384 : i32
    %dma_wait3A_288 = arith.constant 0 : i32
    %dma_wait3A_289 = tpu.memref_slice %arg10[%dma_wait3A_287, %dma_wait3A_288] : memref<1024x32xf32, #tpu.memory_space<vmem>> -> memref<128x32xf32, #tpu.memory_space<vmem>>
    %dma_wait3A_290 = arith.constant 0 : i32
    %dma_wait3A_291 = tpu.memref_slice %arg6[%dma_wait3A_286, %dma_wait3A_290] : memref<32x128xi32, #tpu.memory_space<vmem>> -> memref<1x128xi32, #tpu.memory_space<vmem>>
    %dma_wait3A_292 = tpu.memref_squeeze %dma_wait3A_291 : memref<1x128xi32, #tpu.memory_space<vmem>> -> memref<128xi32, #tpu.memory_space<vmem>>
    %dma_wait3A_293 = arith.constant 0 : i32
    %dma_wait3A_294 = arith.constant 0 : i32
    %dma_wait3A_295 = tpu.memref_slice %arg4[%dma_wait3A_293, %dma_wait3A_294] : memref<1000000x32xf32, #tpu.memory_space<hbm>> -> memref<1000000x32xf32, #tpu.memory_space<hbm>>
    tpu.wait_indirect_dma semaphore(%arg12 : memref<!tpu.dma_semaphore, #tpu.memory_space<semaphore_mem>>) src(%dma_wait3A_295 : memref<1000000x32xf32, #tpu.memory_space<hbm>>) dst(%dma_wait3A_289 : memref<128x32xf32, #tpu.memory_space<vmem>>)
    %dma_wait3A_296 = arith.constant 12 : i32
    %dma_wait3A_297 = arith.constant 512 : i32
    %dma_wait3A_298 = arith.constant 0 : i32
    %dma_wait3A_299 = tpu.memref_slice %arg10[%dma_wait3A_297, %dma_wait3A_298] : memref<1024x32xf32, #tpu.memory_space<vmem>> -> memref<128x32xf32, #tpu.memory_space<vmem>>
    %dma_wait3A_300 = arith.constant 0 : i32
    %dma_wait3A_301 = tpu.memref_slice %arg6[%dma_wait3A_296, %dma_wait3A_300] : memref<32x128xi32, #tpu.memory_space<vmem>> -> memref<1x128xi32, #tpu.memory_space<vmem>>
    %dma_wait3A_302 = tpu.memref_squeeze %dma_wait3A_301 : memref<1x128xi32, #tpu.memory_space<vmem>> -> memref<128xi32, #tpu.memory_space<vmem>>
    %dma_wait3A_303 = arith.constant 0 : i32
    %dma_wait3A_304 = arith.constant 0 : i32
    %dma_wait3A_305 = tpu.memref_slice %arg4[%dma_wait3A_303, %dma_wait3A_304] : memref<1000000x32xf32, #tpu.memory_space<hbm>> -> memref<1000000x32xf32, #tpu.memory_space<hbm>>
    tpu.wait_indirect_dma semaphore(%arg12 : memref<!tpu.dma_semaphore, #tpu.memory_space<semaphore_mem>>) src(%dma_wait3A_305 : memref<1000000x32xf32, #tpu.memory_space<hbm>>) dst(%dma_wait3A_299 : memref<128x32xf32, #tpu.memory_space<vmem>>)
    %dma_wait3A_306 = arith.constant 13 : i32
    %dma_wait3A_307 = arith.constant 640 : i32
    %dma_wait3A_308 = arith.constant 0 : i32
    %dma_wait3A_309 = tpu.memref_slice %arg10[%dma_wait3A_307, %dma_wait3A_308] : memref<1024x32xf32, #tpu.memory_space<vmem>> -> memref<128x32xf32, #tpu.memory_space<vmem>>
    %dma_wait3A_310 = arith.constant 0 : i32
    %dma_wait3A_311 = tpu.memref_slice %arg6[%dma_wait3A_306, %dma_wait3A_310] : memref<32x128xi32, #tpu.memory_space<vmem>> -> memref<1x128xi32, #tpu.memory_space<vmem>>
    %dma_wait3A_312 = tpu.memref_squeeze %dma_wait3A_311 : memref<1x128xi32, #tpu.memory_space<vmem>> -> memref<128xi32, #tpu.memory_space<vmem>>
    %dma_wait3A_313 = arith.constant 0 : i32
    %dma_wait3A_314 = arith.constant 0 : i32
    %dma_wait3A_315 = tpu.memref_slice %arg4[%dma_wait3A_313, %dma_wait3A_314] : memref<1000000x32xf32, #tpu.memory_space<hbm>> -> memref<1000000x32xf32, #tpu.memory_space<hbm>>
    tpu.wait_indirect_dma semaphore(%arg12 : memref<!tpu.dma_semaphore, #tpu.memory_space<semaphore_mem>>) src(%dma_wait3A_315 : memref<1000000x32xf32, #tpu.memory_space<hbm>>) dst(%dma_wait3A_309 : memref<128x32xf32, #tpu.memory_space<vmem>>)
    %dma_wait3A_316 = arith.constant 14 : i32
    %dma_wait3A_317 = arith.constant 768 : i32
    %dma_wait3A_318 = arith.constant 0 : i32
    %dma_wait3A_319 = tpu.memref_slice %arg10[%dma_wait3A_317, %dma_wait3A_318] : memref<1024x32xf32, #tpu.memory_space<vmem>> -> memref<128x32xf32, #tpu.memory_space<vmem>>
    %dma_wait3A_320 = arith.constant 0 : i32
    %dma_wait3A_321 = tpu.memref_slice %arg6[%dma_wait3A_316, %dma_wait3A_320] : memref<32x128xi32, #tpu.memory_space<vmem>> -> memref<1x128xi32, #tpu.memory_space<vmem>>
    %dma_wait3A_322 = tpu.memref_squeeze %dma_wait3A_321 : memref<1x128xi32, #tpu.memory_space<vmem>> -> memref<128xi32, #tpu.memory_space<vmem>>
    %dma_wait3A_323 = arith.constant 0 : i32
    %dma_wait3A_324 = arith.constant 0 : i32
    %dma_wait3A_325 = tpu.memref_slice %arg4[%dma_wait3A_323, %dma_wait3A_324] : memref<1000000x32xf32, #tpu.memory_space<hbm>> -> memref<1000000x32xf32, #tpu.memory_space<hbm>>
    tpu.wait_indirect_dma semaphore(%arg12 : memref<!tpu.dma_semaphore, #tpu.memory_space<semaphore_mem>>) src(%dma_wait3A_325 : memref<1000000x32xf32, #tpu.memory_space<hbm>>) dst(%dma_wait3A_319 : memref<128x32xf32, #tpu.memory_space<vmem>>)
    %dma_wait3A_326 = arith.constant 15 : i32
    %dma_wait3A_327 = arith.constant 896 : i32
    %dma_wait3A_328 = arith.constant 0 : i32
    %dma_wait3A_329 = tpu.memref_slice %arg10[%dma_wait3A_327, %dma_wait3A_328] : memref<1024x32xf32, #tpu.memory_space<vmem>> -> memref<128x32xf32, #tpu.memory_space<vmem>>
    %dma_wait3A_330 = arith.constant 0 : i32
    %dma_wait3A_331 = tpu.memref_slice %arg6[%dma_wait3A_326, %dma_wait3A_330] : memref<32x128xi32, #tpu.memory_space<vmem>> -> memref<1x128xi32, #tpu.memory_space<vmem>>
    %dma_wait3A_332 = tpu.memref_squeeze %dma_wait3A_331 : memref<1x128xi32, #tpu.memory_space<vmem>> -> memref<128xi32, #tpu.memory_space<vmem>>
    %dma_wait3A_333 = arith.constant 0 : i32
    %dma_wait3A_334 = arith.constant 0 : i32
    %dma_wait3A_335 = tpu.memref_slice %arg4[%dma_wait3A_333, %dma_wait3A_334] : memref<1000000x32xf32, #tpu.memory_space<hbm>> -> memref<1000000x32xf32, #tpu.memory_space<hbm>>
    tpu.wait_indirect_dma semaphore(%arg12 : memref<!tpu.dma_semaphore, #tpu.memory_space<semaphore_mem>>) src(%dma_wait3A_335 : memref<1000000x32xf32, #tpu.memory_space<hbm>>) dst(%dma_wait3A_329 : memref<128x32xf32, #tpu.memory_space<vmem>>)
    %dma_start3A_336 = arith.constant 16 : i32
    %dma_start3A_337 = arith.constant 0 : i32
    %dma_start3A_338 = arith.constant 0 : i32
    %dma_start3A_339 = tpu.memref_slice %arg9[%dma_start3A_337, %dma_start3A_338] : memref<1024x32xf32, #tpu.memory_space<vmem>> -> memref<128x32xf32, #tpu.memory_space<vmem>>
    %dma_start3A_340 = arith.constant 0 : i32
    %dma_start3A_341 = tpu.memref_slice %arg6[%dma_start3A_336, %dma_start3A_340] : memref<32x128xi32, #tpu.memory_space<vmem>> -> memref<1x128xi32, #tpu.memory_space<vmem>>
    %dma_start3A_342 = tpu.memref_squeeze %dma_start3A_341 : memref<1x128xi32, #tpu.memory_space<vmem>> -> memref<128xi32, #tpu.memory_space<vmem>>
    %dma_start3A_343 = arith.constant 0 : i32
    %dma_start3A_344 = arith.constant 0 : i32
    %dma_start3A_345 = tpu.memref_slice %arg4[%dma_start3A_343, %dma_start3A_344] : memref<1000000x32xf32, #tpu.memory_space<hbm>> -> memref<1000000x32xf32, #tpu.memory_space<hbm>>
    tpu.enqueue_indirect_dma source(%dma_start3A_345 : memref<1000000x32xf32, #tpu.memory_space<hbm>>) target(%dma_start3A_339 : memref<128x32xf32, #tpu.memory_space<vmem>>) offsets(%dma_start3A_342 : memref<128xi32, #tpu.memory_space<vmem>>) semaphore(%arg11 : memref<!tpu.dma_semaphore, #tpu.memory_space<semaphore_mem>>)
    %dma_start3A_346 = arith.constant 17 : i32
    %dma_start3A_347 = arith.constant 128 : i32
    %dma_start3A_348 = arith.constant 0 : i32
    %dma_start3A_349 = tpu.memref_slice %arg9[%dma_start3A_347, %dma_start3A_348] : memref<1024x32xf32, #tpu.memory_space<vmem>> -> memref<128x32xf32, #tpu.memory_space<vmem>>
    %dma_start3A_350 = arith.constant 0 : i32
    %dma_start3A_351 = tpu.memref_slice %arg6[%dma_start3A_346, %dma_start3A_350] : memref<32x128xi32, #tpu.memory_space<vmem>> -> memref<1x128xi32, #tpu.memory_space<vmem>>
    %dma_start3A_352 = tpu.memref_squeeze %dma_start3A_351 : memref<1x128xi32, #tpu.memory_space<vmem>> -> memref<128xi32, #tpu.memory_space<vmem>>
    %dma_start3A_353 = arith.constant 0 : i32
    %dma_start3A_354 = arith.constant 0 : i32
    %dma_start3A_355 = tpu.memref_slice %arg4[%dma_start3A_353, %dma_start3A_354] : memref<1000000x32xf32, #tpu.memory_space<hbm>> -> memref<1000000x32xf32, #tpu.memory_space<hbm>>
    tpu.enqueue_indirect_dma source(%dma_start3A_355 : memref<1000000x32xf32, #tpu.memory_space<hbm>>) target(%dma_start3A_349 : memref<128x32xf32, #tpu.memory_space<vmem>>) offsets(%dma_start3A_352 : memref<128xi32, #tpu.memory_space<vmem>>) semaphore(%arg11 : memref<!tpu.dma_semaphore, #tpu.memory_space<semaphore_mem>>)
    %dma_start3A_356 = arith.constant 18 : i32
    %dma_start3A_357 = arith.constant 256 : i32
    %dma_start3A_358 = arith.constant 0 : i32
    %dma_start3A_359 = tpu.memref_slice %arg9[%dma_start3A_357, %dma_start3A_358] : memref<1024x32xf32, #tpu.memory_space<vmem>> -> memref<128x32xf32, #tpu.memory_space<vmem>>
    %dma_start3A_360 = arith.constant 0 : i32
    %dma_start3A_361 = tpu.memref_slice %arg6[%dma_start3A_356, %dma_start3A_360] : memref<32x128xi32, #tpu.memory_space<vmem>> -> memref<1x128xi32, #tpu.memory_space<vmem>>
    %dma_start3A_362 = tpu.memref_squeeze %dma_start3A_361 : memref<1x128xi32, #tpu.memory_space<vmem>> -> memref<128xi32, #tpu.memory_space<vmem>>
    %dma_start3A_363 = arith.constant 0 : i32
    %dma_start3A_364 = arith.constant 0 : i32
    %dma_start3A_365 = tpu.memref_slice %arg4[%dma_start3A_363, %dma_start3A_364] : memref<1000000x32xf32, #tpu.memory_space<hbm>> -> memref<1000000x32xf32, #tpu.memory_space<hbm>>
    tpu.enqueue_indirect_dma source(%dma_start3A_365 : memref<1000000x32xf32, #tpu.memory_space<hbm>>) target(%dma_start3A_359 : memref<128x32xf32, #tpu.memory_space<vmem>>) offsets(%dma_start3A_362 : memref<128xi32, #tpu.memory_space<vmem>>) semaphore(%arg11 : memref<!tpu.dma_semaphore, #tpu.memory_space<semaphore_mem>>)
    %dma_start3A_366 = arith.constant 19 : i32
    %dma_start3A_367 = arith.constant 384 : i32
    %dma_start3A_368 = arith.constant 0 : i32
    %dma_start3A_369 = tpu.memref_slice %arg9[%dma_start3A_367, %dma_start3A_368] : memref<1024x32xf32, #tpu.memory_space<vmem>> -> memref<128x32xf32, #tpu.memory_space<vmem>>
    %dma_start3A_370 = arith.constant 0 : i32
    %dma_start3A_371 = tpu.memref_slice %arg6[%dma_start3A_366, %dma_start3A_370] : memref<32x128xi32, #tpu.memory_space<vmem>> -> memref<1x128xi32, #tpu.memory_space<vmem>>
    %dma_start3A_372 = tpu.memref_squeeze %dma_start3A_371 : memref<1x128xi32, #tpu.memory_space<vmem>> -> memref<128xi32, #tpu.memory_space<vmem>>
    %dma_start3A_373 = arith.constant 0 : i32
    %dma_start3A_374 = arith.constant 0 : i32
    %dma_start3A_375 = tpu.memref_slice %arg4[%dma_start3A_373, %dma_start3A_374] : memref<1000000x32xf32, #tpu.memory_space<hbm>> -> memref<1000000x32xf32, #tpu.memory_space<hbm>>
    tpu.enqueue_indirect_dma source(%dma_start3A_375 : memref<1000000x32xf32, #tpu.memory_space<hbm>>) target(%dma_start3A_369 : memref<128x32xf32, #tpu.memory_space<vmem>>) offsets(%dma_start3A_372 : memref<128xi32, #tpu.memory_space<vmem>>) semaphore(%arg11 : memref<!tpu.dma_semaphore, #tpu.memory_space<semaphore_mem>>)
    %dma_start3A_376 = arith.constant 20 : i32
    %dma_start3A_377 = arith.constant 512 : i32
    %dma_start3A_378 = arith.constant 0 : i32
    %dma_start3A_379 = tpu.memref_slice %arg9[%dma_start3A_377, %dma_start3A_378] : memref<1024x32xf32, #tpu.memory_space<vmem>> -> memref<128x32xf32, #tpu.memory_space<vmem>>
    %dma_start3A_380 = arith.constant 0 : i32
    %dma_start3A_381 = tpu.memref_slice %arg6[%dma_start3A_376, %dma_start3A_380] : memref<32x128xi32, #tpu.memory_space<vmem>> -> memref<1x128xi32, #tpu.memory_space<vmem>>
    %dma_start3A_382 = tpu.memref_squeeze %dma_start3A_381 : memref<1x128xi32, #tpu.memory_space<vmem>> -> memref<128xi32, #tpu.memory_space<vmem>>
    %dma_start3A_383 = arith.constant 0 : i32
    %dma_start3A_384 = arith.constant 0 : i32
    %dma_start3A_385 = tpu.memref_slice %arg4[%dma_start3A_383, %dma_start3A_384] : memref<1000000x32xf32, #tpu.memory_space<hbm>> -> memref<1000000x32xf32, #tpu.memory_space<hbm>>
    tpu.enqueue_indirect_dma source(%dma_start3A_385 : memref<1000000x32xf32, #tpu.memory_space<hbm>>) target(%dma_start3A_379 : memref<128x32xf32, #tpu.memory_space<vmem>>) offsets(%dma_start3A_382 : memref<128xi32, #tpu.memory_space<vmem>>) semaphore(%arg11 : memref<!tpu.dma_semaphore, #tpu.memory_space<semaphore_mem>>)
    %dma_start3A_386 = arith.constant 21 : i32
    %dma_start3A_387 = arith.constant 640 : i32
    %dma_start3A_388 = arith.constant 0 : i32
    %dma_start3A_389 = tpu.memref_slice %arg9[%dma_start3A_387, %dma_start3A_388] : memref<1024x32xf32, #tpu.memory_space<vmem>> -> memref<128x32xf32, #tpu.memory_space<vmem>>
    %dma_start3A_390 = arith.constant 0 : i32
    %dma_start3A_391 = tpu.memref_slice %arg6[%dma_start3A_386, %dma_start3A_390] : memref<32x128xi32, #tpu.memory_space<vmem>> -> memref<1x128xi32, #tpu.memory_space<vmem>>
    %dma_start3A_392 = tpu.memref_squeeze %dma_start3A_391 : memref<1x128xi32, #tpu.memory_space<vmem>> -> memref<128xi32, #tpu.memory_space<vmem>>
    %dma_start3A_393 = arith.constant 0 : i32
    %dma_start3A_394 = arith.constant 0 : i32
    %dma_start3A_395 = tpu.memref_slice %arg4[%dma_start3A_393, %dma_start3A_394] : memref<1000000x32xf32, #tpu.memory_space<hbm>> -> memref<1000000x32xf32, #tpu.memory_space<hbm>>
    tpu.enqueue_indirect_dma source(%dma_start3A_395 : memref<1000000x32xf32, #tpu.memory_space<hbm>>) target(%dma_start3A_389 : memref<128x32xf32, #tpu.memory_space<vmem>>) offsets(%dma_start3A_392 : memref<128xi32, #tpu.memory_space<vmem>>) semaphore(%arg11 : memref<!tpu.dma_semaphore, #tpu.memory_space<semaphore_mem>>)
    %dma_start3A_396 = arith.constant 22 : i32
    %dma_start3A_397 = arith.constant 768 : i32
    %dma_start3A_398 = arith.constant 0 : i32
    %dma_start3A_399 = tpu.memref_slice %arg9[%dma_start3A_397, %dma_start3A_398] : memref<1024x32xf32, #tpu.memory_space<vmem>> -> memref<128x32xf32, #tpu.memory_space<vmem>>
    %dma_start3A_400 = arith.constant 0 : i32
    %dma_start3A_401 = tpu.memref_slice %arg6[%dma_start3A_396, %dma_start3A_400] : memref<32x128xi32, #tpu.memory_space<vmem>> -> memref<1x128xi32, #tpu.memory_space<vmem>>
    %dma_start3A_402 = tpu.memref_squeeze %dma_start3A_401 : memref<1x128xi32, #tpu.memory_space<vmem>> -> memref<128xi32, #tpu.memory_space<vmem>>
    %dma_start3A_403 = arith.constant 0 : i32
    %dma_start3A_404 = arith.constant 0 : i32
    %dma_start3A_405 = tpu.memref_slice %arg4[%dma_start3A_403, %dma_start3A_404] : memref<1000000x32xf32, #tpu.memory_space<hbm>> -> memref<1000000x32xf32, #tpu.memory_space<hbm>>
    tpu.enqueue_indirect_dma source(%dma_start3A_405 : memref<1000000x32xf32, #tpu.memory_space<hbm>>) target(%dma_start3A_399 : memref<128x32xf32, #tpu.memory_space<vmem>>) offsets(%dma_start3A_402 : memref<128xi32, #tpu.memory_space<vmem>>) semaphore(%arg11 : memref<!tpu.dma_semaphore, #tpu.memory_space<semaphore_mem>>)
    %dma_start3A_406 = arith.constant 23 : i32
    %dma_start3A_407 = arith.constant 896 : i32
    %dma_start3A_408 = arith.constant 0 : i32
    %dma_start3A_409 = tpu.memref_slice %arg9[%dma_start3A_407, %dma_start3A_408] : memref<1024x32xf32, #tpu.memory_space<vmem>> -> memref<128x32xf32, #tpu.memory_space<vmem>>
    %dma_start3A_410 = arith.constant 0 : i32
    %dma_start3A_411 = tpu.memref_slice %arg6[%dma_start3A_406, %dma_start3A_410] : memref<32x128xi32, #tpu.memory_space<vmem>> -> memref<1x128xi32, #tpu.memory_space<vmem>>
    %dma_start3A_412 = tpu.memref_squeeze %dma_start3A_411 : memref<1x128xi32, #tpu.memory_space<vmem>> -> memref<128xi32, #tpu.memory_space<vmem>>
    %dma_start3A_413 = arith.constant 0 : i32
    %dma_start3A_414 = arith.constant 0 : i32
    %dma_start3A_415 = tpu.memref_slice %arg4[%dma_start3A_413, %dma_start3A_414] : memref<1000000x32xf32, #tpu.memory_space<hbm>> -> memref<1000000x32xf32, #tpu.memory_space<hbm>>
    tpu.enqueue_indirect_dma source(%dma_start3A_415 : memref<1000000x32xf32, #tpu.memory_space<hbm>>) target(%dma_start3A_409 : memref<128x32xf32, #tpu.memory_space<vmem>>) offsets(%dma_start3A_412 : memref<128xi32, #tpu.memory_space<vmem>>) semaphore(%arg11 : memref<!tpu.dma_semaphore, #tpu.memory_space<semaphore_mem>>)
    %broadcast_in_dim3A_416 = arith.constant 1 : i32
    %broadcast_in_dim3A_417 = vector.broadcast %broadcast_in_dim3A_416 : i32 to vector<16xi32>
    %scan3A_418 = arith.constant 0 : i32
    %scan3A_419 = arith.constant 0 : i32
    %scan3A_420 = arith.constant 128 : i32
    %scan3A_421 = arith.addi %scan3A_419, %scan3A_420 : i32
    %scan3A_422 = arith.constant 1 : i32
    scf.for %scan3A_682 = %scan3A_419 to %scan3A_421 step %scan3A_422  : i32 {
      %broadcast_in_dim3A_683 = arith.constant 0 : i32
      %broadcast_in_dim3A_684 = vector.broadcast %broadcast_in_dim3A_683 : i32 to vector<16xi32>
      %add3A_685 = vector.broadcast %scan3A_682 : i32 to vector<16xi32>
      %add3A_686 = arith.addi %broadcast_in_dim3A_684, %add3A_685 : vector<16xi32>
      %broadcast_in_dim3A_687 = arith.constant 0 : i32
      %broadcast_in_dim3A_688 = vector.broadcast %broadcast_in_dim3A_687 : i32 to vector<16xi32>
      %add3A_689 = vector.broadcast %scan3A_682 : i32 to vector<16xi32>
      %add3A_690 = arith.addi %broadcast_in_dim3A_688, %add3A_689 : vector<16xi32>
      %gather3A = tpu.vector_load_idx %arg10[%add3A_690, %iota3A] : memref<1024x32xf32, #tpu.memory_space<vmem>>[vector<16xi32>, vector<16xi32>], vector<16xf32>,
      %gather3A_691 = tpu.vector_load_idx %arg10[%add3A_690, %add3A_11] : memref<1024x32xf32, #tpu.memory_space<vmem>>[vector<16xi32>, vector<16xi32>], vector<16xf32>,
      %add3A_692 = arith.constant 128 : i32
      %add3A_693 = vector.broadcast %add3A_692 : i32 to vector<16xi32>
      %add3A_694 = arith.addi %add3A_690, %add3A_693 : vector<16xi32>
      %gather3A_695 = tpu.vector_load_idx %arg10[%add3A_694, %iota3A] : memref<1024x32xf32, #tpu.memory_space<vmem>>[vector<16xi32>, vector<16xi32>], vector<16xf32>,
      %add3A_696 = arith.addf %gather3A, %gather3A_695 : vector<16xf32>
      %gather3A_697 = tpu.vector_load_idx %arg10[%add3A_694, %add3A_11] : memref<1024x32xf32, #tpu.memory_space<vmem>>[vector<16xi32>, vector<16xi32>], vector<16xf32>,
      %add3A_698 = arith.addf %gather3A_691, %gather3A_697 : vector<16xf32>
      %add3A_699 = arith.constant 256 : i32
      %add3A_700 = vector.broadcast %add3A_699 : i32 to vector<16xi32>
      %add3A_701 = arith.addi %add3A_690, %add3A_700 : vector<16xi32>
      %gather3A_702 = tpu.vector_load_idx %arg10[%add3A_701, %iota3A] : memref<1024x32xf32, #tpu.memory_space<vmem>>[vector<16xi32>, vector<16xi32>], vector<16xf32>,
      %add3A_703 = arith.addf %add3A_696, %gather3A_702 : vector<16xf32>
      %gather3A_704 = tpu.vector_load_idx %arg10[%add3A_701, %add3A_11] : memref<1024x32xf32, #tpu.memory_space<vmem>>[vector<16xi32>, vector<16xi32>], vector<16xf32>,
      %add3A_705 = arith.addf %add3A_698, %gather3A_704 : vector<16xf32>
      %add3A_706 = arith.constant 384 : i32
      %add3A_707 = vector.broadcast %add3A_706 : i32 to vector<16xi32>
      %add3A_708 = arith.addi %add3A_690, %add3A_707 : vector<16xi32>
      %gather3A_709 = tpu.vector_load_idx %arg10[%add3A_708, %iota3A] : memref<1024x32xf32, #tpu.memory_space<vmem>>[vector<16xi32>, vector<16xi32>], vector<16xf32>,
      %add3A_710 = arith.addf %add3A_703, %gather3A_709 : vector<16xf32>
      %gather3A_711 = tpu.vector_load_idx %arg10[%add3A_708, %add3A_11] : memref<1024x32xf32, #tpu.memory_space<vmem>>[vector<16xi32>, vector<16xi32>], vector<16xf32>,
      %add3A_712 = arith.addf %add3A_705, %gather3A_711 : vector<16xf32>
      %add3A_713 = arith.constant 512 : i32
      %add3A_714 = vector.broadcast %add3A_713 : i32 to vector<16xi32>
      %add3A_715 = arith.addi %add3A_690, %add3A_714 : vector<16xi32>
      %gather3A_716 = tpu.vector_load_idx %arg10[%add3A_715, %iota3A] : memref<1024x32xf32, #tpu.memory_space<vmem>>[vector<16xi32>, vector<16xi32>], vector<16xf32>,
      %add3A_717 = arith.addf %add3A_710, %gather3A_716 : vector<16xf32>
      %gather3A_718 = tpu.vector_load_idx %arg10[%add3A_715, %add3A_11] : memref<1024x32xf32, #tpu.memory_space<vmem>>[vector<16xi32>, vector<16xi32>], vector<16xf32>,
      %add3A_719 = arith.addf %add3A_712, %gather3A_718 : vector<16xf32>
      %add3A_720 = arith.constant 640 : i32
      %add3A_721 = vector.broadcast %add3A_720 : i32 to vector<16xi32>
      %add3A_722 = arith.addi %add3A_690, %add3A_721 : vector<16xi32>
      %gather3A_723 = tpu.vector_load_idx %arg10[%add3A_722, %iota3A] : memref<1024x32xf32, #tpu.memory_space<vmem>>[vector<16xi32>, vector<16xi32>], vector<16xf32>,
      %add3A_724 = arith.addf %add3A_717, %gather3A_723 : vector<16xf32>
      %gather3A_725 = tpu.vector_load_idx %arg10[%add3A_722, %add3A_11] : memref<1024x32xf32, #tpu.memory_space<vmem>>[vector<16xi32>, vector<16xi32>], vector<16xf32>,
      %add3A_726 = arith.addf %add3A_719, %gather3A_725 : vector<16xf32>
      %add3A_727 = arith.constant 768 : i32
      %add3A_728 = vector.broadcast %add3A_727 : i32 to vector<16xi32>
      %add3A_729 = arith.addi %add3A_690, %add3A_728 : vector<16xi32>
      %gather3A_730 = tpu.vector_load_idx %arg10[%add3A_729, %iota3A] : memref<1024x32xf32, #tpu.memory_space<vmem>>[vector<16xi32>, vector<16xi32>], vector<16xf32>,
      %add3A_731 = arith.addf %add3A_724, %gather3A_730 : vector<16xf32>
      %gather3A_732 = tpu.vector_load_idx %arg10[%add3A_729, %add3A_11] : memref<1024x32xf32, #tpu.memory_space<vmem>>[vector<16xi32>, vector<16xi32>], vector<16xf32>,
      %add3A_733 = arith.addf %add3A_726, %gather3A_732 : vector<16xf32>
      %add3A_734 = arith.constant 896 : i32
      %add3A_735 = vector.broadcast %add3A_734 : i32 to vector<16xi32>
      %add3A_736 = arith.addi %add3A_690, %add3A_735 : vector<16xi32>
      %gather3A_737 = tpu.vector_load_idx %arg10[%add3A_736, %iota3A] : memref<1024x32xf32, #tpu.memory_space<vmem>>[vector<16xi32>, vector<16xi32>], vector<16xf32>,
      %add3A_738 = arith.addf %add3A_731, %gather3A_737 : vector<16xf32>
      %gather3A_739 = tpu.vector_load_idx %arg10[%add3A_736, %add3A_11] : memref<1024x32xf32, #tpu.memory_space<vmem>>[vector<16xi32>, vector<16xi32>], vector<16xf32>,
      %add3A_740 = arith.addf %add3A_733, %gather3A_739 : vector<16xf32>
      %gather3A_741 = tpu.vector_load_idx %arg7[%shift_right_arithmetic3A_6, %broadcast_in_dim3A_417, %and3A_8, %add3A_686] : memref<16x4x2x128xf32, #tpu.memory_space<vmem>>[vector<16xi32>, vector<16xi32>, vector<16xi32>, vector<16xi32>], vector<16xf32>,
      %add3A_742 = arith.constant 8 : i32
      %add3A_743 = vector.broadcast %add3A_742 : i32 to vector<16xi32>
      %add3A_744 = arith.addi %shift_right_arithmetic3A_6, %add3A_743 : vector<16xi32>
      %gather3A_745 = tpu.vector_load_idx %arg7[%add3A_744, %broadcast_in_dim3A_417, %and3A_8, %add3A_686] : memref<16x4x2x128xf32, #tpu.memory_space<vmem>>[vector<16xi32>, vector<16xi32>, vector<16xi32>, vector<16xi32>], vector<16xf32>,
      %mul3A_746 = arith.constant 5.000000e-01 : f32
      %mul3A_747 = vector.broadcast %mul3A_746 : f32 to vector<16xf32>
      %mul3A_748 = arith.mulf %mul3A_747, %gather3A_741 : vector<16xf32>
      %mul3A_749 = arith.constant 6.250000e-02 : f32
      %mul3A_750 = vector.broadcast %mul3A_749 : f32 to vector<16xf32>
      %mul3A_751 = arith.mulf %mul3A_750, %add3A_738 : vector<16xf32>
      %add3A_752 = arith.addf %mul3A_748, %mul3A_751 : vector<16xf32>
      %mul3A_753 = arith.constant 5.000000e-01 : f32
      %mul3A_754 = vector.broadcast %mul3A_753 : f32 to vector<16xf32>
      %mul3A_755 = arith.mulf %mul3A_754, %gather3A_745 : vector<16xf32>
      %mul3A_756 = arith.constant 6.250000e-02 : f32
      %mul3A_757 = vector.broadcast %mul3A_756 : f32 to vector<16xf32>
      %mul3A_758 = arith.mulf %mul3A_757, %add3A_740 : vector<16xf32>
      %add3A_759 = arith.addf %mul3A_755, %mul3A_758 : vector<16xf32>
      %add3A_760 = arith.constant 8 : i32
      %add3A_761 = vector.broadcast %add3A_760 : i32 to vector<16xi32>
      %add3A_762 = arith.addi %shift_right_arithmetic3A_6, %add3A_761 : vector<16xi32>
      %mul3A_763 = arith.mulf %add3A_752, %add3A_752 : vector<16xf32>
      %iota3A_764 = tpu.iota {dimensions = array<i32: 0>} : vector<16xi32>
      %xor3A = arith.constant 1 : i32
      %xor3A_765 = vector.broadcast %xor3A : i32 to vector<16xi32>
      %xor3A_766 = arith.xori %iota3A_764, %xor3A_765 : vector<16xi32>
      %broadcast_in_dim3A_767 = vector.shape_cast %xor3A_766 : vector<16xi32> to vector<16x1xi32>
      %gather3A_768 = vector.shape_cast %broadcast_in_dim3A_767 : vector<16x1xi32> to vector<16xi32>
      %gather3A_769 = tpu.dynamic_gather %mul3A_763[%gather3A_768] in [0] : vector<16xf32>, vector<16xi32> -> vector<16xf32>
      %add3A_770 = arith.addf %mul3A_763, %gather3A_769 : vector<16xf32>
      %bitcast_convert_type3A = tpu.bitcast %add3A_770 : vector<16xf32> -> vector<16xi32>
      %shift_right_arithmetic3A_771 = arith.constant 1 : i32
      %shift_right_arithmetic3A_772 = vector.broadcast %shift_right_arithmetic3A_771 : i32 to vector<16xi32>
      %shift_right_arithmetic3A_773 = arith.shrsi %bitcast_convert_type3A, %shift_right_arithmetic3A_772 : vector<16xi32>
      %sub3A = arith.constant 1597463007 : i32
      %sub3A_774 = vector.broadcast %sub3A : i32 to vector<16xi32>
      %sub3A_775 = arith.subi %sub3A_774, %shift_right_arithmetic3A_773 : vector<16xi32>
      %bitcast_convert_type3A_776 = tpu.bitcast %sub3A_775 : vector<16xi32> -> vector<16xf32>
      %mul3A_777 = arith.constant 5.000000e-01 : f32
      %mul3A_778 = vector.broadcast %mul3A_777 : f32 to vector<16xf32>
      %mul3A_779 = arith.mulf %mul3A_778, %add3A_770 : vector<16xf32>
      %mul3A_780 = arith.mulf %mul3A_779, %bitcast_convert_type3A_776 : vector<16xf32>
      %mul3A_781 = arith.mulf %mul3A_780, %bitcast_convert_type3A_776 : vector<16xf32>
      %sub3A_782 = arith.constant 1.500000e+00 : f32
      %sub3A_783 = vector.broadcast %sub3A_782 : f32 to vector<16xf32>
      %sub3A_784 = arith.subf %sub3A_783, %mul3A_781 : vector<16xf32>
      %mul3A_785 = arith.mulf %bitcast_convert_type3A_776, %sub3A_784 : vector<16xf32>
      %mul3A_786 = arith.constant 5.000000e-01 : f32
      %mul3A_787 = vector.broadcast %mul3A_786 : f32 to vector<16xf32>
      %mul3A_788 = arith.mulf %mul3A_787, %add3A_770 : vector<16xf32>
      %mul3A_789 = arith.mulf %mul3A_788, %mul3A_785 : vector<16xf32>
      %mul3A_790 = arith.mulf %mul3A_789, %mul3A_785 : vector<16xf32>
      %sub3A_791 = arith.constant 1.500000e+00 : f32
      %sub3A_792 = vector.broadcast %sub3A_791 : f32 to vector<16xf32>
      %sub3A_793 = arith.subf %sub3A_792, %mul3A_790 : vector<16xf32>
      %mul3A_794 = arith.mulf %mul3A_785, %sub3A_793 : vector<16xf32>
      %mul3A_795 = arith.constant 5.000000e-01 : f32
      %mul3A_796 = vector.broadcast %mul3A_795 : f32 to vector<16xf32>
      %mul3A_797 = arith.mulf %mul3A_796, %add3A_770 : vector<16xf32>
      %mul3A_798 = arith.mulf %mul3A_797, %mul3A_794 : vector<16xf32>
      %mul3A_799 = arith.mulf %mul3A_798, %mul3A_794 : vector<16xf32>
      %sub3A_800 = arith.constant 1.500000e+00 : f32
      %sub3A_801 = vector.broadcast %sub3A_800 : f32 to vector<16xf32>
      %sub3A_802 = arith.subf %sub3A_801, %mul3A_799 : vector<16xf32>
      %mul3A_803 = arith.mulf %mul3A_794, %sub3A_802 : vector<16xf32>
      %min3A = arith.constant 1.000000e+06 : f32
      %min3A_804 = vector.broadcast %min3A : f32 to vector<16xf32>
      %min3A_805 = arith.minimumf %mul3A_803, %min3A_804 : vector<16xf32>
      %mul3A_806 = arith.mulf %add3A_752, %min3A_805 : vector<16xf32>
      tpu.vector_store_idx %arg8[%shift_right_arithmetic3A_6, %broadcast_in_dim3A_417, %and3A_8, %add3A_686], %mul3A_806 : memref<16x4x2x128xf32, #tpu.memory_space<vmem>>[vector<16xi32>, vector<16xi32>, vector<16xi32>, vector<16xi32>], vector<16xf32>,
      %mul3A_807 = arith.mulf %add3A_759, %add3A_759 : vector<16xf32>
      %iota3A_808 = tpu.iota {dimensions = array<i32: 0>} : vector<16xi32>
      %xor3A_809 = arith.constant 1 : i32
      %xor3A_810 = vector.broadcast %xor3A_809 : i32 to vector<16xi32>
      %xor3A_811 = arith.xori %iota3A_808, %xor3A_810 : vector<16xi32>
      %broadcast_in_dim3A_812 = vector.shape_cast %xor3A_811 : vector<16xi32> to vector<16x1xi32>
      %gather3A_813 = vector.shape_cast %broadcast_in_dim3A_812 : vector<16x1xi32> to vector<16xi32>
      %gather3A_814 = tpu.dynamic_gather %mul3A_807[%gather3A_813] in [0] : vector<16xf32>, vector<16xi32> -> vector<16xf32>
      %add3A_815 = arith.addf %mul3A_807, %gather3A_814 : vector<16xf32>
      %bitcast_convert_type3A_816 = tpu.bitcast %add3A_815 : vector<16xf32> -> vector<16xi32>
      %shift_right_arithmetic3A_817 = arith.constant 1 : i32
      %shift_right_arithmetic3A_818 = vector.broadcast %shift_right_arithmetic3A_817 : i32 to vector<16xi32>
      %shift_right_arithmetic3A_819 = arith.shrsi %bitcast_convert_type3A_816, %shift_right_arithmetic3A_818 : vector<16xi32>
      %sub3A_820 = arith.constant 1597463007 : i32
      %sub3A_821 = vector.broadcast %sub3A_820 : i32 to vector<16xi32>
      %sub3A_822 = arith.subi %sub3A_821, %shift_right_arithmetic3A_819 : vector<16xi32>
      %bitcast_convert_type3A_823 = tpu.bitcast %sub3A_822 : vector<16xi32> -> vector<16xf32>
      %mul3A_824 = arith.constant 5.000000e-01 : f32
      %mul3A_825 = vector.broadcast %mul3A_824 : f32 to vector<16xf32>
      %mul3A_826 = arith.mulf %mul3A_825, %add3A_815 : vector<16xf32>
      %mul3A_827 = arith.mulf %mul3A_826, %bitcast_convert_type3A_823 : vector<16xf32>
      %mul3A_828 = arith.mulf %mul3A_827, %bitcast_convert_type3A_823 : vector<16xf32>
      %sub3A_829 = arith.constant 1.500000e+00 : f32
      %sub3A_830 = vector.broadcast %sub3A_829 : f32 to vector<16xf32>
      %sub3A_831 = arith.subf %sub3A_830, %mul3A_828 : vector<16xf32>
      %mul3A_832 = arith.mulf %bitcast_convert_type3A_823, %sub3A_831 : vector<16xf32>
      %mul3A_833 = arith.constant 5.000000e-01 : f32
      %mul3A_834 = vector.broadcast %mul3A_833 : f32 to vector<16xf32>
      %mul3A_835 = arith.mulf %mul3A_834, %add3A_815 : vector<16xf32>
      %mul3A_836 = arith.mulf %mul3A_835, %mul3A_832 : vector<16xf32>
      %mul3A_837 = arith.mulf %mul3A_836, %mul3A_832 : vector<16xf32>
      %sub3A_838 = arith.constant 1.500000e+00 : f32
      %sub3A_839 = vector.broadcast %sub3A_838 : f32 to vector<16xf32>
      %sub3A_840 = arith.subf %sub3A_839, %mul3A_837 : vector<16xf32>
      %mul3A_841 = arith.mulf %mul3A_832, %sub3A_840 : vector<16xf32>
      %mul3A_842 = arith.constant 5.000000e-01 : f32
      %mul3A_843 = vector.broadcast %mul3A_842 : f32 to vector<16xf32>
      %mul3A_844 = arith.mulf %mul3A_843, %add3A_815 : vector<16xf32>
      %mul3A_845 = arith.mulf %mul3A_844, %mul3A_841 : vector<16xf32>
      %mul3A_846 = arith.mulf %mul3A_845, %mul3A_841 : vector<16xf32>
      %sub3A_847 = arith.constant 1.500000e+00 : f32
      %sub3A_848 = vector.broadcast %sub3A_847 : f32 to vector<16xf32>
      %sub3A_849 = arith.subf %sub3A_848, %mul3A_846 : vector<16xf32>
      %mul3A_850 = arith.mulf %mul3A_841, %sub3A_849 : vector<16xf32>
      %min3A_851 = arith.constant 1.000000e+06 : f32
      %min3A_852 = vector.broadcast %min3A_851 : f32 to vector<16xf32>
      %min3A_853 = arith.minimumf %mul3A_850, %min3A_852 : vector<16xf32>
      %mul3A_854 = arith.mulf %add3A_759, %min3A_853 : vector<16xf32>
      tpu.vector_store_idx %arg8[%add3A_762, %broadcast_in_dim3A_417, %and3A_8, %add3A_686], %mul3A_854 : memref<16x4x2x128xf32, #tpu.memory_space<vmem>>[vector<16xi32>, vector<16xi32>, vector<16xi32>, vector<16xi32>], vector<16xf32>,
    }
    %scan3A_423 = arith.constant 128 : i32
    %dma_wait3A_424 = arith.constant 16 : i32
    %dma_wait3A_425 = arith.constant 0 : i32
    %dma_wait3A_426 = arith.constant 0 : i32
    %dma_wait3A_427 = tpu.memref_slice %arg9[%dma_wait3A_425, %dma_wait3A_426] : memref<1024x32xf32, #tpu.memory_space<vmem>> -> memref<128x32xf32, #tpu.memory_space<vmem>>
    %dma_wait3A_428 = arith.constant 0 : i32
    %dma_wait3A_429 = tpu.memref_slice %arg6[%dma_wait3A_424, %dma_wait3A_428] : memref<32x128xi32, #tpu.memory_space<vmem>> -> memref<1x128xi32, #tpu.memory_space<vmem>>
    %dma_wait3A_430 = tpu.memref_squeeze %dma_wait3A_429 : memref<1x128xi32, #tpu.memory_space<vmem>> -> memref<128xi32, #tpu.memory_space<vmem>>
    %dma_wait3A_431 = arith.constant 0 : i32
    %dma_wait3A_432 = arith.constant 0 : i32
    %dma_wait3A_433 = tpu.memref_slice %arg4[%dma_wait3A_431, %dma_wait3A_432] : memref<1000000x32xf32, #tpu.memory_space<hbm>> -> memref<1000000x32xf32, #tpu.memory_space<hbm>>
    tpu.wait_indirect_dma semaphore(%arg11 : memref<!tpu.dma_semaphore, #tpu.memory_space<semaphore_mem>>) src(%dma_wait3A_433 : memref<1000000x32xf32, #tpu.memory_space<hbm>>) dst(%dma_wait3A_427 : memref<128x32xf32, #tpu.memory_space<vmem>>)
    %dma_wait3A_434 = arith.constant 17 : i32
    %dma_wait3A_435 = arith.constant 128 : i32
    %dma_wait3A_436 = arith.constant 0 : i32
    %dma_wait3A_437 = tpu.memref_slice %arg9[%dma_wait3A_435, %dma_wait3A_436] : memref<1024x32xf32, #tpu.memory_space<vmem>> -> memref<128x32xf32, #tpu.memory_space<vmem>>
    %dma_wait3A_438 = arith.constant 0 : i32
    %dma_wait3A_439 = tpu.memref_slice %arg6[%dma_wait3A_434, %dma_wait3A_438] : memref<32x128xi32, #tpu.memory_space<vmem>> -> memref<1x128xi32, #tpu.memory_space<vmem>>
    %dma_wait3A_440 = tpu.memref_squeeze %dma_wait3A_439 : memref<1x128xi32, #tpu.memory_space<vmem>> -> memref<128xi32, #tpu.memory_space<vmem>>
    %dma_wait3A_441 = arith.constant 0 : i32
    %dma_wait3A_442 = arith.constant 0 : i32
    %dma_wait3A_443 = tpu.memref_slice %arg4[%dma_wait3A_441, %dma_wait3A_442] : memref<1000000x32xf32, #tpu.memory_space<hbm>> -> memref<1000000x32xf32, #tpu.memory_space<hbm>>
    tpu.wait_indirect_dma semaphore(%arg11 : memref<!tpu.dma_semaphore, #tpu.memory_space<semaphore_mem>>) src(%dma_wait3A_443 : memref<1000000x32xf32, #tpu.memory_space<hbm>>) dst(%dma_wait3A_437 : memref<128x32xf32, #tpu.memory_space<vmem>>)
    %dma_wait3A_444 = arith.constant 18 : i32
    %dma_wait3A_445 = arith.constant 256 : i32
    %dma_wait3A_446 = arith.constant 0 : i32
    %dma_wait3A_447 = tpu.memref_slice %arg9[%dma_wait3A_445, %dma_wait3A_446] : memref<1024x32xf32, #tpu.memory_space<vmem>> -> memref<128x32xf32, #tpu.memory_space<vmem>>
    %dma_wait3A_448 = arith.constant 0 : i32
    %dma_wait3A_449 = tpu.memref_slice %arg6[%dma_wait3A_444, %dma_wait3A_448] : memref<32x128xi32, #tpu.memory_space<vmem>> -> memref<1x128xi32, #tpu.memory_space<vmem>>
    %dma_wait3A_450 = tpu.memref_squeeze %dma_wait3A_449 : memref<1x128xi32, #tpu.memory_space<vmem>> -> memref<128xi32, #tpu.memory_space<vmem>>
    %dma_wait3A_451 = arith.constant 0 : i32
    %dma_wait3A_452 = arith.constant 0 : i32
    %dma_wait3A_453 = tpu.memref_slice %arg4[%dma_wait3A_451, %dma_wait3A_452] : memref<1000000x32xf32, #tpu.memory_space<hbm>> -> memref<1000000x32xf32, #tpu.memory_space<hbm>>
    tpu.wait_indirect_dma semaphore(%arg11 : memref<!tpu.dma_semaphore, #tpu.memory_space<semaphore_mem>>) src(%dma_wait3A_453 : memref<1000000x32xf32, #tpu.memory_space<hbm>>) dst(%dma_wait3A_447 : memref<128x32xf32, #tpu.memory_space<vmem>>)
    %dma_wait3A_454 = arith.constant 19 : i32
    %dma_wait3A_455 = arith.constant 384 : i32
    %dma_wait3A_456 = arith.constant 0 : i32
    %dma_wait3A_457 = tpu.memref_slice %arg9[%dma_wait3A_455, %dma_wait3A_456] : memref<1024x32xf32, #tpu.memory_space<vmem>> -> memref<128x32xf32, #tpu.memory_space<vmem>>
    %dma_wait3A_458 = arith.constant 0 : i32
    %dma_wait3A_459 = tpu.memref_slice %arg6[%dma_wait3A_454, %dma_wait3A_458] : memref<32x128xi32, #tpu.memory_space<vmem>> -> memref<1x128xi32, #tpu.memory_space<vmem>>
    %dma_wait3A_460 = tpu.memref_squeeze %dma_wait3A_459 : memref<1x128xi32, #tpu.memory_space<vmem>> -> memref<128xi32, #tpu.memory_space<vmem>>
    %dma_wait3A_461 = arith.constant 0 : i32
    %dma_wait3A_462 = arith.constant 0 : i32
    %dma_wait3A_463 = tpu.memref_slice %arg4[%dma_wait3A_461, %dma_wait3A_462] : memref<1000000x32xf32, #tpu.memory_space<hbm>> -> memref<1000000x32xf32, #tpu.memory_space<hbm>>
    tpu.wait_indirect_dma semaphore(%arg11 : memref<!tpu.dma_semaphore, #tpu.memory_space<semaphore_mem>>) src(%dma_wait3A_463 : memref<1000000x32xf32, #tpu.memory_space<hbm>>) dst(%dma_wait3A_457 : memref<128x32xf32, #tpu.memory_space<vmem>>)
    %dma_wait3A_464 = arith.constant 20 : i32
    %dma_wait3A_465 = arith.constant 512 : i32
    %dma_wait3A_466 = arith.constant 0 : i32
    %dma_wait3A_467 = tpu.memref_slice %arg9[%dma_wait3A_465, %dma_wait3A_466] : memref<1024x32xf32, #tpu.memory_space<vmem>> -> memref<128x32xf32, #tpu.memory_space<vmem>>
    %dma_wait3A_468 = arith.constant 0 : i32
    %dma_wait3A_469 = tpu.memref_slice %arg6[%dma_wait3A_464, %dma_wait3A_468] : memref<32x128xi32, #tpu.memory_space<vmem>> -> memref<1x128xi32, #tpu.memory_space<vmem>>
    %dma_wait3A_470 = tpu.memref_squeeze %dma_wait3A_469 : memref<1x128xi32, #tpu.memory_space<vmem>> -> memref<128xi32, #tpu.memory_space<vmem>>
    %dma_wait3A_471 = arith.constant 0 : i32
    %dma_wait3A_472 = arith.constant 0 : i32
    %dma_wait3A_473 = tpu.memref_slice %arg4[%dma_wait3A_471, %dma_wait3A_472] : memref<1000000x32xf32, #tpu.memory_space<hbm>> -> memref<1000000x32xf32, #tpu.memory_space<hbm>>
    tpu.wait_indirect_dma semaphore(%arg11 : memref<!tpu.dma_semaphore, #tpu.memory_space<semaphore_mem>>) src(%dma_wait3A_473 : memref<1000000x32xf32, #tpu.memory_space<hbm>>) dst(%dma_wait3A_467 : memref<128x32xf32, #tpu.memory_space<vmem>>)
    %dma_wait3A_474 = arith.constant 21 : i32
    %dma_wait3A_475 = arith.constant 640 : i32
    %dma_wait3A_476 = arith.constant 0 : i32
    %dma_wait3A_477 = tpu.memref_slice %arg9[%dma_wait3A_475, %dma_wait3A_476] : memref<1024x32xf32, #tpu.memory_space<vmem>> -> memref<128x32xf32, #tpu.memory_space<vmem>>
    %dma_wait3A_478 = arith.constant 0 : i32
    %dma_wait3A_479 = tpu.memref_slice %arg6[%dma_wait3A_474, %dma_wait3A_478] : memref<32x128xi32, #tpu.memory_space<vmem>> -> memref<1x128xi32, #tpu.memory_space<vmem>>
    %dma_wait3A_480 = tpu.memref_squeeze %dma_wait3A_479 : memref<1x128xi32, #tpu.memory_space<vmem>> -> memref<128xi32, #tpu.memory_space<vmem>>
    %dma_wait3A_481 = arith.constant 0 : i32
    %dma_wait3A_482 = arith.constant 0 : i32
    %dma_wait3A_483 = tpu.memref_slice %arg4[%dma_wait3A_481, %dma_wait3A_482] : memref<1000000x32xf32, #tpu.memory_space<hbm>> -> memref<1000000x32xf32, #tpu.memory_space<hbm>>
    tpu.wait_indirect_dma semaphore(%arg11 : memref<!tpu.dma_semaphore, #tpu.memory_space<semaphore_mem>>) src(%dma_wait3A_483 : memref<1000000x32xf32, #tpu.memory_space<hbm>>) dst(%dma_wait3A_477 : memref<128x32xf32, #tpu.memory_space<vmem>>)
    %dma_wait3A_484 = arith.constant 22 : i32
    %dma_wait3A_485 = arith.constant 768 : i32
    %dma_wait3A_486 = arith.constant 0 : i32
    %dma_wait3A_487 = tpu.memref_slice %arg9[%dma_wait3A_485, %dma_wait3A_486] : memref<1024x32xf32, #tpu.memory_space<vmem>> -> memref<128x32xf32, #tpu.memory_space<vmem>>
    %dma_wait3A_488 = arith.constant 0 : i32
    %dma_wait3A_489 = tpu.memref_slice %arg6[%dma_wait3A_484, %dma_wait3A_488] : memref<32x128xi32, #tpu.memory_space<vmem>> -> memref<1x128xi32, #tpu.memory_space<vmem>>
    %dma_wait3A_490 = tpu.memref_squeeze %dma_wait3A_489 : memref<1x128xi32, #tpu.memory_space<vmem>> -> memref<128xi32, #tpu.memory_space<vmem>>
    %dma_wait3A_491 = arith.constant 0 : i32
    %dma_wait3A_492 = arith.constant 0 : i32
    %dma_wait3A_493 = tpu.memref_slice %arg4[%dma_wait3A_491, %dma_wait3A_492] : memref<1000000x32xf32, #tpu.memory_space<hbm>> -> memref<1000000x32xf32, #tpu.memory_space<hbm>>
    tpu.wait_indirect_dma semaphore(%arg11 : memref<!tpu.dma_semaphore, #tpu.memory_space<semaphore_mem>>) src(%dma_wait3A_493 : memref<1000000x32xf32, #tpu.memory_space<hbm>>) dst(%dma_wait3A_487 : memref<128x32xf32, #tpu.memory_space<vmem>>)
    %dma_wait3A_494 = arith.constant 23 : i32
    %dma_wait3A_495 = arith.constant 896 : i32
    %dma_wait3A_496 = arith.constant 0 : i32
    %dma_wait3A_497 = tpu.memref_slice %arg9[%dma_wait3A_495, %dma_wait3A_496] : memref<1024x32xf32, #tpu.memory_space<vmem>> -> memref<128x32xf32, #tpu.memory_space<vmem>>
    %dma_wait3A_498 = arith.constant 0 : i32
    %dma_wait3A_499 = tpu.memref_slice %arg6[%dma_wait3A_494, %dma_wait3A_498] : memref<32x128xi32, #tpu.memory_space<vmem>> -> memref<1x128xi32, #tpu.memory_space<vmem>>
    %dma_wait3A_500 = tpu.memref_squeeze %dma_wait3A_499 : memref<1x128xi32, #tpu.memory_space<vmem>> -> memref<128xi32, #tpu.memory_space<vmem>>
    %dma_wait3A_501 = arith.constant 0 : i32
    %dma_wait3A_502 = arith.constant 0 : i32
    %dma_wait3A_503 = tpu.memref_slice %arg4[%dma_wait3A_501, %dma_wait3A_502] : memref<1000000x32xf32, #tpu.memory_space<hbm>> -> memref<1000000x32xf32, #tpu.memory_space<hbm>>
    tpu.wait_indirect_dma semaphore(%arg11 : memref<!tpu.dma_semaphore, #tpu.memory_space<semaphore_mem>>) src(%dma_wait3A_503 : memref<1000000x32xf32, #tpu.memory_space<hbm>>) dst(%dma_wait3A_497 : memref<128x32xf32, #tpu.memory_space<vmem>>)
    %dma_start3A_504 = arith.constant 24 : i32
    %dma_start3A_505 = arith.constant 0 : i32
    %dma_start3A_506 = arith.constant 0 : i32
    %dma_start3A_507 = tpu.memref_slice %arg10[%dma_start3A_505, %dma_start3A_506] : memref<1024x32xf32, #tpu.memory_space<vmem>> -> memref<128x32xf32, #tpu.memory_space<vmem>>
    %dma_start3A_508 = arith.constant 0 : i32
    %dma_start3A_509 = tpu.memref_slice %arg6[%dma_start3A_504, %dma_start3A_508] : memref<32x128xi32, #tpu.memory_space<vmem>> -> memref<1x128xi32, #tpu.memory_space<vmem>>
    %dma_start3A_510 = tpu.memref_squeeze %dma_start3A_509 : memref<1x128xi32, #tpu.memory_space<vmem>> -> memref<128xi32, #tpu.memory_space<vmem>>
    %dma_start3A_511 = arith.constant 0 : i32
    %dma_start3A_512 = arith.constant 0 : i32
    %dma_start3A_513 = tpu.memref_slice %arg4[%dma_start3A_511, %dma_start3A_512] : memref<1000000x32xf32, #tpu.memory_space<hbm>> -> memref<1000000x32xf32, #tpu.memory_space<hbm>>
    tpu.enqueue_indirect_dma source(%dma_start3A_513 : memref<1000000x32xf32, #tpu.memory_space<hbm>>) target(%dma_start3A_507 : memref<128x32xf32, #tpu.memory_space<vmem>>) offsets(%dma_start3A_510 : memref<128xi32, #tpu.memory_space<vmem>>) semaphore(%arg12 : memref<!tpu.dma_semaphore, #tpu.memory_space<semaphore_mem>>)
    %dma_start3A_514 = arith.constant 25 : i32
    %dma_start3A_515 = arith.constant 128 : i32
    %dma_start3A_516 = arith.constant 0 : i32
    %dma_start3A_517 = tpu.memref_slice %arg10[%dma_start3A_515, %dma_start3A_516] : memref<1024x32xf32, #tpu.memory_space<vmem>> -> memref<128x32xf32, #tpu.memory_space<vmem>>
    %dma_start3A_518 = arith.constant 0 : i32
    %dma_start3A_519 = tpu.memref_slice %arg6[%dma_start3A_514, %dma_start3A_518] : memref<32x128xi32, #tpu.memory_space<vmem>> -> memref<1x128xi32, #tpu.memory_space<vmem>>
    %dma_start3A_520 = tpu.memref_squeeze %dma_start3A_519 : memref<1x128xi32, #tpu.memory_space<vmem>> -> memref<128xi32, #tpu.memory_space<vmem>>
    %dma_start3A_521 = arith.constant 0 : i32
    %dma_start3A_522 = arith.constant 0 : i32
    %dma_start3A_523 = tpu.memref_slice %arg4[%dma_start3A_521, %dma_start3A_522] : memref<1000000x32xf32, #tpu.memory_space<hbm>> -> memref<1000000x32xf32, #tpu.memory_space<hbm>>
    tpu.enqueue_indirect_dma source(%dma_start3A_523 : memref<1000000x32xf32, #tpu.memory_space<hbm>>) target(%dma_start3A_517 : memref<128x32xf32, #tpu.memory_space<vmem>>) offsets(%dma_start3A_520 : memref<128xi32, #tpu.memory_space<vmem>>) semaphore(%arg12 : memref<!tpu.dma_semaphore, #tpu.memory_space<semaphore_mem>>)
    %dma_start3A_524 = arith.constant 26 : i32
    %dma_start3A_525 = arith.constant 256 : i32
    %dma_start3A_526 = arith.constant 0 : i32
    %dma_start3A_527 = tpu.memref_slice %arg10[%dma_start3A_525, %dma_start3A_526] : memref<1024x32xf32, #tpu.memory_space<vmem>> -> memref<128x32xf32, #tpu.memory_space<vmem>>
    %dma_start3A_528 = arith.constant 0 : i32
    %dma_start3A_529 = tpu.memref_slice %arg6[%dma_start3A_524, %dma_start3A_528] : memref<32x128xi32, #tpu.memory_space<vmem>> -> memref<1x128xi32, #tpu.memory_space<vmem>>
    %dma_start3A_530 = tpu.memref_squeeze %dma_start3A_529 : memref<1x128xi32, #tpu.memory_space<vmem>> -> memref<128xi32, #tpu.memory_space<vmem>>
    %dma_start3A_531 = arith.constant 0 : i32
    %dma_start3A_532 = arith.constant 0 : i32
    %dma_start3A_533 = tpu.memref_slice %arg4[%dma_start3A_531, %dma_start3A_532] : memref<1000000x32xf32, #tpu.memory_space<hbm>> -> memref<1000000x32xf32, #tpu.memory_space<hbm>>
    tpu.enqueue_indirect_dma source(%dma_start3A_533 : memref<1000000x32xf32, #tpu.memory_space<hbm>>) target(%dma_start3A_527 : memref<128x32xf32, #tpu.memory_space<vmem>>) offsets(%dma_start3A_530 : memref<128xi32, #tpu.memory_space<vmem>>) semaphore(%arg12 : memref<!tpu.dma_semaphore, #tpu.memory_space<semaphore_mem>>)
    %dma_start3A_534 = arith.constant 27 : i32
    %dma_start3A_535 = arith.constant 384 : i32
    %dma_start3A_536 = arith.constant 0 : i32
    %dma_start3A_537 = tpu.memref_slice %arg10[%dma_start3A_535, %dma_start3A_536] : memref<1024x32xf32, #tpu.memory_space<vmem>> -> memref<128x32xf32, #tpu.memory_space<vmem>>
    %dma_start3A_538 = arith.constant 0 : i32
    %dma_start3A_539 = tpu.memref_slice %arg6[%dma_start3A_534, %dma_start3A_538] : memref<32x128xi32, #tpu.memory_space<vmem>> -> memref<1x128xi32, #tpu.memory_space<vmem>>
    %dma_start3A_540 = tpu.memref_squeeze %dma_start3A_539 : memref<1x128xi32, #tpu.memory_space<vmem>> -> memref<128xi32, #tpu.memory_space<vmem>>
    %dma_start3A_541 = arith.constant 0 : i32
    %dma_start3A_542 = arith.constant 0 : i32
    %dma_start3A_543 = tpu.memref_slice %arg4[%dma_start3A_541, %dma_start3A_542] : memref<1000000x32xf32, #tpu.memory_space<hbm>> -> memref<1000000x32xf32, #tpu.memory_space<hbm>>
    tpu.enqueue_indirect_dma source(%dma_start3A_543 : memref<1000000x32xf32, #tpu.memory_space<hbm>>) target(%dma_start3A_537 : memref<128x32xf32, #tpu.memory_space<vmem>>) offsets(%dma_start3A_540 : memref<128xi32, #tpu.memory_space<vmem>>) semaphore(%arg12 : memref<!tpu.dma_semaphore, #tpu.memory_space<semaphore_mem>>)
    %dma_start3A_544 = arith.constant 28 : i32
    %dma_start3A_545 = arith.constant 512 : i32
    %dma_start3A_546 = arith.constant 0 : i32
    %dma_start3A_547 = tpu.memref_slice %arg10[%dma_start3A_545, %dma_start3A_546] : memref<1024x32xf32, #tpu.memory_space<vmem>> -> memref<128x32xf32, #tpu.memory_space<vmem>>
    %dma_start3A_548 = arith.constant 0 : i32
    %dma_start3A_549 = tpu.memref_slice %arg6[%dma_start3A_544, %dma_start3A_548] : memref<32x128xi32, #tpu.memory_space<vmem>> -> memref<1x128xi32, #tpu.memory_space<vmem>>
    %dma_start3A_550 = tpu.memref_squeeze %dma_start3A_549 : memref<1x128xi32, #tpu.memory_space<vmem>> -> memref<128xi32, #tpu.memory_space<vmem>>
    %dma_start3A_551 = arith.constant 0 : i32
    %dma_start3A_552 = arith.constant 0 : i32
    %dma_start3A_553 = tpu.memref_slice %arg4[%dma_start3A_551, %dma_start3A_552] : memref<1000000x32xf32, #tpu.memory_space<hbm>> -> memref<1000000x32xf32, #tpu.memory_space<hbm>>
    tpu.enqueue_indirect_dma source(%dma_start3A_553 : memref<1000000x32xf32, #tpu.memory_space<hbm>>) target(%dma_start3A_547 : memref<128x32xf32, #tpu.memory_space<vmem>>) offsets(%dma_start3A_550 : memref<128xi32, #tpu.memory_space<vmem>>) semaphore(%arg12 : memref<!tpu.dma_semaphore, #tpu.memory_space<semaphore_mem>>)
    %dma_start3A_554 = arith.constant 29 : i32
    %dma_start3A_555 = arith.constant 640 : i32
    %dma_start3A_556 = arith.constant 0 : i32
    %dma_start3A_557 = tpu.memref_slice %arg10[%dma_start3A_555, %dma_start3A_556] : memref<1024x32xf32, #tpu.memory_space<vmem>> -> memref<128x32xf32, #tpu.memory_space<vmem>>
    %dma_start3A_558 = arith.constant 0 : i32
    %dma_start3A_559 = tpu.memref_slice %arg6[%dma_start3A_554, %dma_start3A_558] : memref<32x128xi32, #tpu.memory_space<vmem>> -> memref<1x128xi32, #tpu.memory_space<vmem>>
    %dma_start3A_560 = tpu.memref_squeeze %dma_start3A_559 : memref<1x128xi32, #tpu.memory_space<vmem>> -> memref<128xi32, #tpu.memory_space<vmem>>
    %dma_start3A_561 = arith.constant 0 : i32
    %dma_start3A_562 = arith.constant 0 : i32
    %dma_start3A_563 = tpu.memref_slice %arg4[%dma_start3A_561, %dma_start3A_562] : memref<1000000x32xf32, #tpu.memory_space<hbm>> -> memref<1000000x32xf32, #tpu.memory_space<hbm>>
    tpu.enqueue_indirect_dma source(%dma_start3A_563 : memref<1000000x32xf32, #tpu.memory_space<hbm>>) target(%dma_start3A_557 : memref<128x32xf32, #tpu.memory_space<vmem>>) offsets(%dma_start3A_560 : memref<128xi32, #tpu.memory_space<vmem>>) semaphore(%arg12 : memref<!tpu.dma_semaphore, #tpu.memory_space<semaphore_mem>>)
    %dma_start3A_564 = arith.constant 30 : i32
    %dma_start3A_565 = arith.constant 768 : i32
    %dma_start3A_566 = arith.constant 0 : i32
    %dma_start3A_567 = tpu.memref_slice %arg10[%dma_start3A_565, %dma_start3A_566] : memref<1024x32xf32, #tpu.memory_space<vmem>> -> memref<128x32xf32, #tpu.memory_space<vmem>>
    %dma_start3A_568 = arith.constant 0 : i32
    %dma_start3A_569 = tpu.memref_slice %arg6[%dma_start3A_564, %dma_start3A_568] : memref<32x128xi32, #tpu.memory_space<vmem>> -> memref<1x128xi32, #tpu.memory_space<vmem>>
    %dma_start3A_570 = tpu.memref_squeeze %dma_start3A_569 : memref<1x128xi32, #tpu.memory_space<vmem>> -> memref<128xi32, #tpu.memory_space<vmem>>
    %dma_start3A_571 = arith.constant 0 : i32
    %dma_start3A_572 = arith.constant 0 : i32
    %dma_start3A_573 = tpu.memref_slice %arg4[%dma_start3A_571, %dma_start3A_572] : memref<1000000x32xf32, #tpu.memory_space<hbm>> -> memref<1000000x32xf32, #tpu.memory_space<hbm>>
    tpu.enqueue_indirect_dma source(%dma_start3A_573 : memref<1000000x32xf32, #tpu.memory_space<hbm>>) target(%dma_start3A_567 : memref<128x32xf32, #tpu.memory_space<vmem>>) offsets(%dma_start3A_570 : memref<128xi32, #tpu.memory_space<vmem>>) semaphore(%arg12 : memref<!tpu.dma_semaphore, #tpu.memory_space<semaphore_mem>>)
    %dma_start3A_574 = arith.constant 31 : i32
    %dma_start3A_575 = arith.constant 896 : i32
    %dma_start3A_576 = arith.constant 0 : i32
    %dma_start3A_577 = tpu.memref_slice %arg10[%dma_start3A_575, %dma_start3A_576] : memref<1024x32xf32, #tpu.memory_space<vmem>> -> memref<128x32xf32, #tpu.memory_space<vmem>>
    %dma_start3A_578 = arith.constant 0 : i32
    %dma_start3A_579 = tpu.memref_slice %arg6[%dma_start3A_574, %dma_start3A_578] : memref<32x128xi32, #tpu.memory_space<vmem>> -> memref<1x128xi32, #tpu.memory_space<vmem>>
    %dma_start3A_580 = tpu.memref_squeeze %dma_start3A_579 : memref<1x128xi32, #tpu.memory_space<vmem>> -> memref<128xi32, #tpu.memory_space<vmem>>
    %dma_start3A_581 = arith.constant 0 : i32
    %dma_start3A_582 = arith.constant 0 : i32
    %dma_start3A_583 = tpu.memref_slice %arg4[%dma_start3A_581, %dma_start3A_582] : memref<1000000x32xf32, #tpu.memory_space<hbm>> -> memref<1000000x32xf32, #tpu.memory_space<hbm>>
    tpu.enqueue_indirect_dma source(%dma_start3A_583 : memref<1000000x32xf32, #tpu.memory_space<hbm>>) target(%dma_start3A_577 : memref<128x32xf32, #tpu.memory_space<vmem>>) offsets(%dma_start3A_580 : memref<128xi32, #tpu.memory_space<vmem>>) semaphore(%arg12 : memref<!tpu.dma_semaphore, #tpu.memory_space<semaphore_mem>>)
    %broadcast_in_dim3A_584 = arith.constant 2 : i32
    %broadcast_in_dim3A_585 = vector.broadcast %broadcast_in_dim3A_584 : i32 to vector<16xi32>
    %scan3A_586 = arith.constant 0 : i32
    %scan3A_587 = arith.constant 0 : i32
    %scan3A_588 = arith.constant 128 : i32
    %scan3A_589 = arith.addi %scan3A_587, %scan3A_588 : i32
    %scan3A_590 = arith.constant 1 : i32
    scf.for %scan3A_682 = %scan3A_587 to %scan3A_589 step %scan3A_590  : i32 {
      %broadcast_in_dim3A_683 = arith.constant 0 : i32
      %broadcast_in_dim3A_684 = vector.broadcast %broadcast_in_dim3A_683 : i32 to vector<16xi32>
      %add3A_685 = vector.broadcast %scan3A_682 : i32 to vector<16xi32>
      %add3A_686 = arith.addi %broadcast_in_dim3A_684, %add3A_685 : vector<16xi32>
      %broadcast_in_dim3A_687 = arith.constant 0 : i32
      %broadcast_in_dim3A_688 = vector.broadcast %broadcast_in_dim3A_687 : i32 to vector<16xi32>
      %add3A_689 = vector.broadcast %scan3A_682 : i32 to vector<16xi32>
      %add3A_690 = arith.addi %broadcast_in_dim3A_688, %add3A_689 : vector<16xi32>
      %gather3A = tpu.vector_load_idx %arg9[%add3A_690, %iota3A] : memref<1024x32xf32, #tpu.memory_space<vmem>>[vector<16xi32>, vector<16xi32>], vector<16xf32>,
      %gather3A_691 = tpu.vector_load_idx %arg9[%add3A_690, %add3A_11] : memref<1024x32xf32, #tpu.memory_space<vmem>>[vector<16xi32>, vector<16xi32>], vector<16xf32>,
      %add3A_692 = arith.constant 128 : i32
      %add3A_693 = vector.broadcast %add3A_692 : i32 to vector<16xi32>
      %add3A_694 = arith.addi %add3A_690, %add3A_693 : vector<16xi32>
      %gather3A_695 = tpu.vector_load_idx %arg9[%add3A_694, %iota3A] : memref<1024x32xf32, #tpu.memory_space<vmem>>[vector<16xi32>, vector<16xi32>], vector<16xf32>,
      %add3A_696 = arith.addf %gather3A, %gather3A_695 : vector<16xf32>
      %gather3A_697 = tpu.vector_load_idx %arg9[%add3A_694, %add3A_11] : memref<1024x32xf32, #tpu.memory_space<vmem>>[vector<16xi32>, vector<16xi32>], vector<16xf32>,
      %add3A_698 = arith.addf %gather3A_691, %gather3A_697 : vector<16xf32>
      %add3A_699 = arith.constant 256 : i32
      %add3A_700 = vector.broadcast %add3A_699 : i32 to vector<16xi32>
      %add3A_701 = arith.addi %add3A_690, %add3A_700 : vector<16xi32>
      %gather3A_702 = tpu.vector_load_idx %arg9[%add3A_701, %iota3A] : memref<1024x32xf32, #tpu.memory_space<vmem>>[vector<16xi32>, vector<16xi32>], vector<16xf32>,
      %add3A_703 = arith.addf %add3A_696, %gather3A_702 : vector<16xf32>
      %gather3A_704 = tpu.vector_load_idx %arg9[%add3A_701, %add3A_11] : memref<1024x32xf32, #tpu.memory_space<vmem>>[vector<16xi32>, vector<16xi32>], vector<16xf32>,
      %add3A_705 = arith.addf %add3A_698, %gather3A_704 : vector<16xf32>
      %add3A_706 = arith.constant 384 : i32
      %add3A_707 = vector.broadcast %add3A_706 : i32 to vector<16xi32>
      %add3A_708 = arith.addi %add3A_690, %add3A_707 : vector<16xi32>
      %gather3A_709 = tpu.vector_load_idx %arg9[%add3A_708, %iota3A] : memref<1024x32xf32, #tpu.memory_space<vmem>>[vector<16xi32>, vector<16xi32>], vector<16xf32>,
      %add3A_710 = arith.addf %add3A_703, %gather3A_709 : vector<16xf32>
      %gather3A_711 = tpu.vector_load_idx %arg9[%add3A_708, %add3A_11] : memref<1024x32xf32, #tpu.memory_space<vmem>>[vector<16xi32>, vector<16xi32>], vector<16xf32>,
      %add3A_712 = arith.addf %add3A_705, %gather3A_711 : vector<16xf32>
      %add3A_713 = arith.constant 512 : i32
      %add3A_714 = vector.broadcast %add3A_713 : i32 to vector<16xi32>
      %add3A_715 = arith.addi %add3A_690, %add3A_714 : vector<16xi32>
      %gather3A_716 = tpu.vector_load_idx %arg9[%add3A_715, %iota3A] : memref<1024x32xf32, #tpu.memory_space<vmem>>[vector<16xi32>, vector<16xi32>], vector<16xf32>,
      %add3A_717 = arith.addf %add3A_710, %gather3A_716 : vector<16xf32>
      %gather3A_718 = tpu.vector_load_idx %arg9[%add3A_715, %add3A_11] : memref<1024x32xf32, #tpu.memory_space<vmem>>[vector<16xi32>, vector<16xi32>], vector<16xf32>,
      %add3A_719 = arith.addf %add3A_712, %gather3A_718 : vector<16xf32>
      %add3A_720 = arith.constant 640 : i32
      %add3A_721 = vector.broadcast %add3A_720 : i32 to vector<16xi32>
      %add3A_722 = arith.addi %add3A_690, %add3A_721 : vector<16xi32>
      %gather3A_723 = tpu.vector_load_idx %arg9[%add3A_722, %iota3A] : memref<1024x32xf32, #tpu.memory_space<vmem>>[vector<16xi32>, vector<16xi32>], vector<16xf32>,
      %add3A_724 = arith.addf %add3A_717, %gather3A_723 : vector<16xf32>
      %gather3A_725 = tpu.vector_load_idx %arg9[%add3A_722, %add3A_11] : memref<1024x32xf32, #tpu.memory_space<vmem>>[vector<16xi32>, vector<16xi32>], vector<16xf32>,
      %add3A_726 = arith.addf %add3A_719, %gather3A_725 : vector<16xf32>
      %add3A_727 = arith.constant 768 : i32
      %add3A_728 = vector.broadcast %add3A_727 : i32 to vector<16xi32>
      %add3A_729 = arith.addi %add3A_690, %add3A_728 : vector<16xi32>
      %gather3A_730 = tpu.vector_load_idx %arg9[%add3A_729, %iota3A] : memref<1024x32xf32, #tpu.memory_space<vmem>>[vector<16xi32>, vector<16xi32>], vector<16xf32>,
      %add3A_731 = arith.addf %add3A_724, %gather3A_730 : vector<16xf32>
      %gather3A_732 = tpu.vector_load_idx %arg9[%add3A_729, %add3A_11] : memref<1024x32xf32, #tpu.memory_space<vmem>>[vector<16xi32>, vector<16xi32>], vector<16xf32>,
      %add3A_733 = arith.addf %add3A_726, %gather3A_732 : vector<16xf32>
      %add3A_734 = arith.constant 896 : i32
      %add3A_735 = vector.broadcast %add3A_734 : i32 to vector<16xi32>
      %add3A_736 = arith.addi %add3A_690, %add3A_735 : vector<16xi32>
      %gather3A_737 = tpu.vector_load_idx %arg9[%add3A_736, %iota3A] : memref<1024x32xf32, #tpu.memory_space<vmem>>[vector<16xi32>, vector<16xi32>], vector<16xf32>,
      %add3A_738 = arith.addf %add3A_731, %gather3A_737 : vector<16xf32>
      %gather3A_739 = tpu.vector_load_idx %arg9[%add3A_736, %add3A_11] : memref<1024x32xf32, #tpu.memory_space<vmem>>[vector<16xi32>, vector<16xi32>], vector<16xf32>,
      %add3A_740 = arith.addf %add3A_733, %gather3A_739 : vector<16xf32>
      %gather3A_741 = tpu.vector_load_idx %arg7[%shift_right_arithmetic3A_6, %broadcast_in_dim3A_585, %and3A_8, %add3A_686] : memref<16x4x2x128xf32, #tpu.memory_space<vmem>>[vector<16xi32>, vector<16xi32>, vector<16xi32>, vector<16xi32>], vector<16xf32>,
      %add3A_742 = arith.constant 8 : i32
      %add3A_743 = vector.broadcast %add3A_742 : i32 to vector<16xi32>
      %add3A_744 = arith.addi %shift_right_arithmetic3A_6, %add3A_743 : vector<16xi32>
      %gather3A_745 = tpu.vector_load_idx %arg7[%add3A_744, %broadcast_in_dim3A_585, %and3A_8, %add3A_686] : memref<16x4x2x128xf32, #tpu.memory_space<vmem>>[vector<16xi32>, vector<16xi32>, vector<16xi32>, vector<16xi32>], vector<16xf32>,
      %mul3A_746 = arith.constant 5.000000e-01 : f32
      %mul3A_747 = vector.broadcast %mul3A_746 : f32 to vector<16xf32>
      %mul3A_748 = arith.mulf %mul3A_747, %gather3A_741 : vector<16xf32>
      %mul3A_749 = arith.constant 6.250000e-02 : f32
      %mul3A_750 = vector.broadcast %mul3A_749 : f32 to vector<16xf32>
      %mul3A_751 = arith.mulf %mul3A_750, %add3A_738 : vector<16xf32>
      %add3A_752 = arith.addf %mul3A_748, %mul3A_751 : vector<16xf32>
      %mul3A_753 = arith.constant 5.000000e-01 : f32
      %mul3A_754 = vector.broadcast %mul3A_753 : f32 to vector<16xf32>
      %mul3A_755 = arith.mulf %mul3A_754, %gather3A_745 : vector<16xf32>
      %mul3A_756 = arith.constant 6.250000e-02 : f32
      %mul3A_757 = vector.broadcast %mul3A_756 : f32 to vector<16xf32>
      %mul3A_758 = arith.mulf %mul3A_757, %add3A_740 : vector<16xf32>
      %add3A_759 = arith.addf %mul3A_755, %mul3A_758 : vector<16xf32>
      %add3A_760 = arith.constant 8 : i32
      %add3A_761 = vector.broadcast %add3A_760 : i32 to vector<16xi32>
      %add3A_762 = arith.addi %shift_right_arithmetic3A_6, %add3A_761 : vector<16xi32>
      %mul3A_763 = arith.mulf %add3A_752, %add3A_752 : vector<16xf32>
      %iota3A_764 = tpu.iota {dimensions = array<i32: 0>} : vector<16xi32>
      %xor3A = arith.constant 1 : i32
      %xor3A_765 = vector.broadcast %xor3A : i32 to vector<16xi32>
      %xor3A_766 = arith.xori %iota3A_764, %xor3A_765 : vector<16xi32>
      %broadcast_in_dim3A_767 = vector.shape_cast %xor3A_766 : vector<16xi32> to vector<16x1xi32>
      %gather3A_768 = vector.shape_cast %broadcast_in_dim3A_767 : vector<16x1xi32> to vector<16xi32>
      %gather3A_769 = tpu.dynamic_gather %mul3A_763[%gather3A_768] in [0] : vector<16xf32>, vector<16xi32> -> vector<16xf32>
      %add3A_770 = arith.addf %mul3A_763, %gather3A_769 : vector<16xf32>
      %bitcast_convert_type3A = tpu.bitcast %add3A_770 : vector<16xf32> -> vector<16xi32>
      %shift_right_arithmetic3A_771 = arith.constant 1 : i32
      %shift_right_arithmetic3A_772 = vector.broadcast %shift_right_arithmetic3A_771 : i32 to vector<16xi32>
      %shift_right_arithmetic3A_773 = arith.shrsi %bitcast_convert_type3A, %shift_right_arithmetic3A_772 : vector<16xi32>
      %sub3A = arith.constant 1597463007 : i32
      %sub3A_774 = vector.broadcast %sub3A : i32 to vector<16xi32>
      %sub3A_775 = arith.subi %sub3A_774, %shift_right_arithmetic3A_773 : vector<16xi32>
      %bitcast_convert_type3A_776 = tpu.bitcast %sub3A_775 : vector<16xi32> -> vector<16xf32>
      %mul3A_777 = arith.constant 5.000000e-01 : f32
      %mul3A_778 = vector.broadcast %mul3A_777 : f32 to vector<16xf32>
      %mul3A_779 = arith.mulf %mul3A_778, %add3A_770 : vector<16xf32>
      %mul3A_780 = arith.mulf %mul3A_779, %bitcast_convert_type3A_776 : vector<16xf32>
      %mul3A_781 = arith.mulf %mul3A_780, %bitcast_convert_type3A_776 : vector<16xf32>
      %sub3A_782 = arith.constant 1.500000e+00 : f32
      %sub3A_783 = vector.broadcast %sub3A_782 : f32 to vector<16xf32>
      %sub3A_784 = arith.subf %sub3A_783, %mul3A_781 : vector<16xf32>
      %mul3A_785 = arith.mulf %bitcast_convert_type3A_776, %sub3A_784 : vector<16xf32>
      %mul3A_786 = arith.constant 5.000000e-01 : f32
      %mul3A_787 = vector.broadcast %mul3A_786 : f32 to vector<16xf32>
      %mul3A_788 = arith.mulf %mul3A_787, %add3A_770 : vector<16xf32>
      %mul3A_789 = arith.mulf %mul3A_788, %mul3A_785 : vector<16xf32>
      %mul3A_790 = arith.mulf %mul3A_789, %mul3A_785 : vector<16xf32>
      %sub3A_791 = arith.constant 1.500000e+00 : f32
      %sub3A_792 = vector.broadcast %sub3A_791 : f32 to vector<16xf32>
      %sub3A_793 = arith.subf %sub3A_792, %mul3A_790 : vector<16xf32>
      %mul3A_794 = arith.mulf %mul3A_785, %sub3A_793 : vector<16xf32>
      %mul3A_795 = arith.constant 5.000000e-01 : f32
      %mul3A_796 = vector.broadcast %mul3A_795 : f32 to vector<16xf32>
      %mul3A_797 = arith.mulf %mul3A_796, %add3A_770 : vector<16xf32>
      %mul3A_798 = arith.mulf %mul3A_797, %mul3A_794 : vector<16xf32>
      %mul3A_799 = arith.mulf %mul3A_798, %mul3A_794 : vector<16xf32>
      %sub3A_800 = arith.constant 1.500000e+00 : f32
      %sub3A_801 = vector.broadcast %sub3A_800 : f32 to vector<16xf32>
      %sub3A_802 = arith.subf %sub3A_801, %mul3A_799 : vector<16xf32>
      %mul3A_803 = arith.mulf %mul3A_794, %sub3A_802 : vector<16xf32>
      %min3A = arith.constant 1.000000e+06 : f32
      %min3A_804 = vector.broadcast %min3A : f32 to vector<16xf32>
      %min3A_805 = arith.minimumf %mul3A_803, %min3A_804 : vector<16xf32>
      %mul3A_806 = arith.mulf %add3A_752, %min3A_805 : vector<16xf32>
      tpu.vector_store_idx %arg8[%shift_right_arithmetic3A_6, %broadcast_in_dim3A_585, %and3A_8, %add3A_686], %mul3A_806 : memref<16x4x2x128xf32, #tpu.memory_space<vmem>>[vector<16xi32>, vector<16xi32>, vector<16xi32>, vector<16xi32>], vector<16xf32>,
      %mul3A_807 = arith.mulf %add3A_759, %add3A_759 : vector<16xf32>
      %iota3A_808 = tpu.iota {dimensions = array<i32: 0>} : vector<16xi32>
      %xor3A_809 = arith.constant 1 : i32
      %xor3A_810 = vector.broadcast %xor3A_809 : i32 to vector<16xi32>
      %xor3A_811 = arith.xori %iota3A_808, %xor3A_810 : vector<16xi32>
      %broadcast_in_dim3A_812 = vector.shape_cast %xor3A_811 : vector<16xi32> to vector<16x1xi32>
      %gather3A_813 = vector.shape_cast %broadcast_in_dim3A_812 : vector<16x1xi32> to vector<16xi32>
      %gather3A_814 = tpu.dynamic_gather %mul3A_807[%gather3A_813] in [0] : vector<16xf32>, vector<16xi32> -> vector<16xf32>
      %add3A_815 = arith.addf %mul3A_807, %gather3A_814 : vector<16xf32>
      %bitcast_convert_type3A_816 = tpu.bitcast %add3A_815 : vector<16xf32> -> vector<16xi32>
      %shift_right_arithmetic3A_817 = arith.constant 1 : i32
      %shift_right_arithmetic3A_818 = vector.broadcast %shift_right_arithmetic3A_817 : i32 to vector<16xi32>
      %shift_right_arithmetic3A_819 = arith.shrsi %bitcast_convert_type3A_816, %shift_right_arithmetic3A_818 : vector<16xi32>
      %sub3A_820 = arith.constant 1597463007 : i32
      %sub3A_821 = vector.broadcast %sub3A_820 : i32 to vector<16xi32>
      %sub3A_822 = arith.subi %sub3A_821, %shift_right_arithmetic3A_819 : vector<16xi32>
      %bitcast_convert_type3A_823 = tpu.bitcast %sub3A_822 : vector<16xi32> -> vector<16xf32>
      %mul3A_824 = arith.constant 5.000000e-01 : f32
      %mul3A_825 = vector.broadcast %mul3A_824 : f32 to vector<16xf32>
      %mul3A_826 = arith.mulf %mul3A_825, %add3A_815 : vector<16xf32>
      %mul3A_827 = arith.mulf %mul3A_826, %bitcast_convert_type3A_823 : vector<16xf32>
      %mul3A_828 = arith.mulf %mul3A_827, %bitcast_convert_type3A_823 : vector<16xf32>
      %sub3A_829 = arith.constant 1.500000e+00 : f32
      %sub3A_830 = vector.broadcast %sub3A_829 : f32 to vector<16xf32>
      %sub3A_831 = arith.subf %sub3A_830, %mul3A_828 : vector<16xf32>
      %mul3A_832 = arith.mulf %bitcast_convert_type3A_823, %sub3A_831 : vector<16xf32>
      %mul3A_833 = arith.constant 5.000000e-01 : f32
      %mul3A_834 = vector.broadcast %mul3A_833 : f32 to vector<16xf32>
      %mul3A_835 = arith.mulf %mul3A_834, %add3A_815 : vector<16xf32>
      %mul3A_836 = arith.mulf %mul3A_835, %mul3A_832 : vector<16xf32>
      %mul3A_837 = arith.mulf %mul3A_836, %mul3A_832 : vector<16xf32>
      %sub3A_838 = arith.constant 1.500000e+00 : f32
      %sub3A_839 = vector.broadcast %sub3A_838 : f32 to vector<16xf32>
      %sub3A_840 = arith.subf %sub3A_839, %mul3A_837 : vector<16xf32>
      %mul3A_841 = arith.mulf %mul3A_832, %sub3A_840 : vector<16xf32>
      %mul3A_842 = arith.constant 5.000000e-01 : f32
      %mul3A_843 = vector.broadcast %mul3A_842 : f32 to vector<16xf32>
      %mul3A_844 = arith.mulf %mul3A_843, %add3A_815 : vector<16xf32>
      %mul3A_845 = arith.mulf %mul3A_844, %mul3A_841 : vector<16xf32>
      %mul3A_846 = arith.mulf %mul3A_845, %mul3A_841 : vector<16xf32>
      %sub3A_847 = arith.constant 1.500000e+00 : f32
      %sub3A_848 = vector.broadcast %sub3A_847 : f32 to vector<16xf32>
      %sub3A_849 = arith.subf %sub3A_848, %mul3A_846 : vector<16xf32>
      %mul3A_850 = arith.mulf %mul3A_841, %sub3A_849 : vector<16xf32>
      %min3A_851 = arith.constant 1.000000e+06 : f32
      %min3A_852 = vector.broadcast %min3A_851 : f32 to vector<16xf32>
      %min3A_853 = arith.minimumf %mul3A_850, %min3A_852 : vector<16xf32>
      %mul3A_854 = arith.mulf %add3A_759, %min3A_853 : vector<16xf32>
      tpu.vector_store_idx %arg8[%add3A_762, %broadcast_in_dim3A_585, %and3A_8, %add3A_686], %mul3A_854 : memref<16x4x2x128xf32, #tpu.memory_space<vmem>>[vector<16xi32>, vector<16xi32>, vector<16xi32>, vector<16xi32>], vector<16xf32>,
    }
    %scan3A_591 = arith.constant 128 : i32
    %dma_wait3A_592 = arith.constant 24 : i32
    %dma_wait3A_593 = arith.constant 0 : i32
    %dma_wait3A_594 = arith.constant 0 : i32
    %dma_wait3A_595 = tpu.memref_slice %arg10[%dma_wait3A_593, %dma_wait3A_594] : memref<1024x32xf32, #tpu.memory_space<vmem>> -> memref<128x32xf32, #tpu.memory_space<vmem>>
    %dma_wait3A_596 = arith.constant 0 : i32
    %dma_wait3A_597 = tpu.memref_slice %arg6[%dma_wait3A_592, %dma_wait3A_596] : memref<32x128xi32, #tpu.memory_space<vmem>> -> memref<1x128xi32, #tpu.memory_space<vmem>>
    %dma_wait3A_598 = tpu.memref_squeeze %dma_wait3A_597 : memref<1x128xi32, #tpu.memory_space<vmem>> -> memref<128xi32, #tpu.memory_space<vmem>>
    %dma_wait3A_599 = arith.constant 0 : i32
    %dma_wait3A_600 = arith.constant 0 : i32
    %dma_wait3A_601 = tpu.memref_slice %arg4[%dma_wait3A_599, %dma_wait3A_600] : memref<1000000x32xf32, #tpu.memory_space<hbm>> -> memref<1000000x32xf32, #tpu.memory_space<hbm>>
    tpu.wait_indirect_dma semaphore(%arg12 : memref<!tpu.dma_semaphore, #tpu.memory_space<semaphore_mem>>) src(%dma_wait3A_601 : memref<1000000x32xf32, #tpu.memory_space<hbm>>) dst(%dma_wait3A_595 : memref<128x32xf32, #tpu.memory_space<vmem>>)
    %dma_wait3A_602 = arith.constant 25 : i32
    %dma_wait3A_603 = arith.constant 128 : i32
    %dma_wait3A_604 = arith.constant 0 : i32
    %dma_wait3A_605 = tpu.memref_slice %arg10[%dma_wait3A_603, %dma_wait3A_604] : memref<1024x32xf32, #tpu.memory_space<vmem>> -> memref<128x32xf32, #tpu.memory_space<vmem>>
    %dma_wait3A_606 = arith.constant 0 : i32
    %dma_wait3A_607 = tpu.memref_slice %arg6[%dma_wait3A_602, %dma_wait3A_606] : memref<32x128xi32, #tpu.memory_space<vmem>> -> memref<1x128xi32, #tpu.memory_space<vmem>>
    %dma_wait3A_608 = tpu.memref_squeeze %dma_wait3A_607 : memref<1x128xi32, #tpu.memory_space<vmem>> -> memref<128xi32, #tpu.memory_space<vmem>>
    %dma_wait3A_609 = arith.constant 0 : i32
    %dma_wait3A_610 = arith.constant 0 : i32
    %dma_wait3A_611 = tpu.memref_slice %arg4[%dma_wait3A_609, %dma_wait3A_610] : memref<1000000x32xf32, #tpu.memory_space<hbm>> -> memref<1000000x32xf32, #tpu.memory_space<hbm>>
    tpu.wait_indirect_dma semaphore(%arg12 : memref<!tpu.dma_semaphore, #tpu.memory_space<semaphore_mem>>) src(%dma_wait3A_611 : memref<1000000x32xf32, #tpu.memory_space<hbm>>) dst(%dma_wait3A_605 : memref<128x32xf32, #tpu.memory_space<vmem>>)
    %dma_wait3A_612 = arith.constant 26 : i32
    %dma_wait3A_613 = arith.constant 256 : i32
    %dma_wait3A_614 = arith.constant 0 : i32
    %dma_wait3A_615 = tpu.memref_slice %arg10[%dma_wait3A_613, %dma_wait3A_614] : memref<1024x32xf32, #tpu.memory_space<vmem>> -> memref<128x32xf32, #tpu.memory_space<vmem>>
    %dma_wait3A_616 = arith.constant 0 : i32
    %dma_wait3A_617 = tpu.memref_slice %arg6[%dma_wait3A_612, %dma_wait3A_616] : memref<32x128xi32, #tpu.memory_space<vmem>> -> memref<1x128xi32, #tpu.memory_space<vmem>>
    %dma_wait3A_618 = tpu.memref_squeeze %dma_wait3A_617 : memref<1x128xi32, #tpu.memory_space<vmem>> -> memref<128xi32, #tpu.memory_space<vmem>>
    %dma_wait3A_619 = arith.constant 0 : i32
    %dma_wait3A_620 = arith.constant 0 : i32
    %dma_wait3A_621 = tpu.memref_slice %arg4[%dma_wait3A_619, %dma_wait3A_620] : memref<1000000x32xf32, #tpu.memory_space<hbm>> -> memref<1000000x32xf32, #tpu.memory_space<hbm>>
    tpu.wait_indirect_dma semaphore(%arg12 : memref<!tpu.dma_semaphore, #tpu.memory_space<semaphore_mem>>) src(%dma_wait3A_621 : memref<1000000x32xf32, #tpu.memory_space<hbm>>) dst(%dma_wait3A_615 : memref<128x32xf32, #tpu.memory_space<vmem>>)
    %dma_wait3A_622 = arith.constant 27 : i32
    %dma_wait3A_623 = arith.constant 384 : i32
    %dma_wait3A_624 = arith.constant 0 : i32
    %dma_wait3A_625 = tpu.memref_slice %arg10[%dma_wait3A_623, %dma_wait3A_624] : memref<1024x32xf32, #tpu.memory_space<vmem>> -> memref<128x32xf32, #tpu.memory_space<vmem>>
    %dma_wait3A_626 = arith.constant 0 : i32
    %dma_wait3A_627 = tpu.memref_slice %arg6[%dma_wait3A_622, %dma_wait3A_626] : memref<32x128xi32, #tpu.memory_space<vmem>> -> memref<1x128xi32, #tpu.memory_space<vmem>>
    %dma_wait3A_628 = tpu.memref_squeeze %dma_wait3A_627 : memref<1x128xi32, #tpu.memory_space<vmem>> -> memref<128xi32, #tpu.memory_space<vmem>>
    %dma_wait3A_629 = arith.constant 0 : i32
    %dma_wait3A_630 = arith.constant 0 : i32
    %dma_wait3A_631 = tpu.memref_slice %arg4[%dma_wait3A_629, %dma_wait3A_630] : memref<1000000x32xf32, #tpu.memory_space<hbm>> -> memref<1000000x32xf32, #tpu.memory_space<hbm>>
    tpu.wait_indirect_dma semaphore(%arg12 : memref<!tpu.dma_semaphore, #tpu.memory_space<semaphore_mem>>) src(%dma_wait3A_631 : memref<1000000x32xf32, #tpu.memory_space<hbm>>) dst(%dma_wait3A_625 : memref<128x32xf32, #tpu.memory_space<vmem>>)
    %dma_wait3A_632 = arith.constant 28 : i32
    %dma_wait3A_633 = arith.constant 512 : i32
    %dma_wait3A_634 = arith.constant 0 : i32
    %dma_wait3A_635 = tpu.memref_slice %arg10[%dma_wait3A_633, %dma_wait3A_634] : memref<1024x32xf32, #tpu.memory_space<vmem>> -> memref<128x32xf32, #tpu.memory_space<vmem>>
    %dma_wait3A_636 = arith.constant 0 : i32
    %dma_wait3A_637 = tpu.memref_slice %arg6[%dma_wait3A_632, %dma_wait3A_636] : memref<32x128xi32, #tpu.memory_space<vmem>> -> memref<1x128xi32, #tpu.memory_space<vmem>>
    %dma_wait3A_638 = tpu.memref_squeeze %dma_wait3A_637 : memref<1x128xi32, #tpu.memory_space<vmem>> -> memref<128xi32, #tpu.memory_space<vmem>>
    %dma_wait3A_639 = arith.constant 0 : i32
    %dma_wait3A_640 = arith.constant 0 : i32
    %dma_wait3A_641 = tpu.memref_slice %arg4[%dma_wait3A_639, %dma_wait3A_640] : memref<1000000x32xf32, #tpu.memory_space<hbm>> -> memref<1000000x32xf32, #tpu.memory_space<hbm>>
    tpu.wait_indirect_dma semaphore(%arg12 : memref<!tpu.dma_semaphore, #tpu.memory_space<semaphore_mem>>) src(%dma_wait3A_641 : memref<1000000x32xf32, #tpu.memory_space<hbm>>) dst(%dma_wait3A_635 : memref<128x32xf32, #tpu.memory_space<vmem>>)
    %dma_wait3A_642 = arith.constant 29 : i32
    %dma_wait3A_643 = arith.constant 640 : i32
    %dma_wait3A_644 = arith.constant 0 : i32
    %dma_wait3A_645 = tpu.memref_slice %arg10[%dma_wait3A_643, %dma_wait3A_644] : memref<1024x32xf32, #tpu.memory_space<vmem>> -> memref<128x32xf32, #tpu.memory_space<vmem>>
    %dma_wait3A_646 = arith.constant 0 : i32
    %dma_wait3A_647 = tpu.memref_slice %arg6[%dma_wait3A_642, %dma_wait3A_646] : memref<32x128xi32, #tpu.memory_space<vmem>> -> memref<1x128xi32, #tpu.memory_space<vmem>>
    %dma_wait3A_648 = tpu.memref_squeeze %dma_wait3A_647 : memref<1x128xi32, #tpu.memory_space<vmem>> -> memref<128xi32, #tpu.memory_space<vmem>>
    %dma_wait3A_649 = arith.constant 0 : i32
    %dma_wait3A_650 = arith.constant 0 : i32
    %dma_wait3A_651 = tpu.memref_slice %arg4[%dma_wait3A_649, %dma_wait3A_650] : memref<1000000x32xf32, #tpu.memory_space<hbm>> -> memref<1000000x32xf32, #tpu.memory_space<hbm>>
    tpu.wait_indirect_dma semaphore(%arg12 : memref<!tpu.dma_semaphore, #tpu.memory_space<semaphore_mem>>) src(%dma_wait3A_651 : memref<1000000x32xf32, #tpu.memory_space<hbm>>) dst(%dma_wait3A_645 : memref<128x32xf32, #tpu.memory_space<vmem>>)
    %dma_wait3A_652 = arith.constant 30 : i32
    %dma_wait3A_653 = arith.constant 768 : i32
    %dma_wait3A_654 = arith.constant 0 : i32
    %dma_wait3A_655 = tpu.memref_slice %arg10[%dma_wait3A_653, %dma_wait3A_654] : memref<1024x32xf32, #tpu.memory_space<vmem>> -> memref<128x32xf32, #tpu.memory_space<vmem>>
    %dma_wait3A_656 = arith.constant 0 : i32
    %dma_wait3A_657 = tpu.memref_slice %arg6[%dma_wait3A_652, %dma_wait3A_656] : memref<32x128xi32, #tpu.memory_space<vmem>> -> memref<1x128xi32, #tpu.memory_space<vmem>>
    %dma_wait3A_658 = tpu.memref_squeeze %dma_wait3A_657 : memref<1x128xi32, #tpu.memory_space<vmem>> -> memref<128xi32, #tpu.memory_space<vmem>>
    %dma_wait3A_659 = arith.constant 0 : i32
    %dma_wait3A_660 = arith.constant 0 : i32
    %dma_wait3A_661 = tpu.memref_slice %arg4[%dma_wait3A_659, %dma_wait3A_660] : memref<1000000x32xf32, #tpu.memory_space<hbm>> -> memref<1000000x32xf32, #tpu.memory_space<hbm>>
    tpu.wait_indirect_dma semaphore(%arg12 : memref<!tpu.dma_semaphore, #tpu.memory_space<semaphore_mem>>) src(%dma_wait3A_661 : memref<1000000x32xf32, #tpu.memory_space<hbm>>) dst(%dma_wait3A_655 : memref<128x32xf32, #tpu.memory_space<vmem>>)
    %dma_wait3A_662 = arith.constant 31 : i32
    %dma_wait3A_663 = arith.constant 896 : i32
    %dma_wait3A_664 = arith.constant 0 : i32
    %dma_wait3A_665 = tpu.memref_slice %arg10[%dma_wait3A_663, %dma_wait3A_664] : memref<1024x32xf32, #tpu.memory_space<vmem>> -> memref<128x32xf32, #tpu.memory_space<vmem>>
    %dma_wait3A_666 = arith.constant 0 : i32
    %dma_wait3A_667 = tpu.memref_slice %arg6[%dma_wait3A_662, %dma_wait3A_666] : memref<32x128xi32, #tpu.memory_space<vmem>> -> memref<1x128xi32, #tpu.memory_space<vmem>>
    %dma_wait3A_668 = tpu.memref_squeeze %dma_wait3A_667 : memref<1x128xi32, #tpu.memory_space<vmem>> -> memref<128xi32, #tpu.memory_space<vmem>>
    %dma_wait3A_669 = arith.constant 0 : i32
    %dma_wait3A_670 = arith.constant 0 : i32
    %dma_wait3A_671 = tpu.memref_slice %arg4[%dma_wait3A_669, %dma_wait3A_670] : memref<1000000x32xf32, #tpu.memory_space<hbm>> -> memref<1000000x32xf32, #tpu.memory_space<hbm>>
    tpu.wait_indirect_dma semaphore(%arg12 : memref<!tpu.dma_semaphore, #tpu.memory_space<semaphore_mem>>) src(%dma_wait3A_671 : memref<1000000x32xf32, #tpu.memory_space<hbm>>) dst(%dma_wait3A_665 : memref<128x32xf32, #tpu.memory_space<vmem>>)
    %broadcast_in_dim3A_672 = arith.constant 3 : i32
    %broadcast_in_dim3A_673 = vector.broadcast %broadcast_in_dim3A_672 : i32 to vector<16xi32>
    %scan3A_674 = arith.constant 0 : i32
    %scan3A_675 = arith.constant 0 : i32
    %scan3A_676 = arith.constant 128 : i32
    %scan3A_677 = arith.addi %scan3A_675, %scan3A_676 : i32
    %scan3A_678 = arith.constant 1 : i32
    scf.for %scan3A_682 = %scan3A_675 to %scan3A_677 step %scan3A_678  : i32 {
      %broadcast_in_dim3A_683 = arith.constant 0 : i32
      %broadcast_in_dim3A_684 = vector.broadcast %broadcast_in_dim3A_683 : i32 to vector<16xi32>
      %add3A_685 = vector.broadcast %scan3A_682 : i32 to vector<16xi32>
      %add3A_686 = arith.addi %broadcast_in_dim3A_684, %add3A_685 : vector<16xi32>
      %broadcast_in_dim3A_687 = arith.constant 0 : i32
      %broadcast_in_dim3A_688 = vector.broadcast %broadcast_in_dim3A_687 : i32 to vector<16xi32>
      %add3A_689 = vector.broadcast %scan3A_682 : i32 to vector<16xi32>
      %add3A_690 = arith.addi %broadcast_in_dim3A_688, %add3A_689 : vector<16xi32>
      %gather3A = tpu.vector_load_idx %arg10[%add3A_690, %iota3A] : memref<1024x32xf32, #tpu.memory_space<vmem>>[vector<16xi32>, vector<16xi32>], vector<16xf32>,
      %gather3A_691 = tpu.vector_load_idx %arg10[%add3A_690, %add3A_11] : memref<1024x32xf32, #tpu.memory_space<vmem>>[vector<16xi32>, vector<16xi32>], vector<16xf32>,
      %add3A_692 = arith.constant 128 : i32
      %add3A_693 = vector.broadcast %add3A_692 : i32 to vector<16xi32>
      %add3A_694 = arith.addi %add3A_690, %add3A_693 : vector<16xi32>
      %gather3A_695 = tpu.vector_load_idx %arg10[%add3A_694, %iota3A] : memref<1024x32xf32, #tpu.memory_space<vmem>>[vector<16xi32>, vector<16xi32>], vector<16xf32>,
      %add3A_696 = arith.addf %gather3A, %gather3A_695 : vector<16xf32>
      %gather3A_697 = tpu.vector_load_idx %arg10[%add3A_694, %add3A_11] : memref<1024x32xf32, #tpu.memory_space<vmem>>[vector<16xi32>, vector<16xi32>], vector<16xf32>,
      %add3A_698 = arith.addf %gather3A_691, %gather3A_697 : vector<16xf32>
      %add3A_699 = arith.constant 256 : i32
      %add3A_700 = vector.broadcast %add3A_699 : i32 to vector<16xi32>
      %add3A_701 = arith.addi %add3A_690, %add3A_700 : vector<16xi32>
      %gather3A_702 = tpu.vector_load_idx %arg10[%add3A_701, %iota3A] : memref<1024x32xf32, #tpu.memory_space<vmem>>[vector<16xi32>, vector<16xi32>], vector<16xf32>,
      %add3A_703 = arith.addf %add3A_696, %gather3A_702 : vector<16xf32>
      %gather3A_704 = tpu.vector_load_idx %arg10[%add3A_701, %add3A_11] : memref<1024x32xf32, #tpu.memory_space<vmem>>[vector<16xi32>, vector<16xi32>], vector<16xf32>,
      %add3A_705 = arith.addf %add3A_698, %gather3A_704 : vector<16xf32>
      %add3A_706 = arith.constant 384 : i32
      %add3A_707 = vector.broadcast %add3A_706 : i32 to vector<16xi32>
      %add3A_708 = arith.addi %add3A_690, %add3A_707 : vector<16xi32>
      %gather3A_709 = tpu.vector_load_idx %arg10[%add3A_708, %iota3A] : memref<1024x32xf32, #tpu.memory_space<vmem>>[vector<16xi32>, vector<16xi32>], vector<16xf32>,
      %add3A_710 = arith.addf %add3A_703, %gather3A_709 : vector<16xf32>
      %gather3A_711 = tpu.vector_load_idx %arg10[%add3A_708, %add3A_11] : memref<1024x32xf32, #tpu.memory_space<vmem>>[vector<16xi32>, vector<16xi32>], vector<16xf32>,
      %add3A_712 = arith.addf %add3A_705, %gather3A_711 : vector<16xf32>
      %add3A_713 = arith.constant 512 : i32
      %add3A_714 = vector.broadcast %add3A_713 : i32 to vector<16xi32>
      %add3A_715 = arith.addi %add3A_690, %add3A_714 : vector<16xi32>
      %gather3A_716 = tpu.vector_load_idx %arg10[%add3A_715, %iota3A] : memref<1024x32xf32, #tpu.memory_space<vmem>>[vector<16xi32>, vector<16xi32>], vector<16xf32>,
      %add3A_717 = arith.addf %add3A_710, %gather3A_716 : vector<16xf32>
      %gather3A_718 = tpu.vector_load_idx %arg10[%add3A_715, %add3A_11] : memref<1024x32xf32, #tpu.memory_space<vmem>>[vector<16xi32>, vector<16xi32>], vector<16xf32>,
      %add3A_719 = arith.addf %add3A_712, %gather3A_718 : vector<16xf32>
      %add3A_720 = arith.constant 640 : i32
      %add3A_721 = vector.broadcast %add3A_720 : i32 to vector<16xi32>
      %add3A_722 = arith.addi %add3A_690, %add3A_721 : vector<16xi32>
      %gather3A_723 = tpu.vector_load_idx %arg10[%add3A_722, %iota3A] : memref<1024x32xf32, #tpu.memory_space<vmem>>[vector<16xi32>, vector<16xi32>], vector<16xf32>,
      %add3A_724 = arith.addf %add3A_717, %gather3A_723 : vector<16xf32>
      %gather3A_725 = tpu.vector_load_idx %arg10[%add3A_722, %add3A_11] : memref<1024x32xf32, #tpu.memory_space<vmem>>[vector<16xi32>, vector<16xi32>], vector<16xf32>,
      %add3A_726 = arith.addf %add3A_719, %gather3A_725 : vector<16xf32>
      %add3A_727 = arith.constant 768 : i32
      %add3A_728 = vector.broadcast %add3A_727 : i32 to vector<16xi32>
      %add3A_729 = arith.addi %add3A_690, %add3A_728 : vector<16xi32>
      %gather3A_730 = tpu.vector_load_idx %arg10[%add3A_729, %iota3A] : memref<1024x32xf32, #tpu.memory_space<vmem>>[vector<16xi32>, vector<16xi32>], vector<16xf32>,
      %add3A_731 = arith.addf %add3A_724, %gather3A_730 : vector<16xf32>
      %gather3A_732 = tpu.vector_load_idx %arg10[%add3A_729, %add3A_11] : memref<1024x32xf32, #tpu.memory_space<vmem>>[vector<16xi32>, vector<16xi32>], vector<16xf32>,
      %add3A_733 = arith.addf %add3A_726, %gather3A_732 : vector<16xf32>
      %add3A_734 = arith.constant 896 : i32
      %add3A_735 = vector.broadcast %add3A_734 : i32 to vector<16xi32>
      %add3A_736 = arith.addi %add3A_690, %add3A_735 : vector<16xi32>
      %gather3A_737 = tpu.vector_load_idx %arg10[%add3A_736, %iota3A] : memref<1024x32xf32, #tpu.memory_space<vmem>>[vector<16xi32>, vector<16xi32>], vector<16xf32>,
      %add3A_738 = arith.addf %add3A_731, %gather3A_737 : vector<16xf32>
      %gather3A_739 = tpu.vector_load_idx %arg10[%add3A_736, %add3A_11] : memref<1024x32xf32, #tpu.memory_space<vmem>>[vector<16xi32>, vector<16xi32>], vector<16xf32>,
      %add3A_740 = arith.addf %add3A_733, %gather3A_739 : vector<16xf32>
      %gather3A_741 = tpu.vector_load_idx %arg7[%shift_right_arithmetic3A_6, %broadcast_in_dim3A_673, %and3A_8, %add3A_686] : memref<16x4x2x128xf32, #tpu.memory_space<vmem>>[vector<16xi32>, vector<16xi32>, vector<16xi32>, vector<16xi32>], vector<16xf32>,
      %add3A_742 = arith.constant 8 : i32
      %add3A_743 = vector.broadcast %add3A_742 : i32 to vector<16xi32>
      %add3A_744 = arith.addi %shift_right_arithmetic3A_6, %add3A_743 : vector<16xi32>
      %gather3A_745 = tpu.vector_load_idx %arg7[%add3A_744, %broadcast_in_dim3A_673, %and3A_8, %add3A_686] : memref<16x4x2x128xf32, #tpu.memory_space<vmem>>[vector<16xi32>, vector<16xi32>, vector<16xi32>, vector<16xi32>], vector<16xf32>,
      %mul3A_746 = arith.constant 5.000000e-01 : f32
      %mul3A_747 = vector.broadcast %mul3A_746 : f32 to vector<16xf32>
      %mul3A_748 = arith.mulf %mul3A_747, %gather3A_741 : vector<16xf32>
      %mul3A_749 = arith.constant 6.250000e-02 : f32
      %mul3A_750 = vector.broadcast %mul3A_749 : f32 to vector<16xf32>
      %mul3A_751 = arith.mulf %mul3A_750, %add3A_738 : vector<16xf32>
      %add3A_752 = arith.addf %mul3A_748, %mul3A_751 : vector<16xf32>
      %mul3A_753 = arith.constant 5.000000e-01 : f32
      %mul3A_754 = vector.broadcast %mul3A_753 : f32 to vector<16xf32>
      %mul3A_755 = arith.mulf %mul3A_754, %gather3A_745 : vector<16xf32>
      %mul3A_756 = arith.constant 6.250000e-02 : f32
      %mul3A_757 = vector.broadcast %mul3A_756 : f32 to vector<16xf32>
      %mul3A_758 = arith.mulf %mul3A_757, %add3A_740 : vector<16xf32>
      %add3A_759 = arith.addf %mul3A_755, %mul3A_758 : vector<16xf32>
      %add3A_760 = arith.constant 8 : i32
      %add3A_761 = vector.broadcast %add3A_760 : i32 to vector<16xi32>
      %add3A_762 = arith.addi %shift_right_arithmetic3A_6, %add3A_761 : vector<16xi32>
      %mul3A_763 = arith.mulf %add3A_752, %add3A_752 : vector<16xf32>
      %iota3A_764 = tpu.iota {dimensions = array<i32: 0>} : vector<16xi32>
      %xor3A = arith.constant 1 : i32
      %xor3A_765 = vector.broadcast %xor3A : i32 to vector<16xi32>
      %xor3A_766 = arith.xori %iota3A_764, %xor3A_765 : vector<16xi32>
      %broadcast_in_dim3A_767 = vector.shape_cast %xor3A_766 : vector<16xi32> to vector<16x1xi32>
      %gather3A_768 = vector.shape_cast %broadcast_in_dim3A_767 : vector<16x1xi32> to vector<16xi32>
      %gather3A_769 = tpu.dynamic_gather %mul3A_763[%gather3A_768] in [0] : vector<16xf32>, vector<16xi32> -> vector<16xf32>
      %add3A_770 = arith.addf %mul3A_763, %gather3A_769 : vector<16xf32>
      %bitcast_convert_type3A = tpu.bitcast %add3A_770 : vector<16xf32> -> vector<16xi32>
      %shift_right_arithmetic3A_771 = arith.constant 1 : i32
      %shift_right_arithmetic3A_772 = vector.broadcast %shift_right_arithmetic3A_771 : i32 to vector<16xi32>
      %shift_right_arithmetic3A_773 = arith.shrsi %bitcast_convert_type3A, %shift_right_arithmetic3A_772 : vector<16xi32>
      %sub3A = arith.constant 1597463007 : i32
      %sub3A_774 = vector.broadcast %sub3A : i32 to vector<16xi32>
      %sub3A_775 = arith.subi %sub3A_774, %shift_right_arithmetic3A_773 : vector<16xi32>
      %bitcast_convert_type3A_776 = tpu.bitcast %sub3A_775 : vector<16xi32> -> vector<16xf32>
      %mul3A_777 = arith.constant 5.000000e-01 : f32
      %mul3A_778 = vector.broadcast %mul3A_777 : f32 to vector<16xf32>
      %mul3A_779 = arith.mulf %mul3A_778, %add3A_770 : vector<16xf32>
      %mul3A_780 = arith.mulf %mul3A_779, %bitcast_convert_type3A_776 : vector<16xf32>
      %mul3A_781 = arith.mulf %mul3A_780, %bitcast_convert_type3A_776 : vector<16xf32>
      %sub3A_782 = arith.constant 1.500000e+00 : f32
      %sub3A_783 = vector.broadcast %sub3A_782 : f32 to vector<16xf32>
      %sub3A_784 = arith.subf %sub3A_783, %mul3A_781 : vector<16xf32>
      %mul3A_785 = arith.mulf %bitcast_convert_type3A_776, %sub3A_784 : vector<16xf32>
      %mul3A_786 = arith.constant 5.000000e-01 : f32
      %mul3A_787 = vector.broadcast %mul3A_786 : f32 to vector<16xf32>
      %mul3A_788 = arith.mulf %mul3A_787, %add3A_770 : vector<16xf32>
      %mul3A_789 = arith.mulf %mul3A_788, %mul3A_785 : vector<16xf32>
      %mul3A_790 = arith.mulf %mul3A_789, %mul3A_785 : vector<16xf32>
      %sub3A_791 = arith.constant 1.500000e+00 : f32
      %sub3A_792 = vector.broadcast %sub3A_791 : f32 to vector<16xf32>
      %sub3A_793 = arith.subf %sub3A_792, %mul3A_790 : vector<16xf32>
      %mul3A_794 = arith.mulf %mul3A_785, %sub3A_793 : vector<16xf32>
      %mul3A_795 = arith.constant 5.000000e-01 : f32
      %mul3A_796 = vector.broadcast %mul3A_795 : f32 to vector<16xf32>
      %mul3A_797 = arith.mulf %mul3A_796, %add3A_770 : vector<16xf32>
      %mul3A_798 = arith.mulf %mul3A_797, %mul3A_794 : vector<16xf32>
      %mul3A_799 = arith.mulf %mul3A_798, %mul3A_794 : vector<16xf32>
      %sub3A_800 = arith.constant 1.500000e+00 : f32
      %sub3A_801 = vector.broadcast %sub3A_800 : f32 to vector<16xf32>
      %sub3A_802 = arith.subf %sub3A_801, %mul3A_799 : vector<16xf32>
      %mul3A_803 = arith.mulf %mul3A_794, %sub3A_802 : vector<16xf32>
      %min3A = arith.constant 1.000000e+06 : f32
      %min3A_804 = vector.broadcast %min3A : f32 to vector<16xf32>
      %min3A_805 = arith.minimumf %mul3A_803, %min3A_804 : vector<16xf32>
      %mul3A_806 = arith.mulf %add3A_752, %min3A_805 : vector<16xf32>
      tpu.vector_store_idx %arg8[%shift_right_arithmetic3A_6, %broadcast_in_dim3A_673, %and3A_8, %add3A_686], %mul3A_806 : memref<16x4x2x128xf32, #tpu.memory_space<vmem>>[vector<16xi32>, vector<16xi32>, vector<16xi32>, vector<16xi32>], vector<16xf32>,
      %mul3A_807 = arith.mulf %add3A_759, %add3A_759 : vector<16xf32>
      %iota3A_808 = tpu.iota {dimensions = array<i32: 0>} : vector<16xi32>
      %xor3A_809 = arith.constant 1 : i32
      %xor3A_810 = vector.broadcast %xor3A_809 : i32 to vector<16xi32>
      %xor3A_811 = arith.xori %iota3A_808, %xor3A_810 : vector<16xi32>
      %broadcast_in_dim3A_812 = vector.shape_cast %xor3A_811 : vector<16xi32> to vector<16x1xi32>
      %gather3A_813 = vector.shape_cast %broadcast_in_dim3A_812 : vector<16x1xi32> to vector<16xi32>
      %gather3A_814 = tpu.dynamic_gather %mul3A_807[%gather3A_813] in [0] : vector<16xf32>, vector<16xi32> -> vector<16xf32>
      %add3A_815 = arith.addf %mul3A_807, %gather3A_814 : vector<16xf32>
      %bitcast_convert_type3A_816 = tpu.bitcast %add3A_815 : vector<16xf32> -> vector<16xi32>
      %shift_right_arithmetic3A_817 = arith.constant 1 : i32
      %shift_right_arithmetic3A_818 = vector.broadcast %shift_right_arithmetic3A_817 : i32 to vector<16xi32>
      %shift_right_arithmetic3A_819 = arith.shrsi %bitcast_convert_type3A_816, %shift_right_arithmetic3A_818 : vector<16xi32>
      %sub3A_820 = arith.constant 1597463007 : i32
      %sub3A_821 = vector.broadcast %sub3A_820 : i32 to vector<16xi32>
      %sub3A_822 = arith.subi %sub3A_821, %shift_right_arithmetic3A_819 : vector<16xi32>
      %bitcast_convert_type3A_823 = tpu.bitcast %sub3A_822 : vector<16xi32> -> vector<16xf32>
      %mul3A_824 = arith.constant 5.000000e-01 : f32
      %mul3A_825 = vector.broadcast %mul3A_824 : f32 to vector<16xf32>
      %mul3A_826 = arith.mulf %mul3A_825, %add3A_815 : vector<16xf32>
      %mul3A_827 = arith.mulf %mul3A_826, %bitcast_convert_type3A_823 : vector<16xf32>
      %mul3A_828 = arith.mulf %mul3A_827, %bitcast_convert_type3A_823 : vector<16xf32>
      %sub3A_829 = arith.constant 1.500000e+00 : f32
      %sub3A_830 = vector.broadcast %sub3A_829 : f32 to vector<16xf32>
      %sub3A_831 = arith.subf %sub3A_830, %mul3A_828 : vector<16xf32>
      %mul3A_832 = arith.mulf %bitcast_convert_type3A_823, %sub3A_831 : vector<16xf32>
      %mul3A_833 = arith.constant 5.000000e-01 : f32
      %mul3A_834 = vector.broadcast %mul3A_833 : f32 to vector<16xf32>
      %mul3A_835 = arith.mulf %mul3A_834, %add3A_815 : vector<16xf32>
      %mul3A_836 = arith.mulf %mul3A_835, %mul3A_832 : vector<16xf32>
      %mul3A_837 = arith.mulf %mul3A_836, %mul3A_832 : vector<16xf32>
      %sub3A_838 = arith.constant 1.500000e+00 : f32
      %sub3A_839 = vector.broadcast %sub3A_838 : f32 to vector<16xf32>
      %sub3A_840 = arith.subf %sub3A_839, %mul3A_837 : vector<16xf32>
      %mul3A_841 = arith.mulf %mul3A_832, %sub3A_840 : vector<16xf32>
      %mul3A_842 = arith.constant 5.000000e-01 : f32
      %mul3A_843 = vector.broadcast %mul3A_842 : f32 to vector<16xf32>
      %mul3A_844 = arith.mulf %mul3A_843, %add3A_815 : vector<16xf32>
      %mul3A_845 = arith.mulf %mul3A_844, %mul3A_841 : vector<16xf32>
      %mul3A_846 = arith.mulf %mul3A_845, %mul3A_841 : vector<16xf32>
      %sub3A_847 = arith.constant 1.500000e+00 : f32
      %sub3A_848 = vector.broadcast %sub3A_847 : f32 to vector<16xf32>
      %sub3A_849 = arith.subf %sub3A_848, %mul3A_846 : vector<16xf32>
      %mul3A_850 = arith.mulf %mul3A_841, %sub3A_849 : vector<16xf32>
      %min3A_851 = arith.constant 1.000000e+06 : f32
      %min3A_852 = vector.broadcast %min3A_851 : f32 to vector<16xf32>
      %min3A_853 = arith.minimumf %mul3A_850, %min3A_852 : vector<16xf32>
      %mul3A_854 = arith.mulf %add3A_759, %min3A_853 : vector<16xf32>
      tpu.vector_store_idx %arg8[%add3A_762, %broadcast_in_dim3A_673, %and3A_8, %add3A_686], %mul3A_854 : memref<16x4x2x128xf32, #tpu.memory_space<vmem>>[vector<16xi32>, vector<16xi32>, vector<16xi32>, vector<16xi32>], vector<16xf32>,
    }
    %scan3A_679 = arith.constant 128 : i32
    %mul3A_680 = arith.constant 4 : i32
    %mul3A_681 = arith.muli %add3A, %mul3A_680 : i32
    "tpu.region"() ({
      %run_scoped3A = tpu.sem_alloc : memref<!tpu.dma_semaphore, #tpu.memory_space<semaphore_mem>>
      %dma_start3A_682 = arith.constant 0 : i32
      %dma_start3A_683 = arith.constant 0 : i32
      %dma_start3A_684 = arith.constant 0 : i32
      %dma_start3A_685 = tpu.memref_slice %arg5[%dma_start3A_682, %mul3A_681, %dma_start3A_683, %dma_start3A_684] : memref<16x128x2x128xf32, #tpu.memory_space<hbm>> -> memref<16x4x2x128xf32, #tpu.memory_space<hbm>>
      %dma_start3A_686 = arith.constant 0 : i32
      %dma_start3A_687 = arith.constant 0 : i32
      %dma_start3A_688 = arith.constant 0 : i32
      %dma_start3A_689 = tpu.memref_slice %arg5[%dma_start3A_686, %mul3A_681, %dma_start3A_687, %dma_start3A_688] : memref<16x128x2x128xf32, #tpu.memory_space<hbm>> -> memref<16x4x2x128xf32, #tpu.memory_space<hbm>>
      tpu.enqueue_dma source(%arg8 : memref<16x4x2x128xf32, #tpu.memory_space<vmem>>) target(%dma_start3A_689 : memref<16x4x2x128xf32, #tpu.memory_space<hbm>>) target_semaphore(%run_scoped3A : memref<!tpu.dma_semaphore, #tpu.memory_space<semaphore_mem>>)
      %dma_wait3A_690 = arith.constant 0 : i32
      %dma_wait3A_691 = arith.constant 0 : i32
      %dma_wait3A_692 = arith.constant 0 : i32
      %dma_wait3A_693 = tpu.memref_slice %arg5[%dma_wait3A_690, %mul3A_681, %dma_wait3A_691, %dma_wait3A_692] : memref<16x128x2x128xf32, #tpu.memory_space<hbm>> -> memref<16x4x2x128xf32, #tpu.memory_space<hbm>>
      %dma_wait3A_694 = arith.constant 0 : i32
      %dma_wait3A_695 = arith.constant 0 : i32
      %dma_wait3A_696 = arith.constant 0 : i32
      %dma_wait3A_697 = tpu.memref_slice %arg5[%dma_wait3A_694, %mul3A_681, %dma_wait3A_695, %dma_wait3A_696] : memref<16x128x2x128xf32, #tpu.memory_space<hbm>> -> memref<16x4x2x128xf32, #tpu.memory_space<hbm>>
      tpu.wait_dma2 semaphore(%run_scoped3A : memref<!tpu.dma_semaphore, #tpu.memory_space<semaphore_mem>>) src(%arg8 : memref<16x4x2x128xf32, #tpu.memory_space<vmem>>) dst(%dma_wait3A_697 : memref<16x4x2x128xf32, #tpu.memory_space<hbm>>)
      tpu.yield
    }) : () -> ()
    return
  }
}

</mosaic_0001>

<sc_bundles>
// kernel: _sc_call.3.cloned.1.call-start
scs
__scs_entry_jumppad:
0x0: {  	(pc) =	sbr.rel $0x88, $3  }
0x1: {  	(tag) =	ssettag $0x0;
	lr =	simm.s32 $0x1  }
0x2: {  	[smem:$0x3F9E] =	sst lr;
	_ =	strace $0xD0000000  }
0x3: {  	_ = 	snop  }
0x4: {  	_ = 	snop  }
0x5: {  	_ = 	snop  }
0x6: {  	_ = 	snop  }
0x7: {  	_ = 	snop  }
__scs_overlays_trampoline_lowered:
0x8: {  	[smem:$0x3FAD] =	sst s0  }
0x9: {  	[smem:$0x3FAE] =	sst s1  }
0xa: {  	[smem:$0x3FAF] =	sst s2  }
0xb: {  	[smem:$0x3FB0] =	sst s3  }
0xc: {  	[smem:$0x3FB1] =	sst s4  }
0xd: {  	[smem:$0x3FB2] =	sst s5  }
0xe: {  	[smem:$0x3FB3] =	sst s6  }
0xf: {  	[smem:$0x3FB4] =	sst s7  }
0x10: {  	[smem:$0x3FB5] =	sst s8  }
0x11: {  	[smem:$0x3FB6] =	sst s9;
	s0 =	simm.s32 @!p0 $0x0  }
0x12: {  	s1 =	sld [smem:$0x3F9C];
	s0 =	simm.s32 @p0 $0x1  }
0x13: {  	[smem:$0x3FB7] =	sst s0;
	s0 =	simm.s32 @!p1 $0x0  }
0x14: {  	s2 =	sld [smem:$0x3F9B];
	s0 =	simm.s32 @p1 $0x1  }
0x15: {  	[smem:$0x3FB8] =	sst s0;
	s0 =	simm.s32 @!p2 $0x0  }
0x16: {  	s3 =	sld [smem:$0x3FDB];
	s0 =	simm.s32 @p2 $0x1  }
0x17: {  	s4 =	simm.s32 $0x1BF5;
	[smem:$0x3FBA] =	sst s0  }
0x18: {  	s0 =	sld [smem:$0x3F9D];
	_ =	swait.ge [sflag:s4], $0x0  }
0x19: {  	s7 =	sld [smem:$0x3F9E]  }
0x1a: {  	s8 =	sadd.s32 $0xFFFFE003, lr  }
0x1b: {  	s9 =	sadd.s32 $0xFFFFFEF7, lr;
	s5 =	simm.s32 $0xFFFFFFFF;
	p2 =	slt.u32 s8, $0xFFFFF086  }
0x1c: {  	p1 =	slt.u32 s9, $0xF7A;
	s5 =	simm.s32 @!p2 $0x0  }
0x1d: {  	s5 =	simm.s32 @p1 $0x1;
	p0 =	seq.s32 s7, s2  }
0x1e: {  	s7 =	smul.u32 @!p0 $0xF7A, s2;
	p2 =	seq.s32 @!p0 s5, $0x0  }
0x1f: {  	s9 =	smul.u32 $0xF7A, s1;
	s8 =	simm.s32 @!p0 $0x1BF5;
	p2 =	por !p2, p0  }
0x20: {  	[sflag:s8] =	ssyncset.s32 @!p0 $0xFFFFF086;
	s6 =	sadd.s32 @!p0 s3, s7;
	s7 =	simm.s32 @!p0 $0x108  }
0x21: {  	s3 =	sadd.s32 s3, s9;
	s6 =	sadd.s32 @!p0 $0x88, s6;
	s7 =	simm.s32 @p2 $0x1082  }
0x22: {  	[simem:s7], [sflag:s8] =	dma.local @!p0 [hbm:s6], $0xF7A  }
0x23: {  	s9 =	sor.u32 $0xD0000000, s2;
	s6 =	simm.s32 $0x108;
	_ =	swait.ge @!p0 [sflag:s8], $0x0  }
0x24: {  	s3 =	sadd.s32 $0x88, s3;
	s6 =	simm.s32 @!p1 $0x1082;
	[sflag:s4] =	ssyncset.s32 $0xFFFFF086  }
0x25: {  	[simem:s6], [sflag:s4] =	dma.local [hbm:s3], $0xF7A  }
0x26: {  	[smem:$0x3F9E] =	sst s1;
	(tag) =	ssettag s2;
	_ =	strace s9  }
0x27: {  	s1 =	sld [smem:$0x3FAE]  }
0x28: {  	s2 =	sld [smem:$0x3FAF]  }
0x29: {  	s4 =	sld [smem:$0x3FB1]  }
0x2a: {  	p0 =	seq.s32 s5, $0x0;
	s5 =	sld [smem:$0x3FB2]  }
0x2b: {  	s6 =	sld [smem:$0x3FB3]  }
0x2c: {  	s7 =	sld [smem:$0x3FB4]  }
0x2d: {  	s3 =	simm.s32 $0x108;
	s8 =	sld [smem:$0x3FB5]  }
0x2e: {  	s3 =	simm.s32 @!p0 $0x1082;
	s9 =	sld [smem:$0x3FB6]  }
0x2f: {  	lr =	sadd.s32 s0, s3;
	s0 =	sld [smem:$0x3FAD]  }
0x30: {  	s3 =	sld [smem:$0x3FB0]  }
0x31: {  	[smem:$0x3FB9] =	sst s10  }
0x32: {  	s10 =	sld [smem:$0x3FB7];
	_ =	sdelay $0x3  }
0x33: {  	p0 =	seq.s32 s10, $0x1;
	s10 =	sld [smem:$0x3FB9];
	_ =	sdelay $0x3  }
0x34: {  	[smem:$0x3FB9] =	sst s10  }
0x35: {  	s10 =	sld [smem:$0x3FB8];
	_ =	sdelay $0x3  }
0x36: {  	p1 =	seq.s32 s10, $0x1;
	s10 =	sld [smem:$0x3FB9];
	_ =	sdelay $0x3  }
0x37: {  	[smem:$0x3FB9] =	sst s10  }
0x38: {  	s10 =	sld [smem:$0x3FBA]  }
0x39: {  	_ = 	snop;
	(pc) =	sbr.ind lr, $3  }
0x3a: {  	_ = 	snop  }
0x3b: {  	_ = 	snop  }
0x3c: {  	p2 =	seq.s32 s10, $0x1;
	s10 =	sld [smem:$0x3FB9]  }
0x3d: {  	_ =	shalt  }
0x3e: {  	_ =	shalt  }
0x3f: {  	_ =	shalt  }
0x40: {  	_ =	shalt  }
0x41: {  	_ =	shalt  }
0x42: {  	_ =	shalt  }
0x43: {  	_ =	shalt  }
0x44: {  	_ =	shalt  }
0x45: {  	_ =	shalt  }
0x46: {  	_ =	shalt  }
0x47: {  	_ =	shalt  }
0x48: {  	_ =	shalt  }
0x49: {  	_ =	shalt  }
0x4a: {  	_ =	shalt  }
0x4b: {  	_ =	shalt  }
0x4c: {  	_ =	shalt  }
0x4d: {  	_ =	shalt  }
0x4e: {  	_ =	shalt  }
0x4f: {  	_ =	shalt  }
0x50: {  	_ =	shalt  }
0x51: {  	_ =	shalt  }
0x52: {  	_ =	shalt  }
0x53: {  	_ =	shalt  }
0x54: {  	_ =	shalt  }
0x55: {  	_ =	shalt  }
0x56: {  	_ =	shalt  }
0x57: {  	_ =	shalt  }
0x58: {  	_ =	shalt  }
0x59: {  	_ =	shalt  }
0x5a: {  	_ =	shalt  }
0x5b: {  	_ =	shalt  }
0x5c: {  	_ =	shalt  }
0x5d: {  	_ =	shalt  }
0x5e: {  	_ =	shalt  }
0x5f: {  	_ =	shalt  }
0x60: {  	_ =	shalt  }
0x61: {  	_ =	shalt  }
0x62: {  	_ =	shalt  }
0x63: {  	_ =	shalt  }
0x64: {  	_ =	shalt  }
0x65: {  	_ =	shalt  }
0x66: {  	_ =	shalt  }
0x67: {  	_ =	shalt  }
0x68: {  	_ =	shalt  }
0x69: {  	_ =	shalt  }
0x6a: {  	_ =	shalt  }
0x6b: {  	_ =	shalt  }
0x6c: {  	_ =	shalt  }
0x6d: {  	_ =	shalt  }
0x6e: {  	_ =	shalt  }
0x6f: {  	_ =	shalt  }
0x70: {  	_ =	shalt  }
0x71: {  	_ =	shalt  }
0x72: {  	_ =	shalt  }
0x73: {  	_ =	shalt  }
0x74: {  	_ =	shalt  }
0x75: {  	_ =	shalt  }
0x76: {  	_ =	shalt  }
0x77: {  	_ =	shalt  }
0x78: {  	_ =	shalt  }
0x79: {  	_ =	shalt  }
0x7a: {  	_ =	shalt  }
0x7b: {  	_ =	shalt  }
0x7c: {  	_ =	shalt  }
0x7d: {  	_ =	shalt  }
0x7e: {  	_ =	shalt  }
0x7f: {  	_ =	shalt  }
0x80: {  	_ =	shalt  }
0x81: {  	_ =	shalt  }
0x82: {  	_ =	shalt  }
0x83: {  	_ =	shalt  }
0x84: {  	_ =	shalt  }
0x85: {  	_ =	shalt  }
0x86: {  	_ =	shalt  }
0x87: {  	_ =	shalt  }
.Lfunc_end0:
.L_simem_size_0:
called_computation_lowered:
.L_overlay_start_0:
0x88: {  	s2 =	sld [smem:$0x3FD9]  }
0x89: {  	s3 =	sld [smem:$0x3FFE];
	_ =	sdelay $0x1  }
0x8a: {  	s1 =	srdreg.scid  }
0x8b: {  	s0 =	sand.u32 $0x1, s1  }
0x8c: {  	s17 =	sshll.u32 s0, $0xA;
	s2 =	sadd.s32 s3, s2  }
0x8d: {  	s2 =	sadd.s32 s2, s17  }
0x8e: {  	[smem:$0x3FC5] =	sst s2  }
0x8f: {  	_ = 	snop  }
0x90: {  	s2 =	sld [smem:$0x3FC9]  }
0x91: {  	s18 =	sld [smem:$0x3FC8]  }
0x92: {  	s4 =	sld [smem:$0x3FD0];
	(tm) =	ssettm $0x1  }
0x93: {  	s5 =	sld [smem:$0x3FFB];
	_ =	sdelay $0x3  }
0x94: {  	_ =	strace s5  }
0x95: {  	s5 =	sld [smem:$0x3FFC];
	_ =	sdelay $0x3  }
0x96: {  	_ =	strace s5  }
0x97: {  	s5 =	sld [smem:$0x3FFD];
	_ =	sdelay $0x3  }
0x98: {  	_ =	strace s5  }
0x99: {  	_ =	strace $0x8FFFFFFF  }
0x9a: {  	s19 =	sld [smem:$0x3FDB];
	_ =	sdelay $0x1  }
0x9b: {  	s6 =	simm.s32 $_scs_section_size  }
0x9c: {  	s7 =	simm.s32 $_size__tile_overlayer_lowered;
	s8 =	simm.s32 $_tile_overlayer_lowered  }
0x9d: {  	s22 =	simm.s32 $0x1BFF;
	s21 =	sshll.u32 s8, $0x1;
	s5 =	sadd.s32 s6, s19  }
0x9e: {  	s9 =	simm.s32 $0x0;
	s20 =	sshll.u32 s7, $0x1;
	s7 =	sadd.s32 s21, s5  }
0x9f: {  	[timem:s9], [sflag:s22] =	dma.local [hbm:s7], s20  }
0xa0: {  	_ =	swait.ge [sflag:s22], s20  }
0xa1: {  	s6 =	ssub.s32 $0x0, s20;
	[sflag:s22] =	ssyncset.done $0x0  }
0xa2: {  	[sflag:s22] =	ssyncadd.s32 s6;
	_ =	sdelay $0x1  }
0xa3: {  	s23 =	simm.s32 $0x1B8B  }
0xa4: {  	_ =	swait.ge [sflag:s23], $0x1  }
0xa5: {  	[sflag:s23] =	ssyncset.done $0x0  }
0xa6: {  	s25 =	simm.s32 $0x1B8E;
	s24 =	sld [smem:$0x3FFE];
	[sflag:s23] =	ssyncadd.s32 $0xFFFFFFFF  }
0xa7: {  	s26 =	simm.s32 $execute0_lowered;
	[smem:$0x3FD2] =	sst s25  }
0xa8: {  	s7 =	sshll.u32 s26, $0x1;
	_ =	strace $0x80000046;
	[dreg:$0x1] =	wrdreg $0xFFFFFFFF  }
0xa9: {  	s28 =	simm.s32 $_size_execute0_lowered;
	s5 =	sadd.s32 s5, s7;
	[dreg:$0x0] =	wrdreg $0x0  }
0xaa: {  	s7 =	sshll.u32 s28, $0x1;
	[dreg:$0x2] =	wrdreg s5  }
0xab: {  	[dreg:$0x3] =	wrdreg s7  }
0xac: {  	[dreg:$0x4] =	wrdreg $0xC0  }
0xad: {  	_ =	task [dreg:s9], $0x5FFFF  }
0xae: {  	[dreg:$0x1] =	wrdreg $0xFFFFFFFF  }
0xaf: {  	[dreg:$0x0] =	wrdreg $0x60  }
0xb0: {  	[dreg:$0x2] =	wrdreg s2  }
0xb1: {  	[dreg:$0x3] =	wrdreg s18  }
0xb2: {  	[dreg:$0x4] =	wrdreg s24  }
0xb3: {  	[dreg:$0x5] =	wrdreg s4  }
0xb4: {  	[dreg:$0x6] =	wrdreg $0x9  }
0xb5: {  	_ =	task.clear_ibuf [dreg:s9], $0x7FFFF;
	_ =	strace $0x90000046  }
0xb6: {  	s29 =	simm.s32 $0x9;
	_ =	strace $0x80000048  }
0xb7: {  	_ =	swait.ge [sflag:s29], $0x1  }
0xb8: {  	[sflag:s29] =	ssyncadd.s32 $0xFFFFFFFF  }
0xb9: {  	_ =	strace $0x90000048  }
0xba: {  	_ =	sfence  }
0xbb: {  	s30 =	sld [smem:$0x0];
	_ =	sdelay $0x2  }
0xbc: {  	s31 =	sshll.u32 s1, $0xD;
	s1 =	sshrl.u32 s1, $0x2  }
0xbd: {  	s3 =	sand.u32 $0x4000, s31;
	s1 =	sadd.s32 s1, s30  }
0xbe: {  	s0 =	sor.u32 s3, s0;
	s1 =	sshll.u32 s1, $0x11  }
0xbf: {  	s0 =	sor.u32 s1, s0  }
0xc0: {  	s0 =	sadd.s32 $0x8F2B, s0  }
0xc1: {  	[sflag:s0] =	ssyncadd.remote.s32 $0x1  }
0xc2: {  	_ =	sfence.sel $0xFFFF  }
0xc3: {  	[dreg:$0x0] =	wrdreg $0xFFFFFFFF;
	(pc) =	sbr.abs _section_cstart, $3  }
0xc4: {  	[dreg:$0x1] =	wrdreg $0xFFFFFFFF  }
0xc5: {  	_ =	task.clear_ibuf [dreg:s9], $0x2FFFF;
	_ =	strace $0x9FFFFFFF  }
0xc6: {  	(tm) =	ssettm $0x7FFFFFFF  }
0xc7: {  	_ =	shalt  }
tec
execute0_lowered:
.L_overlay_start_1:
0x0: {  	(tag) =	ssettag $0x1  }
0x1: {  	v0 =	vlaneseq.u32;
	v13 =	vimm.s32 $0x1C80  }
0x2: {  	vm14 =	vcmask $0x300;
	vm13 =	vcmask $0x704;
	vm11 =	vcmask $0xB08  }
0x3: {  	vm12 =	vcmask $0xF0C;
	vm10 =	vcmask $0x1310;
	v16 =	vimm.s32 $0x3C80  }
0x4: {  	vm9 =	vcmask $0x1714;
	vm8 =	vcmask $0x1B18;
	vm7 =	vcmask $0x1F1C  }
0x5: {  	vm6 =	vcmask $0x2320;
	vm5 =	vcmask $0x2724;
	vm1 =	vcmask $0x2B28  }
0x6: {  	vm0 =	vcmask $0x2F2C;
	v17 =	vimm.s32 $0xEFCDAB89;
	v18 =	vimm.s32 $0x67452301  }
0x7: {  	vm2 =	vcmask $0x3330;
	vm4 =	vcmask $0x3734;
	vm3 =	vcmask $0x3B38  }
0x8: {  	v20 =	vimm.s32 $0x3D80;
	v21 =	vimm.s32 $0x1E80;
	v22 =	vimm.s32 $0x3E80  }
0x9: {  	v23 =	vimm.s32 $0x1F80;
	v24 =	vimm.s32 $0x3F80;
	v1 =	vor.u32 $0x10, v0  }
0xa: {  	v2 =	vor.u32 $0x1000, v0;
	v3 =	vor.u32 $0x1010, v0;
	v4 =	vor.u32 $0x2000, v0  }
0xb: {  	v5 =	vor.u32 $0x2010, v0;
	v6 =	vor.u32 $0x3000, v0;
	v7 =	vor.u32 $0x3010, v0  }
0xc: {  	v8 =	vor.u32 $0x4000, v0;
	v9 =	vor.u32 $0x4010, v0;
	v10 =	vor.u32 $0x5000, v0  }
0xd: {  	v11 =	vor.u32 $0x5010, v0;
	v12 =	vor.u32 $0x6000, v0;
	v14 =	vsel vm14, $0x0, v13  }
0xe: {  	v13 =	vor.u32 $0x6010, v0;
	v16 =	vsel vm14, $0x2000, v16;
	v17 =	vunpack.c.l.s4.s8 v17  }
0xf: {  	v18 =	vunpack.c.l.s4.s8 v18;
	v20 =	vsel vm14, $0x2100, v20;
	v21 =	vsel vm14, $0x200, v21  }
0x10: {  	v22 =	vsel vm14, $0x2200, v22;
	v23 =	vsel vm14, $0x300, v23;
	v24 =	vsel vm14, $0x2300, v24  }
0x11: {  	v15 =	vsel vm13, $0x80, v14;
	v14 =	vor.u32 $0x7000, v0;
	v16 =	vsel vm13, $0x2080, v16  }
0x12: {  	v20 =	vsel vm13, $0x2180, v20;
	v21 =	vsel vm13, $0x280, v21;
	v22 =	vsel vm13, $0x2280, v22  }
0x13: {  	v23 =	vsel vm13, $0x380, v23;
	v24 =	vsel vm13, $0x2380, v24;
	v15 =	vsel vm11, $0x400, v15  }
0x14: {  	v16 =	vsel vm11, $0x2400, v16;
	v17 =	vunpack.c.0.s8.s32 v17;
	v18 =	vunpack.c.0.s8.s32 v18  }
0x15: {  	v20 =	vsel vm11, $0x2500, v20;
	v21 =	vsel vm11, $0x600, v21;
	v22 =	vsel vm11, $0x2600, v22  }
0x16: {  	v23 =	vsel vm11, $0x700, v23;
	v24 =	vsel vm11, $0x2700, v24;
	v15 =	vsel vm12, $0x480, v15  }
0x17: {  	v16 =	vsel vm12, $0x2480, v16;
	v20 =	vsel vm12, $0x2580, v20;
	v21 =	vsel vm12, $0x680, v21  }
0x18: {  	v22 =	vsel vm12, $0x2680, v22;
	v23 =	vsel vm12, $0x780, v23;
	v24 =	vsel vm12, $0x2780, v24  }
0x19: {  	v15 =	vsel vm10, $0x800, v15;
	v16 =	vsel vm10, $0x2800, v16;
	v18 =	vcombine.low v18, v17  }
0x1a: {  	v20 =	vsel vm10, $0x2900, v20;
	v21 =	vsel vm10, $0xA00, v21;
	v22 =	vsel vm10, $0x2A00, v22  }
0x1b: {  	v23 =	vsel vm10, $0xB00, v23;
	v24 =	vsel vm10, $0x2B00, v24;
	v15 =	vsel vm9, $0x880, v15  }
0x1c: {  	v16 =	vsel vm9, $0x2880, v16;
	v20 =	vsel vm9, $0x2980, v20;
	v21 =	vsel vm9, $0xA80, v21  }
0x1d: {  	v22 =	vsel vm9, $0x2A80, v22;
	v23 =	vsel vm9, $0xB80, v23;
	v24 =	vsel vm9, $0x2B80, v24  }
0x1e: {  	v15 =	vsel vm8, $0xC00, v15;
	v16 =	vsel vm8, $0x2C00, v16;
	v18 =	vand.u32 $0xF, v18  }
0x1f: {  	v20 =	vsel vm8, $0x2D00, v20;
	v21 =	vsel vm8, $0xE00, v21;
	v22 =	vsel vm8, $0x2E00, v22  }
0x20: {  	v23 =	vsel vm8, $0xF00, v23;
	v24 =	vsel vm8, $0x2F00, v24;
	v15 =	vsel vm7, $0xC80, v15  }
0x21: {  	v16 =	vsel vm7, $0x2C80, v16;
	v20 =	vsel vm7, $0x2D80, v20;
	v15 =	vsel vm6, $0x1000, v15  }
0x22: {  	v21 =	vsel vm7, $0xE80, v21;
	v22 =	vsel vm7, $0x2E80, v22;
	v15 =	vsel vm5, $0x1080, v15  }
0x23: {  	v23 =	vsel vm7, $0xF80, v23;
	v16 =	vsel vm6, $0x3000, v16;
	v15 =	vsel vm1, $0x1400, v15  }
0x24: {  	v24 =	vsel vm7, $0x2F80, v24;
	v19 =	vsel vm0, $0x1480, v15;
	v15 =	vsel vm5, $0x3080, v16  }
0x25: {  	v20 =	vsel vm6, $0x3100, v20;
	v21 =	vsel vm6, $0x1200, v21;
	v16 =	vsel vm1, $0x3400, v15  }
0x26: {  	v22 =	vsel vm6, $0x3200, v22;
	v23 =	vsel vm6, $0x1300, v23;
	v16 =	vsel vm0, $0x3480, v16  }
0x27: {  	s0 =	rddreg [dreg:$0x0];
	v24 =	vsel vm6, $0x3300, v24;
	v19 =	vsel vm2, $0x1800, v19;
	v16 =	vsel vm2, $0x3800, v16  }
0x28: {  	s1 =	rddreg [dreg:$0x1];
	v20 =	vsel vm5, $0x3180, v20;
	v17 =	vsel vm4, $0x1880, v19;
	v19 =	vsel vm4, $0x3880, v16  }
0x29: {  	s3 =	rddreg [dreg:$0x2];
	v16 =	vsel vm3, $0x1C00, v17;
	v17 =	vsel vm3, $0x3C00, v19;
	v19 =	vimm.s32 $0x1D80  }
0x2a: {  	s6 =	rddreg [dreg:$0x3];
	s2 =	simm.s32 $0x0;
	v21 =	vsel vm5, $0x1280, v21;
	v22 =	vsel vm5, $0x3280, v22;
	v19 =	vsel vm14, $0x100, v19  }
0x2b: {  	s4 =	srdreg.scid;
	s5 =	stileid.u32;
	s9 =	simm.s32 $0x400;
	v23 =	vsel vm5, $0x1380, v23;
	v24 =	vsel vm5, $0x3380, v24;
	v19 =	vsel vm13, $0x180, v19  }
0x2c: {  	s10 =	simm.s32 $0x8000;
	s11 =	simm.s32 $0x1000;
	s12 =	simm.s32 $0x80;
	v20 =	vsel vm1, $0x3500, v20;
	v21 =	vsel vm1, $0x1600, v21;
	v19 =	vsel vm11, $0x500, v19  }
0x2d: {  	s13 =	simm.s32 $0x9000;
	s14 =	simm.s32 $0xA000;
	s16 =	simm.s32 $0xB000;
	v22 =	vsel vm1, $0x3600, v22;
	v23 =	vsel vm1, $0x1700, v23;
	v19 =	vsel vm12, $0x580, v19  }
0x2e: {  	s18 =	simm.s32 $0xC000;
	s20 =	simm.s32 $0xD000;
	s22 =	simm.s32 $0xE000;
	v24 =	vsel vm1, $0x3700, v24;
	v20 =	vsel vm0, $0x3580, v20;
	v19 =	vsel vm10, $0x900, v19  }
0x2f: {  	s24 =	simm.s32 $0xF000;
	s28 =	simm.s32 $0x1;
	s29 =	simm.s32 $0x11000;
	v21 =	vsel vm0, $0x1680, v21;
	v22 =	vsel vm0, $0x3680, v22;
	v19 =	vsel vm9, $0x980, v19  }
0x30: {  	s31 =	simm.s32 $0x12000;
	s17 =	simm.s32 $0x14000;
	s21 =	simm.s32 $0x15000;
	v23 =	vsel vm0, $0x1780, v23;
	v24 =	vsel vm0, $0x3780, v24;
	v19 =	vsel vm8, $0xD00, v19  }
0x31: {  	s19 =	simm.s32 $0x18000;
	s23 =	simm.s32 $0x5000;
	s30 =	simm.s32 $0x2;
	v15 =	vor.u32 $0x7010, v0;
	v20 =	vsel vm2, $0x3900, v20;
	v19 =	vsel vm7, $0xD80, v19  }
0x32: {  	s15 =	simm.s32 $0x0;
	[smem:$0x7FF] =	sst s2;
	s4 =	sand.u32 $0x1, s4;
	v21 =	vsel vm2, $0x1A00, v21;
	v22 =	vsel vm2, $0x3A00, v22;
	v19 =	vsel vm6, $0x1100, v19  }
0x33: {  	s5 =	sshll.u32 s5, $0x1;
	s3 =	sadd.s32 $0xF42800, s3;
	s7 =	ssub.s32 $0x2, s4;
	v23 =	vsel vm2, $0x1B00, v23;
	v24 =	vsel vm2, $0x3B00, v24;
	v19 =	vsel vm5, $0x1180, v19  }
0x34: {  	_ =	strace $0x80000047;
	s5 =	sor.u32 s4, s5;
	s25 =	sshrl.u32 s7, $0x1;
	v20 =	vsel vm4, $0x3980, v20;
	v21 =	vsel vm4, $0x1A80, v21;
	v19 =	vsel vm1, $0x1500, v19  }
0x35: {  	s8 =	sshll.u32 s5, $0x9;
	s26 =	sshll.u32 s5, $0x7;
	s7 =	ssub.s32 s7, s25;
	v22 =	vsel vm4, $0x3A80, v22;
	v23 =	vsel vm4, $0x1B80, v23;
	v19 =	vsel vm0, $0x1580, v19  }
0x36: {  	s4 =	sadd.s32 s1, s8;
	s5 =	sadd.s32 s0, s26;
	s6 =	sadd.s32 s6, s26;
	v24 =	vsel vm4, $0x3B80, v24;
	v20 =	vsel vm3, $0x3D00, v20;
	v19 =	vsel vm2, $0x1900, v19  }
0x37: {  	s8 =	simm.s32 $0x3;
	s26 =	simm.s32 $0x10000;
	s1 =	simm.s32 $0x13000;
	v21 =	vsel vm3, $0x1E00, v21;
	v22 =	vsel vm3, $0x3E00, v22;
	v19 =	vsel vm4, $0x1980, v19  }
0x38: {  	s25 =	simm.s32 $0x16000;
	s0 =	simm.s32 $0x17000;
	s7 =	smax.u32 s7, $0x1;
	v23 =	vsel vm3, $0x1F00, v23;
	v24 =	vsel vm3, $0x3F00, v24;
	v19 =	vsel vm3, $0x1D00, v19  }
.LBB2_1:
0x39: {  	[tilespmem:s2], [sflag:$0x3] =	stream.linear.gather [hbm4b:s4+s2], $0x1000, $0x38;
	[tilespmem:$0x19000] =	vst v63  }
0x3a: {  	_ =	swait.ge [sflag:s8], $0x1000  }
0x3b: {  	[sflag:s8] =	ssyncset.done $0x0  }
0x3c: {  	[sflag:s8] =	ssyncadd.s32 $0xFFFFF000  }
0x3d: {  	[tilespmem:s11], [sflag:$0x3] =	stream.strided.gather [hbm4b:s5+s9], $0x4000, s10, s9, $0x38;
	[tilespmem:$0x19000] =	vst v63  }
0x3e: {  	_ =	swait.ge [sflag:s8], $0x4000  }
0x3f: {  	[sflag:s8] =	ssyncset.done $0x0  }
0x40: {  	[sflag:s8] =	ssyncadd.s32 $0xFFFFC000  }
0x41: {  	[tilespmem:s13], [sflag:$0x1] =	stream.indirect.gather [hbm4b:s3+s12], $0x20, s2, s12, $0xb8;
	[tilespmem:$0x19000] =	vst v63  }
0x42: {  	_ = 	snop  }
0x43: {  	[tilespmem:s14], [sflag:$0x1] =	stream.indirect.gather [hbm4b:s3+s12], $0x20, s12, s12, $0xb8;
	[tilespmem:$0x19000] =	vst v63  }
0x44: {  	s10 =	simm.s32 $0x100  }
0x45: {  	[tilespmem:s16], [sflag:$0x1] =	stream.indirect.gather [hbm4b:s3+s12], $0x20, s10, s12, $0xb8;
	[tilespmem:$0x19000] =	vst v63  }
0x46: {  	s10 =	simm.s32 $0x180  }
0x47: {  	[tilespmem:s18], [sflag:$0x1] =	stream.indirect.gather [hbm4b:s3+s12], $0x20, s10, s12, $0xb8;
	[tilespmem:$0x19000] =	vst v63  }
0x48: {  	s10 =	simm.s32 $0x200  }
0x49: {  	[tilespmem:s20], [sflag:$0x1] =	stream.indirect.gather [hbm4b:s3+s12], $0x20, s10, s12, $0xb8;
	[tilespmem:$0x19000] =	vst v63  }
0x4a: {  	s10 =	simm.s32 $0x280  }
0x4b: {  	[tilespmem:s22], [sflag:$0x1] =	stream.indirect.gather [hbm4b:s3+s12], $0x20, s10, s12, $0xb8;
	[tilespmem:$0x19000] =	vst v63  }
0x4c: {  	s10 =	simm.s32 $0x300  }
0x4d: {  	[tilespmem:s24], [sflag:$0x1] =	stream.indirect.gather [hbm4b:s3+s12], $0x20, s10, s12, $0xb8;
	[tilespmem:$0x19000] =	vst v63  }
0x4e: {  	s10 =	simm.s32 $0x380  }
0x4f: {  	[tilespmem:s26], [sflag:$0x1] =	stream.indirect.gather [hbm4b:s3+s12], $0x20, s10, s12, $0xb8;
	[tilespmem:$0x19000] =	vst v63  }
0x50: {  	_ =	swait.ge [sflag:s28], $0x1000  }
0x51: {  	[sflag:s28] =	ssyncset.done $0x0  }
0x52: {  	[sflag:s28] =	ssyncadd.s32 $0xFFFFF000  }
0x53: {  	_ =	swait.ge [sflag:s28], $0x1000  }
0x54: {  	[sflag:s28] =	ssyncset.done $0x0  }
0x55: {  	[sflag:s28] =	ssyncadd.s32 $0xFFFFF000  }
0x56: {  	_ =	swait.ge [sflag:s28], $0x1000  }
0x57: {  	[sflag:s28] =	ssyncset.done $0x0  }
0x58: {  	[sflag:s28] =	ssyncadd.s32 $0xFFFFF000  }
0x59: {  	_ =	swait.ge [sflag:s28], $0x1000  }
0x5a: {  	[sflag:s28] =	ssyncset.done $0x0  }
0x5b: {  	[sflag:s28] =	ssyncadd.s32 $0xFFFFF000  }
0x5c: {  	_ =	swait.ge [sflag:s28], $0x1000  }
0x5d: {  	[sflag:s28] =	ssyncset.done $0x0  }
0x5e: {  	[sflag:s28] =	ssyncadd.s32 $0xFFFFF000  }
0x5f: {  	_ =	swait.ge [sflag:s28], $0x1000  }
0x60: {  	[sflag:s28] =	ssyncset.done $0x0  }
0x61: {  	[sflag:s28] =	ssyncadd.s32 $0xFFFFF000  }
0x62: {  	_ =	swait.ge [sflag:s28], $0x1000  }
0x63: {  	[sflag:s28] =	ssyncset.done $0x0  }
0x64: {  	[sflag:s28] =	ssyncadd.s32 $0xFFFFF000  }
0x65: {  	_ =	swait.ge [sflag:s28], $0x1000  }
0x66: {  	[sflag:s28] =	ssyncset.done $0x0  }
0x67: {  	[sflag:s28] =	ssyncadd.s32 $0xFFFFF000  }
0x68: {  	[tilespmem:s29], [sflag:$0x2] =	stream.indirect.gather [hbm4b:s3+s12], $0x20, s9, s12, $0xb8;
	[tilespmem:$0x19000] =	vst v63  }
0x69: {  	s10 =	simm.s32 $0x480  }
0x6a: {  	[tilespmem:s31], [sflag:$0x2] =	stream.indirect.gather [hbm4b:s3+s12], $0x20, s10, s12, $0xb8;
	[tilespmem:$0x19000] =	vst v63  }
0x6b: {  	s10 =	simm.s32 $0x500  }
0x6c: {  	[tilespmem:s1], [sflag:$0x2] =	stream.indirect.gather [hbm4b:s3+s12], $0x20, s10, s12, $0xb8;
	[tilespmem:$0x19000] =	vst v63  }
0x6d: {  	s10 =	simm.s32 $0x580  }
0x6e: {  	[tilespmem:s17], [sflag:$0x2] =	stream.indirect.gather [hbm4b:s3+s12], $0x20, s10, s12, $0xb8;
	[tilespmem:$0x19000] =	vst v63  }
0x6f: {  	s10 =	simm.s32 $0x600  }
0x70: {  	v25 =	vmov s2;
	[tilespmem:s21], [sflag:$0x2] =	stream.indirect.gather [hbm4b:s3+s12], $0x20, s10, s12, $0xb8;
	[tilespmem:$0x19000] =	vst v63  }
0x71: {  	v26 =	vshll.u32 v25, $0x5;
	s10 =	simm.s32 $0x680  }
0x72: {  	v27 =	vor.u32 v2, v26;
	[tilespmem:s25], [sflag:$0x2] =	stream.indirect.gather [hbm4b:s3+s12], $0x20, s10, s12, $0xb8;
	[tilespmem:$0x19000] =	vst v63  }
0x73: {  	v28 =	vor.u32 v0, v26;
	s10 =	simm.s32 $0x700  }
0x74: {  	v29 =	vor.u32 v3, v26;
	[tilespmem:s0], [sflag:$0x2] =	stream.indirect.gather [hbm4b:s3+s12], $0x20, s10, s12, $0xb8;
	[tilespmem:$0x19000] =	vst v63  }
0x75: {  	v30 =	vor.u32 v1, v26;
	s10 =	simm.s32 $0x780  }
0x76: {  	v31 =	vor.u32 v4, v26;
	[tilespmem:s19], [sflag:$0x2] =	stream.indirect.gather [hbm4b:s3+s12], $0x20, s10, s12, $0xb8;
	[tilespmem:$0x19000] =	vst v63  }
0x77: {  	v32 =	vor.u32 v5, v26;
	v27 =	vld.idx.msk [tilespmem:v27+s13+$0x0], $0xffff  }
0x78: {  	v33 =	vor.u32 v6, v26;
	v28 =	vld.idx.msk [tilespmem:v28+s13+$0x0], $0xffff  }
0x79: {  	v34 =	vor.u32 v7, v26;
	v29 =	vld.idx.msk [tilespmem:v29+s13+$0x0], $0xffff  }
0x7a: {  	v35 =	vor.u32 v8, v26;
	v30 =	vld.idx.msk [tilespmem:v30+s13+$0x0], $0xffff  }
0x7b: {  	v36 =	vor.u32 v9, v26;
	v31 =	vld.idx.msk [tilespmem:v31+s13+$0x0], $0xffff  }
0x7c: {  	v37 =	vor.u32 v10, v26;
	v32 =	vld.idx.msk [tilespmem:v32+s13+$0x0], $0xffff  }
0x7d: {  	v38 =	vor.u32 v11, v26;
	v33 =	vld.idx.msk [tilespmem:v33+s13+$0x0], $0xffff  }
0x7e: {  	v39 =	vor.u32 v12, v26;
	v34 =	vld.idx.msk [tilespmem:v34+s13+$0x0], $0xffff;
	v27 =	vadd.f32 v27, v28  }
0x7f: {  	v52 =	vor.u32 v13, v26;
	v28 =	vld.idx.msk [tilespmem:v35+s13+$0x0], $0xffff;
	v29 =	vadd.f32 v29, v30  }
0x80: {  	v53 =	vor.u32 v14, v26;
	v30 =	vld.idx.msk [tilespmem:v36+s13+$0x0], $0xffff;
	v27 =	vadd.f32 v31, v27  }
0x81: {  	v54 =	vor.u32 v15, v26;
	v26 =	vand.u32 $0x7F, v25;
	v31 =	vld.idx.msk [tilespmem:v37+s13+$0x0], $0xffff;
	v29 =	vadd.f32 v32, v29  }
0x82: {  	v25 =	vor.u32 v16, v26;
	v55 =	vld.idx.msk [tilespmem:v38+s13+$0x0], $0xffff;
	v27 =	vadd.f32 v33, v27  }
0x83: {  	v26 =	vor.u32 v17, v26;
	v56 =	vld.idx.msk [tilespmem:v39+s13+$0x0], $0xffff;
	v29 =	vadd.f32 v34, v29  }
0x84: {  	v57 =	vld.idx.msk [tilespmem:v52+s13+$0x0], $0xffff;
	v27 =	vadd.f32 v28, v27  }
0x85: {  	v28 =	vld.idx.msk [tilespmem:v53+s13+$0x0], $0xffff;
	v29 =	vadd.f32 v30, v29  }
0x86: {  	v30 =	vld.idx.msk [tilespmem:v54+s13+$0x0], $0xffff;
	v27 =	vadd.f32 v31, v27  }
0x87: {  	v31 =	vld.idx.msk [tilespmem:v25+s11+$0x0], $0xffff;
	v29 =	vadd.f32 v55, v29  }
0x88: {  	v58 =	vld.idx.msk [tilespmem:v26+s11+$0x0], $0xffff;
	v27 =	vadd.f32 v56, v27  }
0x89: {  	v29 =	vadd.f32 v57, v29  }
0x8a: {  	v27 =	vadd.f32 v28, v27  }
0x8b: {  	v28 =	vadd.f32 v30, v29  }
0x8c: {  	v29 =	vmul.f32 $5.000000000e-01, v31;
	v27 =	vmul.f32 $6.250000000e-02, v27  }
0x8d: {  	v30 =	vmul.f32 $5.000000000e-01, v58;
	v28 =	vmul.f32 $6.250000000e-02, v28  }
0x8e: {  	v59 =	vadd.f32 v29, v27  }
0x8f: {  	v27 =	vadd.f32 v30, v28  }
0x90: {  	v28 =	vmul.f32 v59, v59  }
0x91: {  	v29 =	vmul.f32 v27, v27  }
0x92: {  	v30 =	vperm.xlane v28, v18  }
0x93: {  	v31 =	vperm.xlane v29, v18  }
0x94: {  	v28 =	vadd.f32 v28, v30  }
0x95: {  	v29 =	vadd.f32 v31, v29  }
0x96: {  	v30 =	vshra.s32 v28, $0x1;
	v28 =	vmul.f32 $5.000000000e-01, v28  }
0x97: {  	v31 =	vshra.s32 v29, $0x1;
	v29 =	vmul.f32 $5.000000000e-01, v29;
	v30 =	vsub.s32 $0x5F3759DF, v30  }
0x98: {  	v31 =	vsub.s32 $0x5F3759DF, v31;
	v60 =	vmul.f32 v30, v28  }
0x99: {  	v61 =	vmul.f32 v31, v29  }
0x9a: {  	v33 =	vmul.f32 v30, v60  }
0x9b: {  	v34 =	vmul.f32 v31, v61  }
0x9c: {  	v33 =	vsub.f32 $1.500000000e+00, v33  }
0x9d: {  	v34 =	vsub.f32 $1.500000000e+00, v34  }
0x9e: {  	v30 =	vmul.f32 v30, v33  }
0x9f: {  	v31 =	vmul.f32 v31, v34  }
0xa0: {  	v33 =	vmul.f32 v30, v28  }
0xa1: {  	v34 =	vmul.f32 v31, v29  }
0xa2: {  	v33 =	vmul.f32 v33, v30  }
0xa3: {  	v34 =	vmul.f32 v34, v31  }
0xa4: {  	v33 =	vsub.f32 $1.500000000e+00, v33  }
0xa5: {  	v34 =	vsub.f32 $1.500000000e+00, v34  }
0xa6: {  	v30 =	vmul.f32 v33, v30  }
0xa7: {  	v31 =	vmul.f32 v34, v31  }
0xa8: {  	v28 =	vmul.f32 v30, v28  }
0xa9: {  	v29 =	vmul.f32 v31, v29  }
0xaa: {  	v28 =	vmul.f32 v28, v30  }
0xab: {  	v29 =	vmul.f32 v29, v31  }
0xac: {  	v62 =	vsub.f32 $1.500000000e+00, v28  }
0xad: {  	s10 =	simm.s32 $0x1;
	v63 =	vsub.f32 $1.500000000e+00, v29  }
0xae: {  	v28 =	vmov s10;
	v33 =	vmul.f32 v62, v30  }
0xaf: {  	v29 =	vshll.u32 v28, $0x5;
	v34 =	vmul.f32 v63, v31  }
0xb0: {  	v30 =	vor.u32 v2, v29;
	v33 =	vmin.f32 v33, $1.000000000e+06  }
0xb1: {  	s10 =	simm.s32 $0x2;
	v31 =	vor.u32 v0, v29;
	v32 =	vmul.f32 v33, v59;
	v33 =	vmin.f32 v34, $1.000000000e+06  }
.LBB2_2:
0xb2: {  	p0 =	sne.s32 s10, $0x7F;
	v34 =	vor.u32 v3, v29;
	v27 =	vmul.f32 v33, v27  }
0xb3: {  	v33 =	vor.u32 v1, v29;
	[tilespmem:v25+s23+$0x0] =	vst.idx.msk $0xffff, v32  }
0xb4: {  	v25 =	vor.u32 v4, v29;
	[tilespmem:v26+s23+$0x0] =	vst.idx.msk $0xffff, v27  }
0xb5: {  	v27 =	vor.u32 v5, v29;
	v26 =	vld.idx.msk [tilespmem:v30+s13+$0x0], $0xffff  }
0xb6: {  	v30 =	vld.idx.msk [tilespmem:v31+s13+$0x0], $0xffff;
	v31 =	vor.u32 v6, v29  }
0xb7: {  	v32 =	vld.idx.msk [tilespmem:v34+s13+$0x0], $0xffff;
	v34 =	vor.u32 v7, v29  }
0xb8: {  	v35 =	vor.u32 v8, v29;
	v33 =	vld.idx.msk [tilespmem:v33+s13+$0x0], $0xffff  }
0xb9: {  	v36 =	vor.u32 v9, v29;
	v25 =	vld.idx.msk [tilespmem:v25+s13+$0x0], $0xffff  }
0xba: {  	v37 =	vor.u32 v10, v29;
	v27 =	vld.idx.msk [tilespmem:v27+s13+$0x0], $0xffff  }
0xbb: {  	v38 =	vor.u32 v11, v29;
	v31 =	vld.idx.msk [tilespmem:v31+s13+$0x0], $0xffff  }
0xbc: {  	v39 =	vor.u32 v12, v29;
	v34 =	vld.idx.msk [tilespmem:v34+s13+$0x0], $0xffff  }
0xbd: {  	v26 =	vadd.f32 v26, v30;
	v30 =	vld.idx.msk [tilespmem:v35+s13+$0x0], $0xffff;
	v35 =	vor.u32 v13, v29  }
0xbe: {  	v32 =	vadd.f32 v32, v33;
	v33 =	vld.idx.msk [tilespmem:v36+s13+$0x0], $0xffff;
	v36 =	vor.u32 v14, v29  }
0xbf: {  	v28 =	vand.u32 $0x7F, v28;
	v26 =	vadd.f32 v25, v26;
	v29 =	vor.u32 v15, v29;
	v37 =	vld.idx.msk [tilespmem:v37+s13+$0x0], $0xffff  }
0xc0: {  	v25 =	vor.u32 v16, v28;
	v27 =	vadd.f32 v27, v32;
	v32 =	vld.idx.msk [tilespmem:v38+s13+$0x0], $0xffff  }
0xc1: {  	v31 =	vadd.f32 v31, v26;
	v26 =	vor.u32 v17, v28;
	v38 =	vld.idx.msk [tilespmem:v39+s13+$0x0], $0xffff  }
0xc2: {  	v27 =	vadd.f32 v34, v27;
	v28 =	vld.idx.msk [tilespmem:v35+s13+$0x0], $0xffff  }
0xc3: {  	v30 =	vadd.f32 v30, v31;
	v31 =	vld.idx.msk [tilespmem:v36+s13+$0x0], $0xffff  }
0xc4: {  	v27 =	vadd.f32 v33, v27;
	v29 =	vld.idx.msk [tilespmem:v29+s13+$0x0], $0xffff  }
0xc5: {  	v30 =	vadd.f32 v37, v30;
	v33 =	vld.idx.msk [tilespmem:v25+s11+$0x0], $0xffff  }
0xc6: {  	v27 =	vadd.f32 v32, v27;
	v32 =	vld.idx.msk [tilespmem:v26+s11+$0x0], $0xffff  }
0xc7: {  	v30 =	vadd.f32 v38, v30  }
0xc8: {  	v27 =	vadd.f32 v28, v27  }
0xc9: {  	v28 =	vadd.f32 v31, v30  }
0xca: {  	v27 =	vadd.f32 v29, v27  }
0xcb: {  	v29 =	vmul.f32 $5.000000000e-01, v33;
	v28 =	vmul.f32 $6.250000000e-02, v28  }
0xcc: {  	v30 =	vmul.f32 $5.000000000e-01, v32;
	v27 =	vmul.f32 $6.250000000e-02, v27  }
0xcd: {  	v32 =	vadd.f32 v29, v28  }
0xce: {  	v27 =	vadd.f32 v30, v27  }
0xcf: {  	v28 =	vmul.f32 v32, v32  }
0xd0: {  	v29 =	vmul.f32 v27, v27  }
0xd1: {  	v30 =	vperm.xlane v28, v18  }
0xd2: {  	v31 =	vperm.xlane v29, v18  }
0xd3: {  	v28 =	vadd.f32 v28, v30  }
0xd4: {  	v29 =	vadd.f32 v31, v29  }
0xd5: {  	v30 =	vshra.s32 v28, $0x1;
	v28 =	vmul.f32 $5.000000000e-01, v28  }
0xd6: {  	v30 =	vsub.s32 $0x5F3759DF, v30;
	v31 =	vshra.s32 v29, $0x1;
	v29 =	vmul.f32 $5.000000000e-01, v29  }
0xd7: {  	v33 =	vmul.f32 v30, v28;
	v31 =	vsub.s32 $0x5F3759DF, v31  }
0xd8: {  	v34 =	vmul.f32 v31, v29  }
0xd9: {  	v33 =	vmul.f32 v30, v33  }
0xda: {  	v34 =	vmul.f32 v31, v34  }
0xdb: {  	v33 =	vsub.f32 $1.500000000e+00, v33  }
0xdc: {  	v34 =	vsub.f32 $1.500000000e+00, v34  }
0xdd: {  	v30 =	vmul.f32 v30, v33  }
0xde: {  	v31 =	vmul.f32 v31, v34  }
0xdf: {  	v33 =	vmul.f32 v30, v28  }
0xe0: {  	v34 =	vmul.f32 v31, v29  }
0xe1: {  	v33 =	vmul.f32 v33, v30  }
0xe2: {  	v34 =	vmul.f32 v34, v31  }
0xe3: {  	v33 =	vsub.f32 $1.500000000e+00, v33  }
0xe4: {  	v34 =	vsub.f32 $1.500000000e+00, v34  }
0xe5: {  	v30 =	vmul.f32 v33, v30  }
0xe6: {  	v31 =	vmul.f32 v34, v31  }
0xe7: {  	v28 =	vmul.f32 v30, v28  }
0xe8: {  	v29 =	vmul.f32 v31, v29  }
0xe9: {  	v28 =	vmul.f32 v28, v30  }
0xea: {  	v29 =	vmul.f32 v29, v31  }
0xeb: {  	v33 =	vsub.f32 $1.500000000e+00, v28  }
.Ltmp0:
0xec: {  	v34 =	vsub.f32 $1.500000000e+00, v29;
	(pc) =	sbr.rel @p0 .LBB2_2-.Ltmp0, $4  }
0xed: {  	v28 =	vmov s10;
	v33 =	vmul.f32 v33, v30  }
0xee: {  	v29 =	vshll.u32 v28, $0x5;
	v34 =	vmul.f32 v34, v31  }
0xef: {  	v30 =	vor.u32 v2, v29;
	v33 =	vmin.f32 v33, $1.000000000e+06  }
0xf0: {  	s10 =	sadd.s32 $0x1, s10;
	v31 =	vor.u32 v0, v29;
	v32 =	vmul.f32 v33, v32;
	v33 =	vmin.f32 v34, $1.000000000e+06  }
0xf1: {  	_ =	sdelay $0x2  }
0xf2: {  	v34 =	vor.u32 v3, v29;
	v27 =	vmul.f32 v33, v27  }
0xf3: {  	v57 =	vor.u32 v1, v29;
	[tilespmem:v25+s23+$0x0] =	vst.idx.msk $0xffff, v32  }
0xf4: {  	v25 =	vor.u32 v4, v29;
	[tilespmem:v26+s23+$0x0] =	vst.idx.msk $0xffff, v27  }
0xf5: {  	v27 =	vor.u32 v5, v29;
	v26 =	vld.idx.msk [tilespmem:v30+s13+$0x0], $0xffff  }
0xf6: {  	v30 =	vld.idx.msk [tilespmem:v31+s13+$0x0], $0xffff;
	v31 =	vor.u32 v6, v29  }
0xf7: {  	v58 =	vor.u32 v7, v29;
	v32 =	vld.idx.msk [tilespmem:v34+s13+$0x0], $0xffff  }
0xf8: {  	v35 =	vor.u32 v8, v29;
	v33 =	vld.idx.msk [tilespmem:v57+s13+$0x0], $0xffff  }
0xf9: {  	v36 =	vor.u32 v9, v29;
	v25 =	vld.idx.msk [tilespmem:v25+s13+$0x0], $0xffff  }
0xfa: {  	v37 =	vor.u32 v10, v29;
	v27 =	vld.idx.msk [tilespmem:v27+s13+$0x0], $0xffff  }
0xfb: {  	v38 =	vor.u32 v11, v29;
	v31 =	vld.idx.msk [tilespmem:v31+s13+$0x0], $0xffff  }
0xfc: {  	v39 =	vor.u32 v12, v29;
	v34 =	vld.idx.msk [tilespmem:v58+s13+$0x0], $0xffff;
	v26 =	vadd.f32 v26, v30  }
0xfd: {  	v59 =	vor.u32 v13, v29;
	v30 =	vld.idx.msk [tilespmem:v35+s13+$0x0], $0xffff;
	v32 =	vadd.f32 v32, v33  }
0xfe: {  	v61 =	vor.u32 v14, v29;
	v60 =	vld.idx.msk [tilespmem:v36+s13+$0x0], $0xffff;
	v25 =	vadd.f32 v25, v26  }
0xff: {  	v28 =	vand.u32 $0x7F, v28;
	v29 =	vor.u32 v15, v29;
	v26 =	vld.idx.msk [tilespmem:v37+s13+$0x0], $0xffff;
	v27 =	vadd.f32 v27, v32  }
0x100: {  	v63 =	vor.u32 v16, v28;
	v62 =	vld.idx.msk [tilespmem:v38+s13+$0x0], $0xffff;
	v25 =	vadd.f32 v31, v25  }
0x101: {  	v28 =	vor.u32 v17, v28;
	v31 =	vld.idx.msk [tilespmem:v39+s13+$0x0], $0xffff;
	v27 =	vadd.f32 v34, v27  }
0x102: {  	v40 =	vld.idx.msk [tilespmem:v59+s13+$0x0], $0xffff;
	v25 =	vadd.f32 v30, v25  }
0x103: {  	v30 =	vld.idx.msk [tilespmem:v61+s13+$0x0], $0xffff;
	v27 =	vadd.f32 v60, v27  }
0x104: {  	v29 =	vld.idx.msk [tilespmem:v29+s13+$0x0], $0xffff;
	v25 =	vadd.f32 v26, v25  }
0x105: {  	v26 =	vld.idx.msk [tilespmem:v63+s11+$0x0], $0xffff;
	v27 =	vadd.f32 v62, v27  }
0x106: {  	v41 =	vld.idx.msk [tilespmem:v28+s11+$0x0], $0xffff;
	v25 =	vadd.f32 v31, v25  }
0x107: {  	v27 =	vadd.f32 v40, v27  }
0x108: {  	v25 =	vadd.f32 v30, v25  }
0x109: {  	v27 =	vadd.f32 v29, v27  }
0x10a: {  	v26 =	vmul.f32 $5.000000000e-01, v26;
	v25 =	vmul.f32 $6.250000000e-02, v25  }
0x10b: {  	v29 =	vmul.f32 $5.000000000e-01, v41;
	v27 =	vmul.f32 $6.250000000e-02, v27  }
0x10c: {  	v25 =	vadd.f32 v26, v25  }
0x10d: {  	v26 =	vadd.f32 v29, v27  }
0x10e: {  	v27 =	vmul.f32 v25, v25  }
0x10f: {  	v29 =	vmul.f32 v26, v26  }
0x110: {  	v30 =	vperm.xlane v27, v18  }
0x111: {  	v31 =	vperm.xlane v29, v18  }
0x112: {  	v27 =	vadd.f32 v27, v30  }
0x113: {  	v29 =	vadd.f32 v31, v29  }
0x114: {  	v30 =	vshra.s32 v27, $0x1;
	v27 =	vmul.f32 $5.000000000e-01, v27  }
0x115: {  	v30 =	vsub.s32 $0x5F3759DF, v30;
	v31 =	vshra.s32 v29, $0x1;
	v29 =	vmul.f32 $5.000000000e-01, v29  }
0x116: {  	v42 =	vmul.f32 v30, v27;
	v31 =	vsub.s32 $0x5F3759DF, v31  }
0x117: {  	v43 =	vmul.f32 v31, v29  }
0x118: {  	v32 =	vmul.f32 v30, v42  }
0x119: {  	v33 =	vmul.f32 v31, v43  }
0x11a: {  	v32 =	vsub.f32 $1.500000000e+00, v32  }
0x11b: {  	v33 =	vsub.f32 $1.500000000e+00, v33  }
0x11c: {  	v30 =	vmul.f32 v30, v32  }
0x11d: {  	v31 =	vmul.f32 v31, v33  }
0x11e: {  	v32 =	vmul.f32 v30, v27  }
0x11f: {  	v33 =	vmul.f32 v31, v29  }
0x120: {  	v32 =	vmul.f32 v32, v30  }
0x121: {  	v33 =	vmul.f32 v33, v31  }
0x122: {  	v32 =	vsub.f32 $1.500000000e+00, v32  }
0x123: {  	v33 =	vsub.f32 $1.500000000e+00, v33  }
0x124: {  	v30 =	vmul.f32 v32, v30  }
0x125: {  	v31 =	vmul.f32 v33, v31  }
0x126: {  	v27 =	vmul.f32 v30, v27  }
0x127: {  	v29 =	vmul.f32 v31, v29  }
0x128: {  	v27 =	vmul.f32 v27, v30  }
0x129: {  	v29 =	vmul.f32 v29, v31  }
0x12a: {  	v27 =	vsub.f32 $1.500000000e+00, v27  }
0x12b: {  	v29 =	vsub.f32 $1.500000000e+00, v29  }
0x12c: {  	v27 =	vmul.f32 v27, v30  }
0x12d: {  	v29 =	vmul.f32 v29, v31  }
0x12e: {  	v27 =	vmin.f32 v27, $1.000000000e+06  }
0x12f: {  	v25 =	vmul.f32 v27, v25;
	v27 =	vmin.f32 v29, $1.000000000e+06  }
0x130: {  	v26 =	vmul.f32 v27, v26  }
0x131: {  	[tilespmem:v63+s23+$0x0] =	vst.idx.msk $0xffff, v25  }
0x132: {  	[tilespmem:v28+s23+$0x0] =	vst.idx.msk $0xffff, v26  }
0x133: {  	_ =	swait.ge [sflag:s30], $0x1000  }
0x134: {  	[sflag:s30] =	ssyncset.done $0x0  }
0x135: {  	[sflag:s30] =	ssyncadd.s32 $0xFFFFF000  }
0x136: {  	_ =	swait.ge [sflag:s30], $0x1000  }
0x137: {  	[sflag:s30] =	ssyncset.done $0x0  }
0x138: {  	[sflag:s30] =	ssyncadd.s32 $0xFFFFF000  }
0x139: {  	_ =	swait.ge [sflag:s30], $0x1000  }
0x13a: {  	[sflag:s30] =	ssyncset.done $0x0  }
0x13b: {  	[sflag:s30] =	ssyncadd.s32 $0xFFFFF000  }
0x13c: {  	_ =	swait.ge [sflag:s30], $0x1000  }
0x13d: {  	[sflag:s30] =	ssyncset.done $0x0  }
0x13e: {  	[sflag:s30] =	ssyncadd.s32 $0xFFFFF000  }
0x13f: {  	_ =	swait.ge [sflag:s30], $0x1000  }
0x140: {  	[sflag:s30] =	ssyncset.done $0x0  }
0x141: {  	[sflag:s30] =	ssyncadd.s32 $0xFFFFF000  }
0x142: {  	_ =	swait.ge [sflag:s30], $0x1000  }
0x143: {  	[sflag:s30] =	ssyncset.done $0x0  }
0x144: {  	[sflag:s30] =	ssyncadd.s32 $0xFFFFF000  }
0x145: {  	_ =	swait.ge [sflag:s30], $0x1000  }
0x146: {  	[sflag:s30] =	ssyncset.done $0x0  }
0x147: {  	[sflag:s30] =	ssyncadd.s32 $0xFFFFF000  }
0x148: {  	_ =	swait.ge [sflag:s30], $0x1000  }
0x149: {  	[sflag:s30] =	ssyncset.done $0x0  }
0x14a: {  	s10 =	simm.s32 $0x800;
	[sflag:s30] =	ssyncadd.s32 $0xFFFFF000  }
0x14b: {  	[tilespmem:s13], [sflag:$0x1] =	stream.indirect.gather [hbm4b:s3+s12], $0x20, s10, s12, $0xb8;
	[tilespmem:$0x19000] =	vst v63  }
0x14c: {  	s10 =	simm.s32 $0x880  }
0x14d: {  	[tilespmem:s14], [sflag:$0x1] =	stream.indirect.gather [hbm4b:s3+s12], $0x20, s10, s12, $0xb8;
	[tilespmem:$0x19000] =	vst v63  }
0x14e: {  	s14 =	simm.s32 $0x900  }
0x14f: {  	[tilespmem:s16], [sflag:$0x1] =	stream.indirect.gather [hbm4b:s3+s12], $0x20, s14, s12, $0xb8;
	[tilespmem:$0x19000] =	vst v63  }
0x150: {  	s14 =	simm.s32 $0x980  }
0x151: {  	[tilespmem:s18], [sflag:$0x1] =	stream.indirect.gather [hbm4b:s3+s12], $0x20, s14, s12, $0xb8;
	[tilespmem:$0x19000] =	vst v63  }
0x152: {  	s10 =	simm.s32 $0x0;
	s14 =	simm.s32 $0xA00  }
0x153: {  	v25 =	vmov s10;
	[tilespmem:s20], [sflag:$0x1] =	stream.indirect.gather [hbm4b:s3+s12], $0x20, s14, s12, $0xb8;
	[tilespmem:$0x19000] =	vst v63  }
0x154: {  	v26 =	vshll.u32 v25, $0x5;
	s14 =	simm.s32 $0xA80  }
0x155: {  	v27 =	vor.u32 v2, v26;
	[tilespmem:s22], [sflag:$0x1] =	stream.indirect.gather [hbm4b:s3+s12], $0x20, s14, s12, $0xb8;
	[tilespmem:$0x19000] =	vst v63  }
0x156: {  	v28 =	vor.u32 v0, v26;
	s14 =	simm.s32 $0xB00  }
0x157: {  	v29 =	vor.u32 v3, v26;
	[tilespmem:s24], [sflag:$0x1] =	stream.indirect.gather [hbm4b:s3+s12], $0x20, s14, s12, $0xb8;
	[tilespmem:$0x19000] =	vst v63  }
0x158: {  	v30 =	vor.u32 v1, v26;
	s14 =	simm.s32 $0xB80  }
0x159: {  	v31 =	vor.u32 v4, v26;
	[tilespmem:s26], [sflag:$0x1] =	stream.indirect.gather [hbm4b:s3+s12], $0x20, s14, s12, $0xb8;
	[tilespmem:$0x19000] =	vst v63  }
0x15a: {  	v44 =	vor.u32 v5, v26;
	v27 =	vld.idx.msk [tilespmem:v27+s29+$0x0], $0xffff  }
0x15b: {  	v45 =	vor.u32 v6, v26;
	v28 =	vld.idx.msk [tilespmem:v28+s29+$0x0], $0xffff  }
0x15c: {  	v46 =	vor.u32 v7, v26;
	v29 =	vld.idx.msk [tilespmem:v29+s29+$0x0], $0xffff  }
0x15d: {  	v47 =	vor.u32 v8, v26;
	v30 =	vld.idx.msk [tilespmem:v30+s29+$0x0], $0xffff  }
0x15e: {  	v48 =	vor.u32 v9, v26;
	v31 =	vld.idx.msk [tilespmem:v31+s29+$0x0], $0xffff  }
0x15f: {  	v49 =	vor.u32 v10, v26;
	v32 =	vld.idx.msk [tilespmem:v44+s29+$0x0], $0xffff  }
0x160: {  	v50 =	vor.u32 v11, v26;
	v33 =	vld.idx.msk [tilespmem:v45+s29+$0x0], $0xffff  }
0x161: {  	v51 =	vor.u32 v12, v26;
	v34 =	vld.idx.msk [tilespmem:v46+s29+$0x0], $0xffff;
	v27 =	vadd.f32 v27, v28  }
0x162: {  	v52 =	vor.u32 v13, v26;
	v28 =	vld.idx.msk [tilespmem:v47+s29+$0x0], $0xffff;
	v29 =	vadd.f32 v29, v30  }
0x163: {  	v53 =	vor.u32 v14, v26;
	v30 =	vld.idx.msk [tilespmem:v48+s29+$0x0], $0xffff;
	v27 =	vadd.f32 v31, v27  }
0x164: {  	v54 =	vor.u32 v15, v26;
	v26 =	vand.u32 $0x7F, v25;
	v31 =	vld.idx.msk [tilespmem:v49+s29+$0x0], $0xffff;
	v29 =	vadd.f32 v32, v29  }
0x165: {  	v25 =	vor.u32 v19, v26;
	v55 =	vld.idx.msk [tilespmem:v50+s29+$0x0], $0xffff;
	v27 =	vadd.f32 v33, v27  }
0x166: {  	v26 =	vor.u32 v20, v26;
	v56 =	vld.idx.msk [tilespmem:v51+s29+$0x0], $0xffff;
	v29 =	vadd.f32 v34, v29  }
0x167: {  	v57 =	vld.idx.msk [tilespmem:v52+s29+$0x0], $0xffff;
	v27 =	vadd.f32 v28, v27  }
0x168: {  	v28 =	vld.idx.msk [tilespmem:v53+s29+$0x0], $0xffff;
	v29 =	vadd.f32 v30, v29  }
0x169: {  	v30 =	vld.idx.msk [tilespmem:v54+s29+$0x0], $0xffff;
	v27 =	vadd.f32 v31, v27  }
0x16a: {  	v31 =	vld.idx.msk [tilespmem:v25+s11+$0x0], $0xffff;
	v29 =	vadd.f32 v55, v29  }
0x16b: {  	v58 =	vld.idx.msk [tilespmem:v26+s11+$0x0], $0xffff;
	v27 =	vadd.f32 v56, v27  }
0x16c: {  	v29 =	vadd.f32 v57, v29  }
0x16d: {  	v27 =	vadd.f32 v28, v27  }
0x16e: {  	v28 =	vadd.f32 v30, v29  }
0x16f: {  	v29 =	vmul.f32 $5.000000000e-01, v31;
	v27 =	vmul.f32 $6.250000000e-02, v27  }
0x170: {  	v30 =	vmul.f32 $5.000000000e-01, v58;
	v28 =	vmul.f32 $6.250000000e-02, v28  }
0x171: {  	v59 =	vadd.f32 v29, v27  }
0x172: {  	v27 =	vadd.f32 v30, v28  }
0x173: {  	v28 =	vmul.f32 v59, v59  }
0x174: {  	v29 =	vmul.f32 v27, v27  }
0x175: {  	v30 =	vperm.xlane v28, v18  }
0x176: {  	v31 =	vperm.xlane v29, v18  }
0x177: {  	v28 =	vadd.f32 v28, v30  }
0x178: {  	v29 =	vadd.f32 v31, v29  }
0x179: {  	v30 =	vshra.s32 v28, $0x1;
	v28 =	vmul.f32 $5.000000000e-01, v28  }
0x17a: {  	v31 =	vshra.s32 v29, $0x1;
	v29 =	vmul.f32 $5.000000000e-01, v29;
	v30 =	vsub.s32 $0x5F3759DF, v30  }
0x17b: {  	v31 =	vsub.s32 $0x5F3759DF, v31;
	v60 =	vmul.f32 v30, v28  }
0x17c: {  	v61 =	vmul.f32 v31, v29  }
0x17d: {  	v33 =	vmul.f32 v30, v60  }
0x17e: {  	v34 =	vmul.f32 v31, v61  }
0x17f: {  	v33 =	vsub.f32 $1.500000000e+00, v33  }
0x180: {  	v34 =	vsub.f32 $1.500000000e+00, v34  }
0x181: {  	v30 =	vmul.f32 v30, v33  }
0x182: {  	v31 =	vmul.f32 v31, v34  }
0x183: {  	v33 =	vmul.f32 v30, v28  }
0x184: {  	v34 =	vmul.f32 v31, v29  }
0x185: {  	v33 =	vmul.f32 v33, v30  }
0x186: {  	v34 =	vmul.f32 v34, v31  }
0x187: {  	v33 =	vsub.f32 $1.500000000e+00, v33  }
0x188: {  	v34 =	vsub.f32 $1.500000000e+00, v34  }
0x189: {  	v30 =	vmul.f32 v33, v30  }
0x18a: {  	v31 =	vmul.f32 v34, v31  }
0x18b: {  	v28 =	vmul.f32 v30, v28  }
0x18c: {  	v29 =	vmul.f32 v31, v29  }
0x18d: {  	v28 =	vmul.f32 v28, v30  }
0x18e: {  	v29 =	vmul.f32 v29, v31  }
0x18f: {  	v62 =	vsub.f32 $1.500000000e+00, v28  }
0x190: {  	s14 =	simm.s32 $0x1;
	v63 =	vsub.f32 $1.500000000e+00, v29  }
0x191: {  	v28 =	vmov s14;
	v33 =	vmul.f32 v62, v30  }
0x192: {  	v29 =	vshll.u32 v28, $0x5;
	v34 =	vmul.f32 v63, v31  }
0x193: {  	v30 =	vor.u32 v2, v29;
	v33 =	vmin.f32 v33, $1.000000000e+06  }
0x194: {  	s10 =	simm.s32 $0x2;
	v31 =	vor.u32 v0, v29;
	v32 =	vmul.f32 v33, v59;
	v33 =	vmin.f32 v34, $1.000000000e+06  }
.LBB2_4:
0x195: {  	p0 =	sne.s32 s10, $0x7F;
	v34 =	vor.u32 v3, v29;
	v27 =	vmul.f32 v33, v27  }
0x196: {  	v33 =	vor.u32 v1, v29;
	[tilespmem:v25+s23+$0x0] =	vst.idx.msk $0xffff, v32  }
0x197: {  	v25 =	vor.u32 v4, v29;
	[tilespmem:v26+s23+$0x0] =	vst.idx.msk $0xffff, v27  }
0x198: {  	v27 =	vor.u32 v5, v29;
	v26 =	vld.idx.msk [tilespmem:v30+s29+$0x0], $0xffff  }
0x199: {  	v30 =	vld.idx.msk [tilespmem:v31+s29+$0x0], $0xffff;
	v31 =	vor.u32 v6, v29  }
0x19a: {  	v32 =	vld.idx.msk [tilespmem:v34+s29+$0x0], $0xffff;
	v34 =	vor.u32 v7, v29  }
0x19b: {  	v35 =	vor.u32 v8, v29;
	v33 =	vld.idx.msk [tilespmem:v33+s29+$0x0], $0xffff  }
0x19c: {  	v36 =	vor.u32 v9, v29;
	v25 =	vld.idx.msk [tilespmem:v25+s29+$0x0], $0xffff  }
0x19d: {  	v37 =	vor.u32 v10, v29;
	v27 =	vld.idx.msk [tilespmem:v27+s29+$0x0], $0xffff  }
0x19e: {  	v38 =	vor.u32 v11, v29;
	v31 =	vld.idx.msk [tilespmem:v31+s29+$0x0], $0xffff  }
0x19f: {  	v39 =	vor.u32 v12, v29;
	v34 =	vld.idx.msk [tilespmem:v34+s29+$0x0], $0xffff  }
0x1a0: {  	v26 =	vadd.f32 v26, v30;
	v30 =	vld.idx.msk [tilespmem:v35+s29+$0x0], $0xffff;
	v35 =	vor.u32 v13, v29  }
0x1a1: {  	v32 =	vadd.f32 v32, v33;
	v33 =	vld.idx.msk [tilespmem:v36+s29+$0x0], $0xffff;
	v36 =	vor.u32 v14, v29  }
0x1a2: {  	v28 =	vand.u32 $0x7F, v28;
	v26 =	vadd.f32 v25, v26;
	v29 =	vor.u32 v15, v29;
	v37 =	vld.idx.msk [tilespmem:v37+s29+$0x0], $0xffff  }
0x1a3: {  	v25 =	vor.u32 v19, v28;
	v27 =	vadd.f32 v27, v32;
	v32 =	vld.idx.msk [tilespmem:v38+s29+$0x0], $0xffff  }
0x1a4: {  	v31 =	vadd.f32 v31, v26;
	v26 =	vor.u32 v20, v28;
	v38 =	vld.idx.msk [tilespmem:v39+s29+$0x0], $0xffff  }
0x1a5: {  	v27 =	vadd.f32 v34, v27;
	v28 =	vld.idx.msk [tilespmem:v35+s29+$0x0], $0xffff  }
0x1a6: {  	v30 =	vadd.f32 v30, v31;
	v31 =	vld.idx.msk [tilespmem:v36+s29+$0x0], $0xffff  }
0x1a7: {  	v27 =	vadd.f32 v33, v27;
	v29 =	vld.idx.msk [tilespmem:v29+s29+$0x0], $0xffff  }
0x1a8: {  	v30 =	vadd.f32 v37, v30;
	v33 =	vld.idx.msk [tilespmem:v25+s11+$0x0], $0xffff  }
0x1a9: {  	v27 =	vadd.f32 v32, v27;
	v32 =	vld.idx.msk [tilespmem:v26+s11+$0x0], $0xffff  }
0x1aa: {  	v30 =	vadd.f32 v38, v30  }
0x1ab: {  	v27 =	vadd.f32 v28, v27  }
0x1ac: {  	v28 =	vadd.f32 v31, v30  }
0x1ad: {  	v27 =	vadd.f32 v29, v27  }
0x1ae: {  	v29 =	vmul.f32 $5.000000000e-01, v33;
	v28 =	vmul.f32 $6.250000000e-02, v28  }
0x1af: {  	v30 =	vmul.f32 $5.000000000e-01, v32;
	v27 =	vmul.f32 $6.250000000e-02, v27  }
0x1b0: {  	v32 =	vadd.f32 v29, v28  }
0x1b1: {  	v27 =	vadd.f32 v30, v27  }
0x1b2: {  	v28 =	vmul.f32 v32, v32  }
0x1b3: {  	v29 =	vmul.f32 v27, v27  }
0x1b4: {  	v30 =	vperm.xlane v28, v18  }
0x1b5: {  	v31 =	vperm.xlane v29, v18  }
0x1b6: {  	v28 =	vadd.f32 v28, v30  }
0x1b7: {  	v29 =	vadd.f32 v31, v29  }
0x1b8: {  	v30 =	vshra.s32 v28, $0x1;
	v28 =	vmul.f32 $5.000000000e-01, v28  }
0x1b9: {  	v30 =	vsub.s32 $0x5F3759DF, v30;
	v31 =	vshra.s32 v29, $0x1;
	v29 =	vmul.f32 $5.000000000e-01, v29  }
0x1ba: {  	v33 =	vmul.f32 v30, v28;
	v31 =	vsub.s32 $0x5F3759DF, v31  }
0x1bb: {  	v34 =	vmul.f32 v31, v29  }
0x1bc: {  	v33 =	vmul.f32 v30, v33  }
0x1bd: {  	v34 =	vmul.f32 v31, v34  }
0x1be: {  	v33 =	vsub.f32 $1.500000000e+00, v33  }
0x1bf: {  	v34 =	vsub.f32 $1.500000000e+00, v34  }
0x1c0: {  	v30 =	vmul.f32 v30, v33  }
0x1c1: {  	v31 =	vmul.f32 v31, v34  }
0x1c2: {  	v33 =	vmul.f32 v30, v28  }
0x1c3: {  	v34 =	vmul.f32 v31, v29  }
0x1c4: {  	v33 =	vmul.f32 v33, v30  }
0x1c5: {  	v34 =	vmul.f32 v34, v31  }
0x1c6: {  	v33 =	vsub.f32 $1.500000000e+00, v33  }
0x1c7: {  	v34 =	vsub.f32 $1.500000000e+00, v34  }
0x1c8: {  	v30 =	vmul.f32 v33, v30  }
0x1c9: {  	v31 =	vmul.f32 v34, v31  }
0x1ca: {  	v28 =	vmul.f32 v30, v28  }
0x1cb: {  	v29 =	vmul.f32 v31, v29  }
0x1cc: {  	v28 =	vmul.f32 v28, v30  }
0x1cd: {  	v29 =	vmul.f32 v29, v31  }
0x1ce: {  	v33 =	vsub.f32 $1.500000000e+00, v28  }
.Ltmp1:
0x1cf: {  	v34 =	vsub.f32 $1.500000000e+00, v29;
	(pc) =	sbr.rel @p0 .LBB2_4-.Ltmp1, $4  }
0x1d0: {  	v28 =	vmov s10;
	v33 =	vmul.f32 v33, v30  }
0x1d1: {  	v29 =	vshll.u32 v28, $0x5;
	v34 =	vmul.f32 v34, v31  }
0x1d2: {  	v30 =	vor.u32 v2, v29;
	v33 =	vmin.f32 v33, $1.000000000e+06  }
0x1d3: {  	s10 =	sadd.s32 $0x1, s10;
	v31 =	vor.u32 v0, v29;
	v32 =	vmul.f32 v33, v32;
	v33 =	vmin.f32 v34, $1.000000000e+06  }
0x1d4: {  	_ =	sdelay $0x2  }
0x1d5: {  	v34 =	vor.u32 v3, v29;
	v27 =	vmul.f32 v33, v27  }
0x1d6: {  	v57 =	vor.u32 v1, v29;
	[tilespmem:v25+s23+$0x0] =	vst.idx.msk $0xffff, v32  }
0x1d7: {  	v25 =	vor.u32 v4, v29;
	[tilespmem:v26+s23+$0x0] =	vst.idx.msk $0xffff, v27  }
0x1d8: {  	v27 =	vor.u32 v5, v29;
	v26 =	vld.idx.msk [tilespmem:v30+s29+$0x0], $0xffff  }
0x1d9: {  	v30 =	vld.idx.msk [tilespmem:v31+s29+$0x0], $0xffff;
	v31 =	vor.u32 v6, v29  }
0x1da: {  	v58 =	vor.u32 v7, v29;
	v32 =	vld.idx.msk [tilespmem:v34+s29+$0x0], $0xffff  }
0x1db: {  	v35 =	vor.u32 v8, v29;
	v33 =	vld.idx.msk [tilespmem:v57+s29+$0x0], $0xffff  }
0x1dc: {  	v36 =	vor.u32 v9, v29;
	v25 =	vld.idx.msk [tilespmem:v25+s29+$0x0], $0xffff  }
0x1dd: {  	v37 =	vor.u32 v10, v29;
	v27 =	vld.idx.msk [tilespmem:v27+s29+$0x0], $0xffff  }
0x1de: {  	v38 =	vor.u32 v11, v29;
	v31 =	vld.idx.msk [tilespmem:v31+s29+$0x0], $0xffff  }
0x1df: {  	v39 =	vor.u32 v12, v29;
	v34 =	vld.idx.msk [tilespmem:v58+s29+$0x0], $0xffff;
	v26 =	vadd.f32 v26, v30  }
0x1e0: {  	v59 =	vor.u32 v13, v29;
	v30 =	vld.idx.msk [tilespmem:v35+s29+$0x0], $0xffff;
	v32 =	vadd.f32 v32, v33  }
0x1e1: {  	v61 =	vor.u32 v14, v29;
	v60 =	vld.idx.msk [tilespmem:v36+s29+$0x0], $0xffff;
	v25 =	vadd.f32 v25, v26  }
0x1e2: {  	v28 =	vand.u32 $0x7F, v28;
	v29 =	vor.u32 v15, v29;
	v26 =	vld.idx.msk [tilespmem:v37+s29+$0x0], $0xffff;
	v27 =	vadd.f32 v27, v32  }
0x1e3: {  	v63 =	vor.u32 v19, v28;
	v62 =	vld.idx.msk [tilespmem:v38+s29+$0x0], $0xffff;
	v25 =	vadd.f32 v31, v25  }
0x1e4: {  	v28 =	vor.u32 v20, v28;
	v31 =	vld.idx.msk [tilespmem:v39+s29+$0x0], $0xffff;
	v27 =	vadd.f32 v34, v27  }
0x1e5: {  	v40 =	vld.idx.msk [tilespmem:v59+s29+$0x0], $0xffff;
	v25 =	vadd.f32 v30, v25  }
0x1e6: {  	v30 =	vld.idx.msk [tilespmem:v61+s29+$0x0], $0xffff;
	v27 =	vadd.f32 v60, v27  }
0x1e7: {  	v29 =	vld.idx.msk [tilespmem:v29+s29+$0x0], $0xffff;
	v25 =	vadd.f32 v26, v25  }
0x1e8: {  	v26 =	vld.idx.msk [tilespmem:v63+s11+$0x0], $0xffff;
	v27 =	vadd.f32 v62, v27  }
0x1e9: {  	v41 =	vld.idx.msk [tilespmem:v28+s11+$0x0], $0xffff;
	v25 =	vadd.f32 v31, v25  }
0x1ea: {  	v27 =	vadd.f32 v40, v27  }
0x1eb: {  	v25 =	vadd.f32 v30, v25  }
0x1ec: {  	v27 =	vadd.f32 v29, v27  }
0x1ed: {  	v26 =	vmul.f32 $5.000000000e-01, v26;
	v25 =	vmul.f32 $6.250000000e-02, v25  }
0x1ee: {  	v29 =	vmul.f32 $5.000000000e-01, v41;
	v27 =	vmul.f32 $6.250000000e-02, v27  }
0x1ef: {  	v25 =	vadd.f32 v26, v25  }
0x1f0: {  	v26 =	vadd.f32 v29, v27  }
0x1f1: {  	v27 =	vmul.f32 v25, v25  }
0x1f2: {  	v29 =	vmul.f32 v26, v26  }
0x1f3: {  	v30 =	vperm.xlane v27, v18  }
0x1f4: {  	v31 =	vperm.xlane v29, v18  }
0x1f5: {  	v27 =	vadd.f32 v27, v30  }
0x1f6: {  	v29 =	vadd.f32 v31, v29  }
0x1f7: {  	v30 =	vshra.s32 v27, $0x1;
	v27 =	vmul.f32 $5.000000000e-01, v27  }
0x1f8: {  	v30 =	vsub.s32 $0x5F3759DF, v30;
	v31 =	vshra.s32 v29, $0x1;
	v29 =	vmul.f32 $5.000000000e-01, v29  }
0x1f9: {  	v42 =	vmul.f32 v30, v27;
	v31 =	vsub.s32 $0x5F3759DF, v31  }
0x1fa: {  	v43 =	vmul.f32 v31, v29  }
0x1fb: {  	v32 =	vmul.f32 v30, v42  }
0x1fc: {  	v33 =	vmul.f32 v31, v43  }
0x1fd: {  	v32 =	vsub.f32 $1.500000000e+00, v32  }
0x1fe: {  	v33 =	vsub.f32 $1.500000000e+00, v33  }
0x1ff: {  	v30 =	vmul.f32 v30, v32  }
0x200: {  	v31 =	vmul.f32 v31, v33  }
0x201: {  	v32 =	vmul.f32 v30, v27  }
0x202: {  	v33 =	vmul.f32 v31, v29  }
0x203: {  	v32 =	vmul.f32 v32, v30  }
0x204: {  	v33 =	vmul.f32 v33, v31  }
0x205: {  	v32 =	vsub.f32 $1.500000000e+00, v32  }
0x206: {  	v33 =	vsub.f32 $1.500000000e+00, v33  }
0x207: {  	v30 =	vmul.f32 v32, v30  }
0x208: {  	v31 =	vmul.f32 v33, v31  }
0x209: {  	v27 =	vmul.f32 v30, v27  }
0x20a: {  	v29 =	vmul.f32 v31, v29  }
0x20b: {  	v27 =	vmul.f32 v27, v30  }
0x20c: {  	v29 =	vmul.f32 v29, v31  }
0x20d: {  	v27 =	vsub.f32 $1.500000000e+00, v27  }
0x20e: {  	v29 =	vsub.f32 $1.500000000e+00, v29  }
0x20f: {  	v27 =	vmul.f32 v27, v30  }
0x210: {  	v29 =	vmul.f32 v29, v31  }
0x211: {  	v27 =	vmin.f32 v27, $1.000000000e+06  }
0x212: {  	v25 =	vmul.f32 v27, v25;
	v27 =	vmin.f32 v29, $1.000000000e+06  }
0x213: {  	v26 =	vmul.f32 v27, v26  }
0x214: {  	[tilespmem:v63+s23+$0x0] =	vst.idx.msk $0xffff, v25  }
0x215: {  	[tilespmem:v28+s23+$0x0] =	vst.idx.msk $0xffff, v26  }
0x216: {  	_ =	swait.ge [sflag:s28], $0x1000  }
0x217: {  	[sflag:s28] =	ssyncset.done $0x0  }
0x218: {  	[sflag:s28] =	ssyncadd.s32 $0xFFFFF000  }
0x219: {  	_ =	swait.ge [sflag:s28], $0x1000  }
0x21a: {  	[sflag:s28] =	ssyncset.done $0x0  }
0x21b: {  	[sflag:s28] =	ssyncadd.s32 $0xFFFFF000  }
0x21c: {  	_ =	swait.ge [sflag:s28], $0x1000  }
0x21d: {  	[sflag:s28] =	ssyncset.done $0x0  }
0x21e: {  	[sflag:s28] =	ssyncadd.s32 $0xFFFFF000  }
0x21f: {  	_ =	swait.ge [sflag:s28], $0x1000  }
0x220: {  	[sflag:s28] =	ssyncset.done $0x0  }
0x221: {  	[sflag:s28] =	ssyncadd.s32 $0xFFFFF000  }
0x222: {  	_ =	swait.ge [sflag:s28], $0x1000  }
0x223: {  	[sflag:s28] =	ssyncset.done $0x0  }
0x224: {  	[sflag:s28] =	ssyncadd.s32 $0xFFFFF000  }
0x225: {  	_ =	swait.ge [sflag:s28], $0x1000  }
0x226: {  	[sflag:s28] =	ssyncset.done $0x0  }
0x227: {  	[sflag:s28] =	ssyncadd.s32 $0xFFFFF000  }
0x228: {  	_ =	swait.ge [sflag:s28], $0x1000  }
0x229: {  	[sflag:s28] =	ssyncset.done $0x0  }
0x22a: {  	[sflag:s28] =	ssyncadd.s32 $0xFFFFF000  }
0x22b: {  	_ =	swait.ge [sflag:s28], $0x1000  }
0x22c: {  	[sflag:s28] =	ssyncset.done $0x0  }
0x22d: {  	s10 =	simm.s32 $0xC00;
	[sflag:s28] =	ssyncadd.s32 $0xFFFFF000  }
0x22e: {  	[tilespmem:s29], [sflag:$0x2] =	stream.indirect.gather [hbm4b:s3+s12], $0x20, s10, s12, $0xb8;
	[tilespmem:$0x19000] =	vst v63  }
0x22f: {  	s14 =	simm.s32 $0xC80  }
0x230: {  	[tilespmem:s31], [sflag:$0x2] =	stream.indirect.gather [hbm4b:s3+s12], $0x20, s14, s12, $0xb8;
	[tilespmem:$0x19000] =	vst v63  }
0x231: {  	s14 =	simm.s32 $0xD00  }
0x232: {  	[tilespmem:s1], [sflag:$0x2] =	stream.indirect.gather [hbm4b:s3+s12], $0x20, s14, s12, $0xb8;
	[tilespmem:$0x19000] =	vst v63  }
0x233: {  	s14 =	simm.s32 $0xD80  }
0x234: {  	[tilespmem:s17], [sflag:$0x2] =	stream.indirect.gather [hbm4b:s3+s12], $0x20, s14, s12, $0xb8;
	[tilespmem:$0x19000] =	vst v63  }
0x235: {  	s10 =	simm.s32 $0x0;
	s14 =	simm.s32 $0xE00  }
0x236: {  	v25 =	vmov s10;
	[tilespmem:s21], [sflag:$0x2] =	stream.indirect.gather [hbm4b:s3+s12], $0x20, s14, s12, $0xb8;
	[tilespmem:$0x19000] =	vst v63  }
0x237: {  	v26 =	vshll.u32 v25, $0x5;
	s14 =	simm.s32 $0xE80  }
0x238: {  	v27 =	vor.u32 v2, v26;
	[tilespmem:s25], [sflag:$0x2] =	stream.indirect.gather [hbm4b:s3+s12], $0x20, s14, s12, $0xb8;
	[tilespmem:$0x19000] =	vst v63  }
0x239: {  	v28 =	vor.u32 v0, v26;
	s14 =	simm.s32 $0xF00  }
0x23a: {  	v29 =	vor.u32 v3, v26;
	[tilespmem:s0], [sflag:$0x2] =	stream.indirect.gather [hbm4b:s3+s12], $0x20, s14, s12, $0xb8;
	[tilespmem:$0x19000] =	vst v63  }
0x23b: {  	v30 =	vor.u32 v1, v26;
	s14 =	simm.s32 $0xF80  }
0x23c: {  	v31 =	vor.u32 v4, v26;
	[tilespmem:s19], [sflag:$0x2] =	stream.indirect.gather [hbm4b:s3+s12], $0x20, s14, s12, $0xb8;
	[tilespmem:$0x19000] =	vst v63  }
0x23d: {  	v44 =	vor.u32 v5, v26;
	v27 =	vld.idx.msk [tilespmem:v27+s13+$0x0], $0xffff  }
0x23e: {  	v45 =	vor.u32 v6, v26;
	v28 =	vld.idx.msk [tilespmem:v28+s13+$0x0], $0xffff  }
0x23f: {  	v46 =	vor.u32 v7, v26;
	v29 =	vld.idx.msk [tilespmem:v29+s13+$0x0], $0xffff  }
0x240: {  	v47 =	vor.u32 v8, v26;
	v30 =	vld.idx.msk [tilespmem:v30+s13+$0x0], $0xffff  }
0x241: {  	v48 =	vor.u32 v9, v26;
	v31 =	vld.idx.msk [tilespmem:v31+s13+$0x0], $0xffff  }
0x242: {  	v49 =	vor.u32 v10, v26;
	v32 =	vld.idx.msk [tilespmem:v44+s13+$0x0], $0xffff  }
0x243: {  	v50 =	vor.u32 v11, v26;
	v33 =	vld.idx.msk [tilespmem:v45+s13+$0x0], $0xffff  }
0x244: {  	v51 =	vor.u32 v12, v26;
	v34 =	vld.idx.msk [tilespmem:v46+s13+$0x0], $0xffff;
	v27 =	vadd.f32 v27, v28  }
0x245: {  	v52 =	vor.u32 v13, v26;
	v28 =	vld.idx.msk [tilespmem:v47+s13+$0x0], $0xffff;
	v29 =	vadd.f32 v29, v30  }
0x246: {  	v53 =	vor.u32 v14, v26;
	v30 =	vld.idx.msk [tilespmem:v48+s13+$0x0], $0xffff;
	v27 =	vadd.f32 v31, v27  }
0x247: {  	v54 =	vor.u32 v15, v26;
	v26 =	vand.u32 $0x7F, v25;
	v31 =	vld.idx.msk [tilespmem:v49+s13+$0x0], $0xffff;
	v29 =	vadd.f32 v32, v29  }
0x248: {  	v25 =	vor.u32 v21, v26;
	v55 =	vld.idx.msk [tilespmem:v50+s13+$0x0], $0xffff;
	v27 =	vadd.f32 v33, v27  }
0x249: {  	v26 =	vor.u32 v22, v26;
	v56 =	vld.idx.msk [tilespmem:v51+s13+$0x0], $0xffff;
	v29 =	vadd.f32 v34, v29  }
0x24a: {  	v57 =	vld.idx.msk [tilespmem:v52+s13+$0x0], $0xffff;
	v27 =	vadd.f32 v28, v27  }
0x24b: {  	v28 =	vld.idx.msk [tilespmem:v53+s13+$0x0], $0xffff;
	v29 =	vadd.f32 v30, v29  }
0x24c: {  	v30 =	vld.idx.msk [tilespmem:v54+s13+$0x0], $0xffff;
	v27 =	vadd.f32 v31, v27  }
0x24d: {  	v31 =	vld.idx.msk [tilespmem:v25+s11+$0x0], $0xffff;
	v29 =	vadd.f32 v55, v29  }
0x24e: {  	v58 =	vld.idx.msk [tilespmem:v26+s11+$0x0], $0xffff;
	v27 =	vadd.f32 v56, v27  }
0x24f: {  	v29 =	vadd.f32 v57, v29  }
0x250: {  	v27 =	vadd.f32 v28, v27  }
0x251: {  	v28 =	vadd.f32 v30, v29  }
0x252: {  	v29 =	vmul.f32 $5.000000000e-01, v31;
	v27 =	vmul.f32 $6.250000000e-02, v27  }
0x253: {  	v30 =	vmul.f32 $5.000000000e-01, v58;
	v28 =	vmul.f32 $6.250000000e-02, v28  }
0x254: {  	v59 =	vadd.f32 v29, v27  }
0x255: {  	v27 =	vadd.f32 v30, v28  }
0x256: {  	v28 =	vmul.f32 v59, v59  }
0x257: {  	v29 =	vmul.f32 v27, v27  }
0x258: {  	v30 =	vperm.xlane v28, v18  }
0x259: {  	v31 =	vperm.xlane v29, v18  }
0x25a: {  	v28 =	vadd.f32 v28, v30  }
0x25b: {  	v29 =	vadd.f32 v31, v29  }
0x25c: {  	v30 =	vshra.s32 v28, $0x1;
	v28 =	vmul.f32 $5.000000000e-01, v28  }
0x25d: {  	v31 =	vshra.s32 v29, $0x1;
	v29 =	vmul.f32 $5.000000000e-01, v29;
	v30 =	vsub.s32 $0x5F3759DF, v30  }
0x25e: {  	v31 =	vsub.s32 $0x5F3759DF, v31;
	v60 =	vmul.f32 v30, v28  }
0x25f: {  	v61 =	vmul.f32 v31, v29  }
0x260: {  	v33 =	vmul.f32 v30, v60  }
0x261: {  	v34 =	vmul.f32 v31, v61  }
0x262: {  	v33 =	vsub.f32 $1.500000000e+00, v33  }
0x263: {  	v34 =	vsub.f32 $1.500000000e+00, v34  }
0x264: {  	v30 =	vmul.f32 v30, v33  }
0x265: {  	v31 =	vmul.f32 v31, v34  }
0x266: {  	v33 =	vmul.f32 v30, v28  }
0x267: {  	v34 =	vmul.f32 v31, v29  }
0x268: {  	v33 =	vmul.f32 v33, v30  }
0x269: {  	v34 =	vmul.f32 v34, v31  }
0x26a: {  	v33 =	vsub.f32 $1.500000000e+00, v33  }
0x26b: {  	v34 =	vsub.f32 $1.500000000e+00, v34  }
0x26c: {  	v30 =	vmul.f32 v33, v30  }
0x26d: {  	v31 =	vmul.f32 v34, v31  }
0x26e: {  	v28 =	vmul.f32 v30, v28  }
0x26f: {  	v29 =	vmul.f32 v31, v29  }
0x270: {  	v28 =	vmul.f32 v28, v30  }
0x271: {  	v29 =	vmul.f32 v29, v31  }
0x272: {  	v62 =	vsub.f32 $1.500000000e+00, v28  }
0x273: {  	s14 =	simm.s32 $0x1;
	v63 =	vsub.f32 $1.500000000e+00, v29  }
0x274: {  	v28 =	vmov s14;
	v33 =	vmul.f32 v62, v30  }
0x275: {  	v29 =	vshll.u32 v28, $0x5;
	v34 =	vmul.f32 v63, v31  }
0x276: {  	v30 =	vor.u32 v2, v29;
	v33 =	vmin.f32 v33, $1.000000000e+06  }
0x277: {  	s10 =	simm.s32 $0x2;
	v31 =	vor.u32 v0, v29;
	v32 =	vmul.f32 v33, v59;
	v33 =	vmin.f32 v34, $1.000000000e+06  }
.LBB2_6:
0x278: {  	p0 =	sne.s32 s10, $0x7F;
	v34 =	vor.u32 v3, v29;
	v27 =	vmul.f32 v33, v27  }
0x279: {  	v33 =	vor.u32 v1, v29;
	[tilespmem:v25+s23+$0x0] =	vst.idx.msk $0xffff, v32  }
0x27a: {  	v25 =	vor.u32 v4, v29;
	[tilespmem:v26+s23+$0x0] =	vst.idx.msk $0xffff, v27  }
0x27b: {  	v27 =	vor.u32 v5, v29;
	v26 =	vld.idx.msk [tilespmem:v30+s13+$0x0], $0xffff  }
0x27c: {  	v30 =	vld.idx.msk [tilespmem:v31+s13+$0x0], $0xffff;
	v31 =	vor.u32 v6, v29  }
0x27d: {  	v32 =	vld.idx.msk [tilespmem:v34+s13+$0x0], $0xffff;
	v34 =	vor.u32 v7, v29  }
0x27e: {  	v35 =	vor.u32 v8, v29;
	v33 =	vld.idx.msk [tilespmem:v33+s13+$0x0], $0xffff  }
0x27f: {  	v36 =	vor.u32 v9, v29;
	v25 =	vld.idx.msk [tilespmem:v25+s13+$0x0], $0xffff  }
0x280: {  	v37 =	vor.u32 v10, v29;
	v27 =	vld.idx.msk [tilespmem:v27+s13+$0x0], $0xffff  }
0x281: {  	v38 =	vor.u32 v11, v29;
	v31 =	vld.idx.msk [tilespmem:v31+s13+$0x0], $0xffff  }
0x282: {  	v39 =	vor.u32 v12, v29;
	v34 =	vld.idx.msk [tilespmem:v34+s13+$0x0], $0xffff  }
0x283: {  	v26 =	vadd.f32 v26, v30;
	v30 =	vld.idx.msk [tilespmem:v35+s13+$0x0], $0xffff;
	v35 =	vor.u32 v13, v29  }
0x284: {  	v32 =	vadd.f32 v32, v33;
	v33 =	vld.idx.msk [tilespmem:v36+s13+$0x0], $0xffff;
	v36 =	vor.u32 v14, v29  }
0x285: {  	v28 =	vand.u32 $0x7F, v28;
	v26 =	vadd.f32 v25, v26;
	v29 =	vor.u32 v15, v29;
	v37 =	vld.idx.msk [tilespmem:v37+s13+$0x0], $0xffff  }
0x286: {  	v25 =	vor.u32 v21, v28;
	v27 =	vadd.f32 v27, v32;
	v32 =	vld.idx.msk [tilespmem:v38+s13+$0x0], $0xffff  }
0x287: {  	v31 =	vadd.f32 v31, v26;
	v26 =	vor.u32 v22, v28;
	v38 =	vld.idx.msk [tilespmem:v39+s13+$0x0], $0xffff  }
0x288: {  	v27 =	vadd.f32 v34, v27;
	v28 =	vld.idx.msk [tilespmem:v35+s13+$0x0], $0xffff  }
0x289: {  	v30 =	vadd.f32 v30, v31;
	v31 =	vld.idx.msk [tilespmem:v36+s13+$0x0], $0xffff  }
0x28a: {  	v27 =	vadd.f32 v33, v27;
	v29 =	vld.idx.msk [tilespmem:v29+s13+$0x0], $0xffff  }
0x28b: {  	v30 =	vadd.f32 v37, v30;
	v33 =	vld.idx.msk [tilespmem:v25+s11+$0x0], $0xffff  }
0x28c: {  	v27 =	vadd.f32 v32, v27;
	v32 =	vld.idx.msk [tilespmem:v26+s11+$0x0], $0xffff  }
0x28d: {  	v30 =	vadd.f32 v38, v30  }
0x28e: {  	v27 =	vadd.f32 v28, v27  }
0x28f: {  	v28 =	vadd.f32 v31, v30  }
0x290: {  	v27 =	vadd.f32 v29, v27  }
0x291: {  	v29 =	vmul.f32 $5.000000000e-01, v33;
	v28 =	vmul.f32 $6.250000000e-02, v28  }
0x292: {  	v30 =	vmul.f32 $5.000000000e-01, v32;
	v27 =	vmul.f32 $6.250000000e-02, v27  }
0x293: {  	v32 =	vadd.f32 v29, v28  }
0x294: {  	v27 =	vadd.f32 v30, v27  }
0x295: {  	v28 =	vmul.f32 v32, v32  }
0x296: {  	v29 =	vmul.f32 v27, v27  }
0x297: {  	v30 =	vperm.xlane v28, v18  }
0x298: {  	v31 =	vperm.xlane v29, v18  }
0x299: {  	v28 =	vadd.f32 v28, v30  }
0x29a: {  	v29 =	vadd.f32 v31, v29  }
0x29b: {  	v30 =	vshra.s32 v28, $0x1;
	v28 =	vmul.f32 $5.000000000e-01, v28  }
0x29c: {  	v30 =	vsub.s32 $0x5F3759DF, v30;
	v31 =	vshra.s32 v29, $0x1;
	v29 =	vmul.f32 $5.000000000e-01, v29  }
0x29d: {  	v33 =	vmul.f32 v30, v28;
	v31 =	vsub.s32 $0x5F3759DF, v31  }
0x29e: {  	v34 =	vmul.f32 v31, v29  }
0x29f: {  	v33 =	vmul.f32 v30, v33  }
0x2a0: {  	v34 =	vmul.f32 v31, v34  }
0x2a1: {  	v33 =	vsub.f32 $1.500000000e+00, v33  }
0x2a2: {  	v34 =	vsub.f32 $1.500000000e+00, v34  }
0x2a3: {  	v30 =	vmul.f32 v30, v33  }
0x2a4: {  	v31 =	vmul.f32 v31, v34  }
0x2a5: {  	v33 =	vmul.f32 v30, v28  }
0x2a6: {  	v34 =	vmul.f32 v31, v29  }
0x2a7: {  	v33 =	vmul.f32 v33, v30  }
0x2a8: {  	v34 =	vmul.f32 v34, v31  }
0x2a9: {  	v33 =	vsub.f32 $1.500000000e+00, v33  }
0x2aa: {  	v34 =	vsub.f32 $1.500000000e+00, v34  }
0x2ab: {  	v30 =	vmul.f32 v33, v30  }
0x2ac: {  	v31 =	vmul.f32 v34, v31  }
0x2ad: {  	v28 =	vmul.f32 v30, v28  }
0x2ae: {  	v29 =	vmul.f32 v31, v29  }
0x2af: {  	v28 =	vmul.f32 v28, v30  }
0x2b0: {  	v29 =	vmul.f32 v29, v31  }
0x2b1: {  	v33 =	vsub.f32 $1.500000000e+00, v28  }
.Ltmp2:
0x2b2: {  	v34 =	vsub.f32 $1.500000000e+00, v29;
	(pc) =	sbr.rel @p0 .LBB2_6-.Ltmp2, $4  }
0x2b3: {  	v28 =	vmov s10;
	v33 =	vmul.f32 v33, v30  }
0x2b4: {  	v29 =	vshll.u32 v28, $0x5;
	v34 =	vmul.f32 v34, v31  }
0x2b5: {  	v30 =	vor.u32 v2, v29;
	v33 =	vmin.f32 v33, $1.000000000e+06  }
0x2b6: {  	s10 =	sadd.s32 $0x1, s10;
	v31 =	vor.u32 v0, v29;
	v32 =	vmul.f32 v33, v32;
	v33 =	vmin.f32 v34, $1.000000000e+06  }
0x2b7: {  	_ =	sdelay $0x2  }
0x2b8: {  	v34 =	vor.u32 v3, v29;
	v27 =	vmul.f32 v33, v27  }
0x2b9: {  	v57 =	vor.u32 v1, v29;
	[tilespmem:v25+s23+$0x0] =	vst.idx.msk $0xffff, v32  }
0x2ba: {  	v25 =	vor.u32 v4, v29;
	[tilespmem:v26+s23+$0x0] =	vst.idx.msk $0xffff, v27  }
0x2bb: {  	v27 =	vor.u32 v5, v29;
	v26 =	vld.idx.msk [tilespmem:v30+s13+$0x0], $0xffff  }
0x2bc: {  	v30 =	vld.idx.msk [tilespmem:v31+s13+$0x0], $0xffff;
	v31 =	vor.u32 v6, v29  }
0x2bd: {  	v58 =	vor.u32 v7, v29;
	v32 =	vld.idx.msk [tilespmem:v34+s13+$0x0], $0xffff  }
0x2be: {  	v35 =	vor.u32 v8, v29;
	v33 =	vld.idx.msk [tilespmem:v57+s13+$0x0], $0xffff  }
0x2bf: {  	v36 =	vor.u32 v9, v29;
	v25 =	vld.idx.msk [tilespmem:v25+s13+$0x0], $0xffff  }
0x2c0: {  	v37 =	vor.u32 v10, v29;
	v27 =	vld.idx.msk [tilespmem:v27+s13+$0x0], $0xffff  }
0x2c1: {  	v38 =	vor.u32 v11, v29;
	v31 =	vld.idx.msk [tilespmem:v31+s13+$0x0], $0xffff  }
0x2c2: {  	v39 =	vor.u32 v12, v29;
	v34 =	vld.idx.msk [tilespmem:v58+s13+$0x0], $0xffff;
	v26 =	vadd.f32 v26, v30  }
0x2c3: {  	v59 =	vor.u32 v13, v29;
	v30 =	vld.idx.msk [tilespmem:v35+s13+$0x0], $0xffff;
	v32 =	vadd.f32 v32, v33  }
0x2c4: {  	v61 =	vor.u32 v14, v29;
	v60 =	vld.idx.msk [tilespmem:v36+s13+$0x0], $0xffff;
	v25 =	vadd.f32 v25, v26  }
0x2c5: {  	v28 =	vand.u32 $0x7F, v28;
	v29 =	vor.u32 v15, v29;
	v26 =	vld.idx.msk [tilespmem:v37+s13+$0x0], $0xffff;
	v27 =	vadd.f32 v27, v32  }
0x2c6: {  	v63 =	vor.u32 v21, v28;
	v62 =	vld.idx.msk [tilespmem:v38+s13+$0x0], $0xffff;
	v25 =	vadd.f32 v31, v25  }
0x2c7: {  	v28 =	vor.u32 v22, v28;
	v31 =	vld.idx.msk [tilespmem:v39+s13+$0x0], $0xffff;
	v27 =	vadd.f32 v34, v27  }
0x2c8: {  	v40 =	vld.idx.msk [tilespmem:v59+s13+$0x0], $0xffff;
	v25 =	vadd.f32 v30, v25  }
0x2c9: {  	v30 =	vld.idx.msk [tilespmem:v61+s13+$0x0], $0xffff;
	v27 =	vadd.f32 v60, v27  }
0x2ca: {  	v29 =	vld.idx.msk [tilespmem:v29+s13+$0x0], $0xffff;
	v25 =	vadd.f32 v26, v25  }
0x2cb: {  	v26 =	vld.idx.msk [tilespmem:v63+s11+$0x0], $0xffff;
	v27 =	vadd.f32 v62, v27  }
0x2cc: {  	v41 =	vld.idx.msk [tilespmem:v28+s11+$0x0], $0xffff;
	v25 =	vadd.f32 v31, v25  }
0x2cd: {  	v27 =	vadd.f32 v40, v27  }
0x2ce: {  	v25 =	vadd.f32 v30, v25  }
0x2cf: {  	v27 =	vadd.f32 v29, v27  }
0x2d0: {  	v26 =	vmul.f32 $5.000000000e-01, v26;
	v25 =	vmul.f32 $6.250000000e-02, v25  }
0x2d1: {  	v29 =	vmul.f32 $5.000000000e-01, v41;
	v27 =	vmul.f32 $6.250000000e-02, v27  }
0x2d2: {  	v25 =	vadd.f32 v26, v25  }
0x2d3: {  	v26 =	vadd.f32 v29, v27  }
0x2d4: {  	v27 =	vmul.f32 v25, v25  }
0x2d5: {  	v29 =	vmul.f32 v26, v26  }
0x2d6: {  	v30 =	vperm.xlane v27, v18  }
0x2d7: {  	v31 =	vperm.xlane v29, v18  }
0x2d8: {  	v27 =	vadd.f32 v27, v30  }
0x2d9: {  	v29 =	vadd.f32 v31, v29  }
0x2da: {  	v30 =	vshra.s32 v27, $0x1;
	v27 =	vmul.f32 $5.000000000e-01, v27  }
0x2db: {  	v30 =	vsub.s32 $0x5F3759DF, v30;
	v31 =	vshra.s32 v29, $0x1;
	v29 =	vmul.f32 $5.000000000e-01, v29  }
0x2dc: {  	v42 =	vmul.f32 v30, v27;
	v31 =	vsub.s32 $0x5F3759DF, v31  }
0x2dd: {  	v43 =	vmul.f32 v31, v29  }
0x2de: {  	v32 =	vmul.f32 v30, v42  }
0x2df: {  	v33 =	vmul.f32 v31, v43  }
0x2e0: {  	v32 =	vsub.f32 $1.500000000e+00, v32  }
0x2e1: {  	v33 =	vsub.f32 $1.500000000e+00, v33  }
0x2e2: {  	v30 =	vmul.f32 v30, v32  }
0x2e3: {  	v31 =	vmul.f32 v31, v33  }
0x2e4: {  	v32 =	vmul.f32 v30, v27  }
0x2e5: {  	v33 =	vmul.f32 v31, v29  }
0x2e6: {  	v32 =	vmul.f32 v32, v30  }
0x2e7: {  	v33 =	vmul.f32 v33, v31  }
0x2e8: {  	v32 =	vsub.f32 $1.500000000e+00, v32  }
0x2e9: {  	v33 =	vsub.f32 $1.500000000e+00, v33  }
0x2ea: {  	v30 =	vmul.f32 v32, v30  }
0x2eb: {  	v31 =	vmul.f32 v33, v31  }
0x2ec: {  	v27 =	vmul.f32 v30, v27  }
0x2ed: {  	v29 =	vmul.f32 v31, v29  }
0x2ee: {  	v27 =	vmul.f32 v27, v30  }
0x2ef: {  	v29 =	vmul.f32 v29, v31  }
0x2f0: {  	v27 =	vsub.f32 $1.500000000e+00, v27  }
0x2f1: {  	v29 =	vsub.f32 $1.500000000e+00, v29  }
0x2f2: {  	v27 =	vmul.f32 v27, v30  }
0x2f3: {  	v29 =	vmul.f32 v29, v31  }
0x2f4: {  	v27 =	vmin.f32 v27, $1.000000000e+06  }
0x2f5: {  	v25 =	vmul.f32 v27, v25;
	v27 =	vmin.f32 v29, $1.000000000e+06  }
0x2f6: {  	v26 =	vmul.f32 v27, v26  }
0x2f7: {  	[tilespmem:v63+s23+$0x0] =	vst.idx.msk $0xffff, v25  }
0x2f8: {  	[tilespmem:v28+s23+$0x0] =	vst.idx.msk $0xffff, v26  }
0x2f9: {  	_ =	swait.ge [sflag:s30], $0x1000  }
0x2fa: {  	[sflag:s30] =	ssyncset.done $0x0  }
0x2fb: {  	[sflag:s30] =	ssyncadd.s32 $0xFFFFF000  }
0x2fc: {  	_ =	swait.ge [sflag:s30], $0x1000  }
0x2fd: {  	[sflag:s30] =	ssyncset.done $0x0  }
0x2fe: {  	[sflag:s30] =	ssyncadd.s32 $0xFFFFF000  }
0x2ff: {  	_ =	swait.ge [sflag:s30], $0x1000  }
0x300: {  	[sflag:s30] =	ssyncset.done $0x0  }
0x301: {  	[sflag:s30] =	ssyncadd.s32 $0xFFFFF000  }
0x302: {  	_ =	swait.ge [sflag:s30], $0x1000  }
0x303: {  	[sflag:s30] =	ssyncset.done $0x0  }
0x304: {  	[sflag:s30] =	ssyncadd.s32 $0xFFFFF000  }
0x305: {  	_ =	swait.ge [sflag:s30], $0x1000  }
0x306: {  	[sflag:s30] =	ssyncset.done $0x0  }
0x307: {  	[sflag:s30] =	ssyncadd.s32 $0xFFFFF000  }
0x308: {  	_ =	swait.ge [sflag:s30], $0x1000  }
0x309: {  	s10 =	simm.s32 $0x0;
	[sflag:s30] =	ssyncset.done $0x0  }
0x30a: {  	v25 =	vmov s10;
	[sflag:s30] =	ssyncadd.s32 $0xFFFFF000  }
0x30b: {  	v26 =	vshll.u32 v25, $0x5;
	_ =	swait.ge [sflag:s30], $0x1000  }
0x30c: {  	v27 =	vor.u32 v2, v26;
	[sflag:s30] =	ssyncset.done $0x0  }
0x30d: {  	v28 =	vor.u32 v0, v26;
	[sflag:s30] =	ssyncadd.s32 $0xFFFFF000  }
0x30e: {  	v29 =	vor.u32 v3, v26;
	_ =	swait.ge [sflag:s30], $0x1000  }
0x30f: {  	v30 =	vor.u32 v1, v26;
	[sflag:s30] =	ssyncset.done $0x0  }
0x310: {  	v31 =	vor.u32 v4, v26;
	[sflag:s30] =	ssyncadd.s32 $0xFFFFF000  }
0x311: {  	v44 =	vor.u32 v5, v26;
	v27 =	vld.idx.msk [tilespmem:v27+s29+$0x0], $0xffff  }
0x312: {  	v45 =	vor.u32 v6, v26;
	v28 =	vld.idx.msk [tilespmem:v28+s29+$0x0], $0xffff  }
0x313: {  	v46 =	vor.u32 v7, v26;
	v29 =	vld.idx.msk [tilespmem:v29+s29+$0x0], $0xffff  }
0x314: {  	v47 =	vor.u32 v8, v26;
	v30 =	vld.idx.msk [tilespmem:v30+s29+$0x0], $0xffff  }
0x315: {  	v48 =	vor.u32 v9, v26;
	v31 =	vld.idx.msk [tilespmem:v31+s29+$0x0], $0xffff  }
0x316: {  	v49 =	vor.u32 v10, v26;
	v32 =	vld.idx.msk [tilespmem:v44+s29+$0x0], $0xffff  }
0x317: {  	v50 =	vor.u32 v11, v26;
	v33 =	vld.idx.msk [tilespmem:v45+s29+$0x0], $0xffff  }
0x318: {  	v51 =	vor.u32 v12, v26;
	v34 =	vld.idx.msk [tilespmem:v46+s29+$0x0], $0xffff;
	v27 =	vadd.f32 v27, v28  }
0x319: {  	v52 =	vor.u32 v13, v26;
	v28 =	vld.idx.msk [tilespmem:v47+s29+$0x0], $0xffff;
	v29 =	vadd.f32 v29, v30  }
0x31a: {  	v53 =	vor.u32 v14, v26;
	v30 =	vld.idx.msk [tilespmem:v48+s29+$0x0], $0xffff;
	v27 =	vadd.f32 v31, v27  }
0x31b: {  	v54 =	vor.u32 v15, v26;
	v26 =	vand.u32 $0x7F, v25;
	v31 =	vld.idx.msk [tilespmem:v49+s29+$0x0], $0xffff;
	v29 =	vadd.f32 v32, v29  }
0x31c: {  	v25 =	vor.u32 v23, v26;
	v55 =	vld.idx.msk [tilespmem:v50+s29+$0x0], $0xffff;
	v27 =	vadd.f32 v33, v27  }
0x31d: {  	v26 =	vor.u32 v24, v26;
	v56 =	vld.idx.msk [tilespmem:v51+s29+$0x0], $0xffff;
	v29 =	vadd.f32 v34, v29  }
0x31e: {  	v57 =	vld.idx.msk [tilespmem:v52+s29+$0x0], $0xffff;
	v27 =	vadd.f32 v28, v27  }
0x31f: {  	v28 =	vld.idx.msk [tilespmem:v53+s29+$0x0], $0xffff;
	v29 =	vadd.f32 v30, v29  }
0x320: {  	v30 =	vld.idx.msk [tilespmem:v54+s29+$0x0], $0xffff;
	v27 =	vadd.f32 v31, v27  }
0x321: {  	v31 =	vld.idx.msk [tilespmem:v25+s11+$0x0], $0xffff;
	v29 =	vadd.f32 v55, v29  }
0x322: {  	v58 =	vld.idx.msk [tilespmem:v26+s11+$0x0], $0xffff;
	v27 =	vadd.f32 v56, v27  }
0x323: {  	v29 =	vadd.f32 v57, v29  }
0x324: {  	v27 =	vadd.f32 v28, v27  }
0x325: {  	v28 =	vadd.f32 v30, v29  }
0x326: {  	v29 =	vmul.f32 $5.000000000e-01, v31;
	v27 =	vmul.f32 $6.250000000e-02, v27  }
0x327: {  	v30 =	vmul.f32 $5.000000000e-01, v58;
	v28 =	vmul.f32 $6.250000000e-02, v28  }
0x328: {  	v59 =	vadd.f32 v29, v27  }
0x329: {  	v27 =	vadd.f32 v30, v28  }
0x32a: {  	v28 =	vmul.f32 v59, v59  }
0x32b: {  	v29 =	vmul.f32 v27, v27  }
0x32c: {  	v30 =	vperm.xlane v28, v18  }
0x32d: {  	v31 =	vperm.xlane v29, v18  }
0x32e: {  	v28 =	vadd.f32 v28, v30  }
0x32f: {  	v29 =	vadd.f32 v31, v29  }
0x330: {  	v30 =	vshra.s32 v28, $0x1;
	v28 =	vmul.f32 $5.000000000e-01, v28  }
0x331: {  	v31 =	vshra.s32 v29, $0x1;
	v29 =	vmul.f32 $5.000000000e-01, v29;
	v30 =	vsub.s32 $0x5F3759DF, v30  }
0x332: {  	v31 =	vsub.s32 $0x5F3759DF, v31;
	v60 =	vmul.f32 v30, v28  }
0x333: {  	v61 =	vmul.f32 v31, v29  }
0x334: {  	v33 =	vmul.f32 v30, v60  }
0x335: {  	v34 =	vmul.f32 v31, v61  }
0x336: {  	v33 =	vsub.f32 $1.500000000e+00, v33  }
0x337: {  	v34 =	vsub.f32 $1.500000000e+00, v34  }
0x338: {  	v30 =	vmul.f32 v30, v33  }
0x339: {  	v31 =	vmul.f32 v31, v34  }
0x33a: {  	v33 =	vmul.f32 v30, v28  }
0x33b: {  	v34 =	vmul.f32 v31, v29  }
0x33c: {  	v33 =	vmul.f32 v33, v30  }
0x33d: {  	v34 =	vmul.f32 v34, v31  }
0x33e: {  	v33 =	vsub.f32 $1.500000000e+00, v33  }
0x33f: {  	v34 =	vsub.f32 $1.500000000e+00, v34  }
0x340: {  	v30 =	vmul.f32 v33, v30  }
0x341: {  	v31 =	vmul.f32 v34, v31  }
0x342: {  	v28 =	vmul.f32 v30, v28  }
0x343: {  	v29 =	vmul.f32 v31, v29  }
0x344: {  	v28 =	vmul.f32 v28, v30  }
0x345: {  	v29 =	vmul.f32 v29, v31  }
0x346: {  	v62 =	vsub.f32 $1.500000000e+00, v28  }
0x347: {  	s14 =	simm.s32 $0x1;
	v63 =	vsub.f32 $1.500000000e+00, v29  }
0x348: {  	v28 =	vmov s14;
	v33 =	vmul.f32 v62, v30  }
0x349: {  	v29 =	vshll.u32 v28, $0x5;
	v34 =	vmul.f32 v63, v31  }
0x34a: {  	v30 =	vor.u32 v2, v29;
	v33 =	vmin.f32 v33, $1.000000000e+06  }
0x34b: {  	s10 =	simm.s32 $0x2;
	s14 =	simm.s32 $0xA000;
	v31 =	vor.u32 v0, v29;
	v32 =	vmul.f32 v33, v59;
	v33 =	vmin.f32 v34, $1.000000000e+06  }
.LBB2_8:
0x34c: {  	p0 =	sne.s32 s10, $0x7F;
	v34 =	vor.u32 v3, v29;
	v27 =	vmul.f32 v33, v27  }
0x34d: {  	v33 =	vor.u32 v1, v29;
	[tilespmem:v25+s23+$0x0] =	vst.idx.msk $0xffff, v32  }
0x34e: {  	v25 =	vor.u32 v4, v29;
	[tilespmem:v26+s23+$0x0] =	vst.idx.msk $0xffff, v27  }
0x34f: {  	v27 =	vor.u32 v5, v29;
	v26 =	vld.idx.msk [tilespmem:v30+s29+$0x0], $0xffff  }
0x350: {  	v30 =	vld.idx.msk [tilespmem:v31+s29+$0x0], $0xffff;
	v31 =	vor.u32 v6, v29  }
0x351: {  	v32 =	vld.idx.msk [tilespmem:v34+s29+$0x0], $0xffff;
	v34 =	vor.u32 v7, v29  }
0x352: {  	v35 =	vor.u32 v8, v29;
	v33 =	vld.idx.msk [tilespmem:v33+s29+$0x0], $0xffff  }
0x353: {  	v36 =	vor.u32 v9, v29;
	v25 =	vld.idx.msk [tilespmem:v25+s29+$0x0], $0xffff  }
0x354: {  	v37 =	vor.u32 v10, v29;
	v27 =	vld.idx.msk [tilespmem:v27+s29+$0x0], $0xffff  }
0x355: {  	v38 =	vor.u32 v11, v29;
	v31 =	vld.idx.msk [tilespmem:v31+s29+$0x0], $0xffff  }
0x356: {  	v39 =	vor.u32 v12, v29;
	v34 =	vld.idx.msk [tilespmem:v34+s29+$0x0], $0xffff  }
0x357: {  	v26 =	vadd.f32 v26, v30;
	v30 =	vld.idx.msk [tilespmem:v35+s29+$0x0], $0xffff;
	v35 =	vor.u32 v13, v29  }
0x358: {  	v32 =	vadd.f32 v32, v33;
	v33 =	vld.idx.msk [tilespmem:v36+s29+$0x0], $0xffff;
	v36 =	vor.u32 v14, v29  }
0x359: {  	v28 =	vand.u32 $0x7F, v28;
	v26 =	vadd.f32 v25, v26;
	v29 =	vor.u32 v15, v29;
	v37 =	vld.idx.msk [tilespmem:v37+s29+$0x0], $0xffff  }
0x35a: {  	v25 =	vor.u32 v23, v28;
	v27 =	vadd.f32 v27, v32;
	v32 =	vld.idx.msk [tilespmem:v38+s29+$0x0], $0xffff  }
0x35b: {  	v31 =	vadd.f32 v31, v26;
	v26 =	vor.u32 v24, v28;
	v38 =	vld.idx.msk [tilespmem:v39+s29+$0x0], $0xffff  }
0x35c: {  	v27 =	vadd.f32 v34, v27;
	v28 =	vld.idx.msk [tilespmem:v35+s29+$0x0], $0xffff  }
0x35d: {  	v30 =	vadd.f32 v30, v31;
	v31 =	vld.idx.msk [tilespmem:v36+s29+$0x0], $0xffff  }
0x35e: {  	v27 =	vadd.f32 v33, v27;
	v29 =	vld.idx.msk [tilespmem:v29+s29+$0x0], $0xffff  }
0x35f: {  	v30 =	vadd.f32 v37, v30;
	v33 =	vld.idx.msk [tilespmem:v25+s11+$0x0], $0xffff  }
0x360: {  	v27 =	vadd.f32 v32, v27;
	v32 =	vld.idx.msk [tilespmem:v26+s11+$0x0], $0xffff  }
0x361: {  	v30 =	vadd.f32 v38, v30  }
0x362: {  	v27 =	vadd.f32 v28, v27  }
0x363: {  	v28 =	vadd.f32 v31, v30  }
0x364: {  	v27 =	vadd.f32 v29, v27  }
0x365: {  	v29 =	vmul.f32 $5.000000000e-01, v33;
	v28 =	vmul.f32 $6.250000000e-02, v28  }
0x366: {  	v30 =	vmul.f32 $5.000000000e-01, v32;
	v27 =	vmul.f32 $6.250000000e-02, v27  }
0x367: {  	v32 =	vadd.f32 v29, v28  }
0x368: {  	v27 =	vadd.f32 v30, v27  }
0x369: {  	v28 =	vmul.f32 v32, v32  }
0x36a: {  	v29 =	vmul.f32 v27, v27  }
0x36b: {  	v30 =	vperm.xlane v28, v18  }
0x36c: {  	v31 =	vperm.xlane v29, v18  }
0x36d: {  	v28 =	vadd.f32 v28, v30  }
0x36e: {  	v29 =	vadd.f32 v31, v29  }
0x36f: {  	v30 =	vshra.s32 v28, $0x1;
	v28 =	vmul.f32 $5.000000000e-01, v28  }
0x370: {  	v30 =	vsub.s32 $0x5F3759DF, v30;
	v31 =	vshra.s32 v29, $0x1;
	v29 =	vmul.f32 $5.000000000e-01, v29  }
0x371: {  	v33 =	vmul.f32 v30, v28;
	v31 =	vsub.s32 $0x5F3759DF, v31  }
0x372: {  	v34 =	vmul.f32 v31, v29  }
0x373: {  	v33 =	vmul.f32 v30, v33  }
0x374: {  	v34 =	vmul.f32 v31, v34  }
0x375: {  	v33 =	vsub.f32 $1.500000000e+00, v33  }
0x376: {  	v34 =	vsub.f32 $1.500000000e+00, v34  }
0x377: {  	v30 =	vmul.f32 v30, v33  }
0x378: {  	v31 =	vmul.f32 v31, v34  }
0x379: {  	v33 =	vmul.f32 v30, v28  }
0x37a: {  	v34 =	vmul.f32 v31, v29  }
0x37b: {  	v33 =	vmul.f32 v33, v30  }
0x37c: {  	v34 =	vmul.f32 v34, v31  }
0x37d: {  	v33 =	vsub.f32 $1.500000000e+00, v33  }
0x37e: {  	v34 =	vsub.f32 $1.500000000e+00, v34  }
0x37f: {  	v30 =	vmul.f32 v33, v30  }
0x380: {  	v31 =	vmul.f32 v34, v31  }
0x381: {  	v28 =	vmul.f32 v30, v28  }
0x382: {  	v29 =	vmul.f32 v31, v29  }
0x383: {  	v28 =	vmul.f32 v28, v30  }
0x384: {  	v29 =	vmul.f32 v29, v31  }
0x385: {  	v33 =	vsub.f32 $1.500000000e+00, v28  }
.Ltmp3:
0x386: {  	v34 =	vsub.f32 $1.500000000e+00, v29;
	(pc) =	sbr.rel @p0 .LBB2_8-.Ltmp3, $4  }
0x387: {  	v28 =	vmov s10;
	v33 =	vmul.f32 v33, v30  }
0x388: {  	v29 =	vshll.u32 v28, $0x5;
	v34 =	vmul.f32 v34, v31  }
0x389: {  	v30 =	vor.u32 v2, v29;
	v33 =	vmin.f32 v33, $1.000000000e+06  }
0x38a: {  	s10 =	sadd.s32 $0x1, s10;
	v31 =	vor.u32 v0, v29;
	v32 =	vmul.f32 v33, v32;
	v33 =	vmin.f32 v34, $1.000000000e+06  }
0x38b: {  	_ =	sdelay $0x2  }
0x38c: {  	v34 =	vor.u32 v3, v29;
	v27 =	vmul.f32 v33, v27  }
0x38d: {  	v44 =	vor.u32 v1, v29;
	[tilespmem:v25+s23+$0x0] =	vst.idx.msk $0xffff, v32  }
0x38e: {  	v25 =	vor.u32 v4, v29;
	[tilespmem:v26+s23+$0x0] =	vst.idx.msk $0xffff, v27  }
0x38f: {  	v27 =	vor.u32 v5, v29;
	v26 =	vld.idx.msk [tilespmem:v30+s29+$0x0], $0xffff  }
0x390: {  	v46 =	vor.u32 v6, v29;
	v45 =	vld.idx.msk [tilespmem:v31+s29+$0x0], $0xffff  }
0x391: {  	v47 =	vor.u32 v7, v29;
	v32 =	vld.idx.msk [tilespmem:v34+s29+$0x0], $0xffff  }
0x392: {  	v35 =	vor.u32 v8, v29;
	v33 =	vld.idx.msk [tilespmem:v44+s29+$0x0], $0xffff  }
0x393: {  	v36 =	vor.u32 v9, v29;
	v25 =	vld.idx.msk [tilespmem:v25+s29+$0x0], $0xffff  }
0x394: {  	v37 =	vor.u32 v10, v29;
	v27 =	vld.idx.msk [tilespmem:v27+s29+$0x0], $0xffff  }
0x395: {  	v38 =	vor.u32 v11, v29;
	v31 =	vld.idx.msk [tilespmem:v46+s29+$0x0], $0xffff  }
0x396: {  	v39 =	vor.u32 v12, v29;
	v34 =	vld.idx.msk [tilespmem:v47+s29+$0x0], $0xffff;
	v26 =	vadd.f32 v26, v45  }
0x397: {  	v49 =	vor.u32 v13, v29;
	v48 =	vld.idx.msk [tilespmem:v35+s29+$0x0], $0xffff;
	v32 =	vadd.f32 v32, v33  }
0x398: {  	v51 =	vor.u32 v14, v29;
	v50 =	vld.idx.msk [tilespmem:v36+s29+$0x0], $0xffff;
	v25 =	vadd.f32 v25, v26  }
0x399: {  	v52 =	vor.u32 v15, v29;
	v28 =	vand.u32 $0x7F, v28;
	v26 =	vld.idx.msk [tilespmem:v37+s29+$0x0], $0xffff;
	v27 =	vadd.f32 v27, v32  }
0x39a: {  	v54 =	vor.u32 v23, v28;
	v53 =	vld.idx.msk [tilespmem:v38+s29+$0x0], $0xffff;
	v25 =	vadd.f32 v31, v25  }
0x39b: {  	v28 =	vor.u32 v24, v28;
	v55 =	vld.idx.msk [tilespmem:v39+s29+$0x0], $0xffff;
	v27 =	vadd.f32 v34, v27  }
0x39c: {  	v56 =	vld.idx.msk [tilespmem:v49+s29+$0x0], $0xffff;
	v25 =	vadd.f32 v48, v25  }
0x39d: {  	v57 =	vld.idx.msk [tilespmem:v51+s29+$0x0], $0xffff;
	v27 =	vadd.f32 v50, v27  }
0x39e: {  	v29 =	vld.idx.msk [tilespmem:v52+s29+$0x0], $0xffff;
	v25 =	vadd.f32 v26, v25  }
0x39f: {  	v26 =	vld.idx.msk [tilespmem:v54+s11+$0x0], $0xffff;
	v27 =	vadd.f32 v53, v27  }
0x3a0: {  	v58 =	vld.idx.msk [tilespmem:v28+s11+$0x0], $0xffff;
	v25 =	vadd.f32 v55, v25  }
0x3a1: {  	v27 =	vadd.f32 v56, v27  }
0x3a2: {  	v25 =	vadd.f32 v57, v25  }
0x3a3: {  	v27 =	vadd.f32 v29, v27  }
0x3a4: {  	v26 =	vmul.f32 $5.000000000e-01, v26;
	v25 =	vmul.f32 $6.250000000e-02, v25  }
0x3a5: {  	v59 =	vmul.f32 $5.000000000e-01, v58;
	v27 =	vmul.f32 $6.250000000e-02, v27  }
0x3a6: {  	v25 =	vadd.f32 v26, v25  }
0x3a7: {  	v26 =	vadd.f32 v59, v27  }
0x3a8: {  	v27 =	vmul.f32 v25, v25  }
0x3a9: {  	v29 =	vmul.f32 v26, v26  }
0x3aa: {  	v60 =	vperm.xlane v27, v18  }
0x3ab: {  	v61 =	vperm.xlane v29, v18  }
0x3ac: {  	v27 =	vadd.f32 v27, v60  }
0x3ad: {  	v29 =	vadd.f32 v61, v29  }
0x3ae: {  	v30 =	vshra.s32 v27, $0x1;
	v27 =	vmul.f32 $5.000000000e-01, v27  }
0x3af: {  	v30 =	vsub.s32 $0x5F3759DF, v30;
	v31 =	vshra.s32 v29, $0x1;
	v29 =	vmul.f32 $5.000000000e-01, v29  }
0x3b0: {  	v62 =	vmul.f32 v30, v27;
	v31 =	vsub.s32 $0x5F3759DF, v31  }
0x3b1: {  	v63 =	vmul.f32 v31, v29  }
0x3b2: {  	v32 =	vmul.f32 v30, v62  }
0x3b3: {  	v33 =	vmul.f32 v31, v63  }
0x3b4: {  	v32 =	vsub.f32 $1.500000000e+00, v32  }
0x3b5: {  	v33 =	vsub.f32 $1.500000000e+00, v33  }
0x3b6: {  	v30 =	vmul.f32 v30, v32  }
0x3b7: {  	v31 =	vmul.f32 v31, v33  }
0x3b8: {  	v32 =	vmul.f32 v30, v27  }
0x3b9: {  	v33 =	vmul.f32 v31, v29  }
0x3ba: {  	v32 =	vmul.f32 v32, v30  }
0x3bb: {  	v33 =	vmul.f32 v33, v31  }
0x3bc: {  	v32 =	vsub.f32 $1.500000000e+00, v32  }
0x3bd: {  	v33 =	vsub.f32 $1.500000000e+00, v33  }
0x3be: {  	v30 =	vmul.f32 v32, v30  }
0x3bf: {  	v31 =	vmul.f32 v33, v31  }
0x3c0: {  	v27 =	vmul.f32 v30, v27  }
0x3c1: {  	v29 =	vmul.f32 v31, v29  }
0x3c2: {  	v27 =	vmul.f32 v27, v30  }
0x3c3: {  	v29 =	vmul.f32 v29, v31  }
0x3c4: {  	v27 =	vsub.f32 $1.500000000e+00, v27  }
0x3c5: {  	v29 =	vsub.f32 $1.500000000e+00, v29  }
0x3c6: {  	v27 =	vmul.f32 v27, v30  }
0x3c7: {  	v29 =	vmul.f32 v29, v31  }
0x3c8: {  	v27 =	vmin.f32 v27, $1.000000000e+06  }
0x3c9: {  	v25 =	vmul.f32 v27, v25;
	v27 =	vmin.f32 v29, $1.000000000e+06  }
0x3ca: {  	s15 =	sadd.s32 $0x1, s15;
	v26 =	vmul.f32 v27, v26  }
0x3cb: {  	p0 =	sne.s32 s15, s7;
	[tilespmem:v54+s23+$0x0] =	vst.idx.msk $0xffff, v25  }
.Ltmp4:
0x3cc: {  	s10 =	simm.s32 $0x8000;
	[tilespmem:v28+s23+$0x0] =	vst.idx.msk $0xffff, v26;
	(pc) =	sbr.rel @p0 .LBB2_1-.Ltmp4, $4  }
0x3cd: {  	[hbm4b:s6+s9] =	stream.strided.scatter [tilespmem:s23], [sflag:$0x3], $0x4000, s10, s9, $0x38;
	[tilespmem:$0x19000] =	vst v63  }
0x3ce: {  	_ =	swait.ge [sflag:s8], $0x4000  }
0x3cf: {  	[sflag:s8] =	ssyncset.done $0x0  }
0x3d0: {  	[sflag:s8] =	ssyncadd.s32 $0xFFFFC000  }
0x3d1: {  	_ =	sfence.sel $0x180000  }
0x3d2: {  	[bflag:$0x0] =	sbarrier.arrive $0xFFFF  }
0x3d3: {  	_ =	strace $0x90000047  }
0x3d4: {  	s0 =	stileid.u32;
	[bflag:$0x2] =	sbarrier.arrive $0xFFFF  }
0x3d5: {  	p0 =	sne.s32 s0, $0x0;
	s0 =	rddreg [dreg:$0x4]  }
0x3d6: {  	s0 =	sadd.s32 @!p0 $0x100000, s0  }
0x3d7: {  	[sflag:s0] =	ssyncadd.tile.s32 @!p0 $0x1;
	_ =	shalt  }
.Lfunc_end2:
_tile_overlayer_lowered:
.L_overlay_start_2:
0x3d8: {  	(tag) =	ssettag $0x2  }
0x3d9: {  	s0 =	rddreg [dreg:$0x0];
	s2 =	stileid.u32  }
0x3da: {  	s1 =	rddreg [dreg:$0x1];
	p0 =	sne.s32 s2, $0x0  }
0x3db: {  	s3 =	rddreg [dreg:$0x2];
	[bflag:$0x3] =	sbarrier.arrive $0xFFFF;
	s2 =	simm.s32 @!p0 $0x1C03  }
0x3dc: {  	[timem:s3], [sflag:s2] =	dma.local @!p0 [hbm:s0], s1  }
0x3dd: {  	s0 =	simm.s32 @!p0 $0x3  }
0x3de: {  	_ =	swait.ge @!p0 [sflag:s0], s1  }
0x3df: {  	s1 =	ssub.s32 @!p0 $0x0, s1;
	[sflag:s0] =	ssyncset.done @!p0 $0x0  }
0x3e0: {  	[sflag:s0] =	ssyncadd.s32 @!p0 s1  }
0x3e1: {  	[bflag:$0x3] =	sbarrier.arrive $0xFFFF  }
0x3e2: {  	_ =	shalt  }

</sc_bundles>
